<compile_context>
chip_gen: v7x
topology: tpu7x:2x2x1
jax: 0.10.2.dev20260603
libtpu: 0.0.44.dev20260713+nightly
codegen_flags: <defaults>
</compile_context>

<pallas_src>
import math

import jax
import jax.numpy as jnp
from jax import lax
from jax.experimental import pallas as pl
from jax.experimental.pallas import tpu as pltpu
from jax.experimental.pallas import tpu_sc as plsc

V = 100000
D = 64
CS = 8
NS = 20
B = 16384
SIGMA = 0.1

NC = 2
NSC = 16
NW = NC * NSC
BPW = B // NW
CHUNK = 16
NCHUNK = BPW // CHUNK
NJ = NS + 1
NDOT = CHUNK * NJ
NGRP = NDOT // 16


def _sc_eta_body(tgt_hbm, ctx_hbm, neg_hbm, rho_hbm, alpha_hbm, out_hbm,
                 tgt_idx, ctx_idx, neg_idx_v, t_rows, a_rows, n_rows,
                 part_t, eta_all, sems):
    wid = lax.axis_index("s") * NC + lax.axis_index("c")
    lanes = lax.iota(jnp.int32, 16)

    pltpu.sync_copy(tgt_hbm.at[pl.ds(wid * BPW, BPW)], tgt_idx)
    pltpu.sync_copy(ctx_hbm.at[pl.ds(wid * BPW * CS, BPW * CS)], ctx_idx)
    pltpu.sync_copy(neg_hbm.at[pl.ds(wid * BPW * NS, BPW * NS)], neg_idx_v)

    def issue(c, s):
        cp_a = pltpu.async_copy(
            alpha_hbm.at[ctx_idx.at[pl.ds(c * CHUNK * CS, CHUNK * CS)]],
            a_rows.at[s], sems.at[s, 0])
        cp_t = pltpu.async_copy(
            rho_hbm.at[tgt_idx.at[pl.ds(c * CHUNK, CHUNK)]],
            t_rows.at[s], sems.at[s, 1])
        cp_n = pltpu.async_copy(
            rho_hbm.at[neg_idx_v.at[pl.ds(c * CHUNK * NS, CHUNK * NS)]],
            n_rows.at[s], sems.at[s, 2])
        return cp_a, cp_t, cp_n

    def wait_set(s):
        pltpu.make_async_copy(
            alpha_hbm.at[ctx_idx.at[pl.ds(0, CHUNK * CS)]],
            a_rows.at[s], sems.at[s, 0]).wait()
        pltpu.make_async_copy(
            rho_hbm.at[tgt_idx.at[pl.ds(0, CHUNK)]],
            t_rows.at[s], sems.at[s, 1]).wait()
        pltpu.make_async_copy(
            rho_hbm.at[neg_idx_v.at[pl.ds(0, CHUNK * NS)]],
            n_rows.at[s], sems.at[s, 2]).wait()

    def compute(c, s):
        def b_body(b, _):
            acc = []
            for h in range(2):
                v = a_rows[s, b * CS + 0, pl.ds(h * 32, 32)]
                for cc in range(1, CS):
                    v = v + a_rows[s, b * CS + cc, pl.ds(h * 32, 32)]
                a0, a1 = plsc.unpack(v, format=plsc.PackFormat.INTERLEAVED)
                acc.append(a0)
                acc.append(a1)

            def dot16(x0, x1, x2, x3):
                return x0 * acc[0] + x1 * acc[1] + x2 * acc[2] + x3 * acc[3]

            def row_dot(row_bf16_halves):
                h0, h1 = row_bf16_halves
                x0, x1 = plsc.unpack(h0, format=plsc.PackFormat.INTERLEAVED)
                x2, x3 = plsc.unpack(h1, format=plsc.PackFormat.INTERLEAVED)
                return dot16(x0, x1, x2, x3)

            dotbase = b * NJ
            p = row_dot([t_rows[s, b, pl.ds(h * 32, 32)] for h in range(2)])
            plsc.store_scatter(part_t, [lanes * NDOT + dotbase], p)
            for j in range(NS):
                q = row_dot([n_rows[s, b * NS + j, pl.ds(h * 32, 32)]
                             for h in range(2)])
                plsc.store_scatter(
                    part_t, [lanes * NDOT + (dotbase + 1 + j)], q)
            return 0

        lax.fori_loop(0, CHUNK, b_body, 0, unroll=False)

        def g_body(g, _):
            v = part_t[pl.ds(g * 16, 16)]
            for r in range(1, 16):
                v = v + part_t[pl.ds(r * NDOT + g * 16, 16)]
            eta_all[pl.ds(c * NDOT + g * 16, 16)] = v
            return 0

        lax.fori_loop(0, NGRP, g_body, 0, unroll=False)

    issue(0, 0)

    def pair_body(pr, _):
        i0 = 2 * pr
        issue(i0 + 1, 1)
        wait_set(0)
        compute(i0, 0)

        @pl.when(i0 + 2 < NCHUNK)
        def _():
            issue(i0 + 2, 0)

        wait_set(1)
        compute(i0 + 1, 1)
        return 0

    lax.fori_loop(0, NCHUNK // 2, pair_body, 0, unroll=False)
    pltpu.sync_copy(eta_all, out_hbm.at[pl.ds(wid * BPW * NJ, BPW * NJ)])


_sc_etas = pl.kernel(
    _sc_eta_body,
    out_type=jax.ShapeDtypeStruct((B * NJ,), jnp.float32),
    mesh=plsc.VectorSubcoreMesh(core_axis_name="c", subcore_axis_name="s",
                                num_cores=NC, num_subcores=NSC),
    compiler_params=pltpu.CompilerParams(needs_layout_passes=False,
                                         use_tc_tiling_on_sc=False),
    scratch_types=[
        pltpu.VMEM((BPW,), jnp.int32),
        pltpu.VMEM((BPW * CS,), jnp.int32),
        pltpu.VMEM((BPW * NS,), jnp.int32),
        pltpu.VMEM((2, CHUNK, D), jnp.bfloat16),
        pltpu.VMEM((2, CHUNK * CS, D), jnp.bfloat16),
        pltpu.VMEM((2, CHUNK * NS, D), jnp.bfloat16),
        pltpu.VMEM((16 * NDOT,), jnp.float32),
        pltpu.VMEM((BPW * NJ,), jnp.float32),
        pltpu.SemaphoreType.DMA((2, 3)),
    ],
)


_PRIOR_CONST = 2.0 * V * D * (-math.log(SIGMA) - 0.5 * math.log(2.0 * math.pi))

PRIOR_COLS = 8192
PRIOR_STEPS = -(-V // PRIOR_COLS)


def _tc_prior_body(rho_t_ref, alpha_t_ref, out_ref, acc_ref):
    step = pl.program_id(0)

    @pl.when(step == 0)
    def _():
        acc_ref[0] = 0.0

    col = step * PRIOR_COLS + lax.broadcasted_iota(
        jnp.int32, (D, PRIOR_COLS), 1)
    mask = col < V
    r = jnp.where(mask, rho_t_ref[...], 0.0)
    a = jnp.where(mask, alpha_t_ref[...], 0.0)
    acc_ref[0] += jnp.sum(r * r) + jnp.sum(a * a)

    @pl.when(step == PRIOR_STEPS - 1)
    def _():
        out_ref[0, 0] = acc_ref[0]


_tc_prior = pl.pallas_call(
    _tc_prior_body,
    grid=(PRIOR_STEPS,),
    in_specs=[
        pl.BlockSpec((D, PRIOR_COLS), lambda i: (0, i)),
        pl.BlockSpec((D, PRIOR_COLS), lambda i: (0, i)),
    ],
    out_specs=pl.BlockSpec(memory_space=pltpu.SMEM),
    out_shape=jax.ShapeDtypeStruct((1, 1), jnp.float32),
    scratch_shapes=[pltpu.SMEM((1,), jnp.float32)],
)


ETA_ROWS = (B * NJ) // 1024


def _tc_logsig_body(eta_ref, out_ref):
    eta = eta_ref[...]
    row = lax.broadcasted_iota(jnp.int32, eta.shape, 0)
    col = lax.broadcasted_iota(jnp.int32, eta.shape, 1)
    flat = row * 1024 + col
    signed = jnp.where(flat % NJ == 0, eta, -eta)
    out_ref[0, 0] = jnp.sum(jax.nn.log_sigmoid(signed))


_tc_logsig = pl.pallas_call(
    _tc_logsig_body,
    out_specs=pl.BlockSpec(memory_space=pltpu.SMEM),
    out_shape=jax.ShapeDtypeStruct((1, 1), jnp.float32),
)


def kernel(targets, contexts, neg_idx, rho, alpha):
    ctx_flat = contexts.reshape(-1)
    neg_flat = neg_idx.reshape(-1)
    eta = _sc_etas(targets, ctx_flat, neg_flat,
                   rho.astype(jnp.bfloat16), alpha.astype(jnp.bfloat16))
    sq = _tc_prior(rho.T, alpha.T)[0, 0]
    ll = _tc_logsig(eta.reshape(ETA_ROWS, 1024))[0, 0]
    return -(ll + (-0.5 / (SIGMA * SIGMA)) * sq + _PRIOR_CONST)

# --- scband reference (transcript-rebuilt; emitter-appended) ---
"""Pipeline reference for scband-hierarchical-bernoulli-embeddings-55259049230915 (READ-ONLY COPY).

The authoritative reference and input builder live on the scoring server;
editing this copy changes nothing except your own understanding.
"""

import jax, jax.numpy as jnp
import numpy as np
import math

V = 100000
D = 64
CS = 8
NS = 20
B = 16384
SIGMA = 0.1


def _normal_logprob(x, sigma):
    # log N(x; 0, sigma) elementwise, matching torch.distributions.Normal.log_prob
    return -0.5 * (x / sigma) ** 2 - jnp.log(sigma) - 0.5 * math.log(2.0 * math.pi)


def setup_inputs(seed: int = 0) -> dict:
    key = jax.random.key(seed)
    k1, k2, k3, k4, k5 = jax.random.split(key, 5)
    targets = jax.random.randint(k1, (B,), 0, V, dtype=jnp.int64 if jax.config.jax_enable_x64 else jnp.int32)
    contexts = jax.random.randint(k2, (B, CS), 0, V, dtype=jnp.int64 if jax.config.jax_enable_x64 else jnp.int32)
    neg_idx = jax.random.randint(k3, (B, NS), 0, V, dtype=jnp.int64 if jax.config.jax_enable_x64 else jnp.int32)
    # Embedding tables initialized as randn * sigma, per init_embeddings
    rho = jax.random.normal(k4, (V, D), dtype=jnp.float32) * SIGMA
    alpha = jax.random.normal(k5, (V, D), dtype=jnp.float32) * SIGMA
    return {"targets": targets, "contexts": contexts, "neg_idx": neg_idx, "rho": rho, "alpha": alpha}


def reference(targets, contexts, neg_idx, rho, alpha):
    # Bernoulli embeddings log-likelihood with negative sampling.
    # Context embedding: sum of alpha vectors over the context window.
    alpha_ctx = jnp.take(alpha, contexts, axis=0).sum(axis=1)            # [B, D]
    # Positive term: target rho dotted with context vector.
    rho_t = jnp.take(rho, targets, axis=0)                                # [B, D]
    eta_pos = jnp.sum(rho_t * alpha_ctx, axis=-1)                         # [B]
    ll_pos = jax.nn.log_sigmoid(eta_pos)                                  # [B]
    # Negative term: sampled negatives against same context vector.
    rho_neg = jnp.take(rho, neg_idx, axis=0)                              # [B, NS, D]
    eta_neg = jnp.einsum("bnd,bd->bn", rho_neg, alpha_ctx)               # [B, NS]
    ll_neg = jax.nn.log_sigmoid(-eta_neg).sum(axis=-1)                    # [B]
    # Gaussian prior on the global embedding matrices.
    lp_prior = _normal_logprob(rho, SIGMA).sum() + _normal_logprob(alpha, SIGMA).sum()
    loss = -(jnp.sum(ll_pos + ll_neg) + lp_prior)
    return loss

if __name__ == "__main__":
    import jax
    _d = setup_inputs()
    print(jax.jit(kernel)(*tuple(_d.values())))

</pallas_src>

<mosaic_0001>
#map = affine_map<(d0, d1) -> (0)>
#map1 = affine_map<(d0, d1) -> (0, 0)>
module attributes {stable_mosaic.version = 14 : i64} {
  func.func @_sc_eta_body(%arg0: i32, %arg1: i32, %arg2: memref<16384xi32, #tpu.memory_space<hbm>>, %arg3: memref<131072xi32, #tpu.memory_space<hbm>>, %arg4: memref<327680xi32, #tpu.memory_space<hbm>>, %arg5: memref<100000x64xbf16, #tpu.memory_space<hbm>>, %arg6: memref<100000x64xbf16, #tpu.memory_space<hbm>>, %arg7: memref<344064xf32, #tpu.memory_space<hbm>>, %arg8: memref<512xi32, #tpu.memory_space<vmem>>, %arg9: memref<4096xi32, #tpu.memory_space<vmem>>, %arg10: memref<10240xi32, #tpu.memory_space<vmem>>, %arg11: memref<2x16x64xbf16, #tpu.memory_space<vmem>>, %arg12: memref<2x128x64xbf16, #tpu.memory_space<vmem>>, %arg13: memref<2x320x64xbf16, #tpu.memory_space<vmem>>, %arg14: memref<5376xf32, #tpu.memory_space<vmem>>, %arg15: memref<10752xf32, #tpu.memory_space<vmem>>, %arg16: memref<2x3x!tpu.dma_semaphore, #tpu.memory_space<semaphore_mem>>) attributes {dimension_semantics = [#tpu.dimension_semantics<core_parallel>, #tpu.dimension_semantics<subcore_parallel>], iteration_bounds = array<i64: 2, 16>, scalar_prefetch = 0 : i64, scratch_operands = 9 : i64, tpu.core_type = #tpu.core_type<sc_vector_subcore>, window_params = [{transform_indices = #map}, {transform_indices = #map}, {transform_indices = #map}, {transform_indices = #map1}, {transform_indices = #map1}, {transform_indices = #map}]} {
    %mul3A = arith.constant 2 : i32
    %mul3A_0 = arith.muli %arg1, %mul3A : i32
    %add3A = arith.addi %mul3A_0, %arg0 : i32
    %iota3A = tpu.iota {dimensions = array<i32: 0>} : vector<16xi32>
    %mul3A_1 = arith.constant 512 : i32
    %mul3A_2 = arith.muli %add3A, %mul3A_1 : i32
    "tpu.region"() ({
      %run_scoped3A = tpu.sem_alloc : memref<!tpu.dma_semaphore, #tpu.memory_space<semaphore_mem>>
      %dma_start3A_62 = tpu.memref_slice %arg2[%mul3A_2] : memref<16384xi32, #tpu.memory_space<hbm>> -> memref<512xi32, #tpu.memory_space<hbm>>
      %dma_start3A_63 = tpu.memref_slice %arg2[%mul3A_2] : memref<16384xi32, #tpu.memory_space<hbm>> -> memref<512xi32, #tpu.memory_space<hbm>>
      tpu.enqueue_dma source(%dma_start3A_63 : memref<512xi32, #tpu.memory_space<hbm>>) target(%arg8 : memref<512xi32, #tpu.memory_space<vmem>>) target_semaphore(%run_scoped3A : memref<!tpu.dma_semaphore, #tpu.memory_space<semaphore_mem>>)
      %dma_wait3A = tpu.memref_slice %arg2[%mul3A_2] : memref<16384xi32, #tpu.memory_space<hbm>> -> memref<512xi32, #tpu.memory_space<hbm>>
      %dma_wait3A_64 = tpu.memref_slice %arg2[%mul3A_2] : memref<16384xi32, #tpu.memory_space<hbm>> -> memref<512xi32, #tpu.memory_space<hbm>>
      tpu.wait_dma2 semaphore(%run_scoped3A : memref<!tpu.dma_semaphore, #tpu.memory_space<semaphore_mem>>) src(%dma_wait3A_64 : memref<512xi32, #tpu.memory_space<hbm>>) dst(%arg8 : memref<512xi32, #tpu.memory_space<vmem>>)
      tpu.yield
    }) : () -> ()
    %mul3A_3 = arith.constant 512 : i32
    %mul3A_4 = arith.muli %add3A, %mul3A_3 : i32
    %mul3A_5 = arith.constant 8 : i32
    %mul3A_6 = arith.muli %mul3A_4, %mul3A_5 : i32
    "tpu.region"() ({
      %run_scoped3A = tpu.sem_alloc : memref<!tpu.dma_semaphore, #tpu.memory_space<semaphore_mem>>
      %dma_start3A_62 = tpu.memref_slice %arg3[%mul3A_6] : memref<131072xi32, #tpu.memory_space<hbm>> -> memref<4096xi32, #tpu.memory_space<hbm>>
      %dma_start3A_63 = tpu.memref_slice %arg3[%mul3A_6] : memref<131072xi32, #tpu.memory_space<hbm>> -> memref<4096xi32, #tpu.memory_space<hbm>>
      tpu.enqueue_dma source(%dma_start3A_63 : memref<4096xi32, #tpu.memory_space<hbm>>) target(%arg9 : memref<4096xi32, #tpu.memory_space<vmem>>) target_semaphore(%run_scoped3A : memref<!tpu.dma_semaphore, #tpu.memory_space<semaphore_mem>>)
      %dma_wait3A = tpu.memref_slice %arg3[%mul3A_6] : memref<131072xi32, #tpu.memory_space<hbm>> -> memref<4096xi32, #tpu.memory_space<hbm>>
      %dma_wait3A_64 = tpu.memref_slice %arg3[%mul3A_6] : memref<131072xi32, #tpu.memory_space<hbm>> -> memref<4096xi32, #tpu.memory_space<hbm>>
      tpu.wait_dma2 semaphore(%run_scoped3A : memref<!tpu.dma_semaphore, #tpu.memory_space<semaphore_mem>>) src(%dma_wait3A_64 : memref<4096xi32, #tpu.memory_space<hbm>>) dst(%arg9 : memref<4096xi32, #tpu.memory_space<vmem>>)
      tpu.yield
    }) : () -> ()
    %mul3A_7 = arith.constant 512 : i32
    %mul3A_8 = arith.muli %add3A, %mul3A_7 : i32
    %mul3A_9 = arith.constant 20 : i32
    %mul3A_10 = arith.muli %mul3A_8, %mul3A_9 : i32
    "tpu.region"() ({
      %run_scoped3A = tpu.sem_alloc : memref<!tpu.dma_semaphore, #tpu.memory_space<semaphore_mem>>
      %dma_start3A_62 = tpu.memref_slice %arg4[%mul3A_10] : memref<327680xi32, #tpu.memory_space<hbm>> -> memref<10240xi32, #tpu.memory_space<hbm>>
      %dma_start3A_63 = tpu.memref_slice %arg4[%mul3A_10] : memref<327680xi32, #tpu.memory_space<hbm>> -> memref<10240xi32, #tpu.memory_space<hbm>>
      tpu.enqueue_dma source(%dma_start3A_63 : memref<10240xi32, #tpu.memory_space<hbm>>) target(%arg10 : memref<10240xi32, #tpu.memory_space<vmem>>) target_semaphore(%run_scoped3A : memref<!tpu.dma_semaphore, #tpu.memory_space<semaphore_mem>>)
      %dma_wait3A = tpu.memref_slice %arg4[%mul3A_10] : memref<327680xi32, #tpu.memory_space<hbm>> -> memref<10240xi32, #tpu.memory_space<hbm>>
      %dma_wait3A_64 = tpu.memref_slice %arg4[%mul3A_10] : memref<327680xi32, #tpu.memory_space<hbm>> -> memref<10240xi32, #tpu.memory_space<hbm>>
      tpu.wait_dma2 semaphore(%run_scoped3A : memref<!tpu.dma_semaphore, #tpu.memory_space<semaphore_mem>>) src(%dma_wait3A_64 : memref<10240xi32, #tpu.memory_space<hbm>>) dst(%arg10 : memref<10240xi32, #tpu.memory_space<vmem>>)
      tpu.yield
    }) : () -> ()
    %dma_start3A = arith.constant 0 : i32
    %dma_start3A_11 = arith.constant 0 : i32
    %dma_start3A_12 = arith.constant 0 : i32
    %dma_start3A_13 = arith.constant 0 : i32
    %dma_start3A_14 = arith.constant 0 : i32
    %dma_start3A_15 = tpu.memref_slice %arg12[%dma_start3A, %dma_start3A_13, %dma_start3A_14] : memref<2x128x64xbf16, #tpu.memory_space<vmem>> -> memref<1x128x64xbf16, #tpu.memory_space<vmem>>
    %dma_start3A_16 = tpu.memref_squeeze %dma_start3A_15 : memref<1x128x64xbf16, #tpu.memory_space<vmem>> -> memref<128x64xbf16, #tpu.memory_space<vmem>>
    %dma_start3A_17 = arith.constant 0 : i32
    %dma_start3A_18 = tpu.memref_slice %arg9[%dma_start3A_17] : memref<4096xi32, #tpu.memory_space<vmem>> -> memref<128xi32, #tpu.memory_space<vmem>>
    %dma_start3A_19 = arith.constant 0 : i32
    %dma_start3A_20 = arith.constant 0 : i32
    %dma_start3A_21 = tpu.memref_slice %arg6[%dma_start3A_19, %dma_start3A_20] : memref<100000x64xbf16, #tpu.memory_space<hbm>> -> memref<100000x64xbf16, #tpu.memory_space<hbm>>
    %dma_start3A_22 = tpu.memref_slice %arg16[%dma_start3A_11, %dma_start3A_12] : memref<2x3x!tpu.dma_semaphore, #tpu.memory_space<semaphore_mem>> -> memref<1x1x!tpu.dma_semaphore, #tpu.memory_space<semaphore_mem>>
    %dma_start3A_23 = tpu.memref_squeeze %dma_start3A_22 : memref<1x1x!tpu.dma_semaphore, #tpu.memory_space<semaphore_mem>> -> memref<!tpu.dma_semaphore, #tpu.memory_space<semaphore_mem>>
    tpu.enqueue_indirect_dma source(%dma_start3A_21 : memref<100000x64xbf16, #tpu.memory_space<hbm>>) target(%dma_start3A_16 : memref<128x64xbf16, #tpu.memory_space<vmem>>) offsets(%dma_start3A_18 : memref<128xi32, #tpu.memory_space<vmem>>) semaphore(%dma_start3A_23 : memref<!tpu.dma_semaphore, #tpu.memory_space<semaphore_mem>>)
    %dma_start3A_24 = arith.constant 0 : i32
    %dma_start3A_25 = arith.constant 0 : i32
    %dma_start3A_26 = arith.constant 1 : i32
    %dma_start3A_27 = arith.constant 0 : i32
    %dma_start3A_28 = arith.constant 0 : i32
    %dma_start3A_29 = tpu.memref_slice %arg11[%dma_start3A_24, %dma_start3A_27, %dma_start3A_28] : memref<2x16x64xbf16, #tpu.memory_space<vmem>> -> memref<1x16x64xbf16, #tpu.memory_space<vmem>>
    %dma_start3A_30 = tpu.memref_squeeze %dma_start3A_29 : memref<1x16x64xbf16, #tpu.memory_space<vmem>> -> memref<16x64xbf16, #tpu.memory_space<vmem>>
    %dma_start3A_31 = arith.constant 0 : i32
    %dma_start3A_32 = tpu.memref_slice %arg8[%dma_start3A_31] : memref<512xi32, #tpu.memory_space<vmem>> -> memref<16xi32, #tpu.memory_space<vmem>>
    %dma_start3A_33 = arith.constant 0 : i32
    %dma_start3A_34 = arith.constant 0 : i32
    %dma_start3A_35 = tpu.memref_slice %arg5[%dma_start3A_33, %dma_start3A_34] : memref<100000x64xbf16, #tpu.memory_space<hbm>> -> memref<100000x64xbf16, #tpu.memory_space<hbm>>
    %dma_start3A_36 = tpu.memref_slice %arg16[%dma_start3A_25, %dma_start3A_26] : memref<2x3x!tpu.dma_semaphore, #tpu.memory_space<semaphore_mem>> -> memref<1x1x!tpu.dma_semaphore, #tpu.memory_space<semaphore_mem>>
    %dma_start3A_37 = tpu.memref_squeeze %dma_start3A_36 : memref<1x1x!tpu.dma_semaphore, #tpu.memory_space<semaphore_mem>> -> memref<!tpu.dma_semaphore, #tpu.memory_space<semaphore_mem>>
    tpu.enqueue_indirect_dma source(%dma_start3A_35 : memref<100000x64xbf16, #tpu.memory_space<hbm>>) target(%dma_start3A_30 : memref<16x64xbf16, #tpu.memory_space<vmem>>) offsets(%dma_start3A_32 : memref<16xi32, #tpu.memory_space<vmem>>) semaphore(%dma_start3A_37 : memref<!tpu.dma_semaphore, #tpu.memory_space<semaphore_mem>>)
    %dma_start3A_38 = arith.constant 0 : i32
    %dma_start3A_39 = arith.constant 0 : i32
    %dma_start3A_40 = arith.constant 2 : i32
    %dma_start3A_41 = arith.constant 0 : i32
    %dma_start3A_42 = arith.constant 0 : i32
    %dma_start3A_43 = tpu.memref_slice %arg13[%dma_start3A_38, %dma_start3A_41, %dma_start3A_42] : memref<2x320x64xbf16, #tpu.memory_space<vmem>> -> memref<1x320x64xbf16, #tpu.memory_space<vmem>>
    %dma_start3A_44 = tpu.memref_squeeze %dma_start3A_43 : memref<1x320x64xbf16, #tpu.memory_space<vmem>> -> memref<320x64xbf16, #tpu.memory_space<vmem>>
    %dma_start3A_45 = arith.constant 0 : i32
    %dma_start3A_46 = tpu.memref_slice %arg10[%dma_start3A_45] : memref<10240xi32, #tpu.memory_space<vmem>> -> memref<320xi32, #tpu.memory_space<vmem>>
    %dma_start3A_47 = arith.constant 0 : i32
    %dma_start3A_48 = arith.constant 0 : i32
    %dma_start3A_49 = tpu.memref_slice %arg5[%dma_start3A_47, %dma_start3A_48] : memref<100000x64xbf16, #tpu.memory_space<hbm>> -> memref<100000x64xbf16, #tpu.memory_space<hbm>>
    %dma_start3A_50 = tpu.memref_slice %arg16[%dma_start3A_39, %dma_start3A_40] : memref<2x3x!tpu.dma_semaphore, #tpu.memory_space<semaphore_mem>> -> memref<1x1x!tpu.dma_semaphore, #tpu.memory_space<semaphore_mem>>
    %dma_start3A_51 = tpu.memref_squeeze %dma_start3A_50 : memref<1x1x!tpu.dma_semaphore, #tpu.memory_space<semaphore_mem>> -> memref<!tpu.dma_semaphore, #tpu.memory_space<semaphore_mem>>
    tpu.enqueue_indirect_dma source(%dma_start3A_49 : memref<100000x64xbf16, #tpu.memory_space<hbm>>) target(%dma_start3A_44 : memref<320x64xbf16, #tpu.memory_space<vmem>>) offsets(%dma_start3A_46 : memref<320xi32, #tpu.memory_space<vmem>>) semaphore(%dma_start3A_51 : memref<!tpu.dma_semaphore, #tpu.memory_space<semaphore_mem>>)
    %scan3A = arith.constant 0 : i32
    %scan3A_52 = arith.constant 0 : i32
    %scan3A_53 = arith.constant 16 : i32
    %scan3A_54 = arith.addi %scan3A_52, %scan3A_53 : i32
    %scan3A_55 = arith.constant 1 : i32
    %scan3A_56 = scf.for %scan3A_62 = %scan3A_52 to %scan3A_54 step %scan3A_55 iter_args(%scan3A_63 = %scan3A) -> (i32)  : i32 {
      %mul3A_64 = arith.constant 2 : i32
      %mul3A_65 = arith.muli %mul3A_64, %scan3A_62 : i32
      %add3A_66 = arith.constant 1 : i32
      %add3A_67 = arith.addi %mul3A_65, %add3A_66 : i32
      %mul3A_68 = arith.constant 16 : i32
      %mul3A_69 = arith.muli %add3A_67, %mul3A_68 : i32
      %mul3A_70 = arith.constant 8 : i32
      %mul3A_71 = arith.muli %mul3A_69, %mul3A_70 : i32
      %dma_start3A_72 = arith.constant 1 : i32
      %dma_start3A_73 = arith.constant 1 : i32
      %dma_start3A_74 = arith.constant 0 : i32
      %dma_start3A_75 = arith.constant 0 : i32
      %dma_start3A_76 = arith.constant 0 : i32
      %dma_start3A_77 = tpu.memref_slice %arg12[%dma_start3A_72, %dma_start3A_75, %dma_start3A_76] : memref<2x128x64xbf16, #tpu.memory_space<vmem>> -> memref<1x128x64xbf16, #tpu.memory_space<vmem>>
      %dma_start3A_78 = tpu.memref_squeeze %dma_start3A_77 : memref<1x128x64xbf16, #tpu.memory_space<vmem>> -> memref<128x64xbf16, #tpu.memory_space<vmem>>
      %dma_start3A_79 = tpu.memref_slice %arg9[%mul3A_71] : memref<4096xi32, #tpu.memory_space<vmem>> -> memref<128xi32, #tpu.memory_space<vmem>>
      %dma_start3A_80 = arith.constant 0 : i32
      %dma_start3A_81 = arith.constant 0 : i32
      %dma_start3A_82 = tpu.memref_slice %arg6[%dma_start3A_80, %dma_start3A_81] : memref<100000x64xbf16, #tpu.memory_space<hbm>> -> memref<100000x64xbf16, #tpu.memory_space<hbm>>
      %dma_start3A_83 = tpu.memref_slice %arg16[%dma_start3A_73, %dma_start3A_74] : memref<2x3x!tpu.dma_semaphore, #tpu.memory_space<semaphore_mem>> -> memref<1x1x!tpu.dma_semaphore, #tpu.memory_space<semaphore_mem>>
      %dma_start3A_84 = tpu.memref_squeeze %dma_start3A_83 : memref<1x1x!tpu.dma_semaphore, #tpu.memory_space<semaphore_mem>> -> memref<!tpu.dma_semaphore, #tpu.memory_space<semaphore_mem>>
      tpu.enqueue_indirect_dma source(%dma_start3A_82 : memref<100000x64xbf16, #tpu.memory_space<hbm>>) target(%dma_start3A_78 : memref<128x64xbf16, #tpu.memory_space<vmem>>) offsets(%dma_start3A_79 : memref<128xi32, #tpu.memory_space<vmem>>) semaphore(%dma_start3A_84 : memref<!tpu.dma_semaphore, #tpu.memory_space<semaphore_mem>>)
      %mul3A_85 = arith.constant 16 : i32
      %mul3A_86 = arith.muli %add3A_67, %mul3A_85 : i32
      %dma_start3A_87 = arith.constant 1 : i32
      %dma_start3A_88 = arith.constant 1 : i32
      %dma_start3A_89 = arith.constant 1 : i32
      %dma_start3A_90 = arith.constant 0 : i32
      %dma_start3A_91 = arith.constant 0 : i32
      %dma_start3A_92 = tpu.memref_slice %arg11[%dma_start3A_87, %dma_start3A_90, %dma_start3A_91] : memref<2x16x64xbf16, #tpu.memory_space<vmem>> -> memref<1x16x64xbf16, #tpu.memory_space<vmem>>
      %dma_start3A_93 = tpu.memref_squeeze %dma_start3A_92 : memref<1x16x64xbf16, #tpu.memory_space<vmem>> -> memref<16x64xbf16, #tpu.memory_space<vmem>>
      %dma_start3A_94 = tpu.memref_slice %arg8[%mul3A_86] : memref<512xi32, #tpu.memory_space<vmem>> -> memref<16xi32, #tpu.memory_space<vmem>>
      %dma_start3A_95 = arith.constant 0 : i32
      %dma_start3A_96 = arith.constant 0 : i32
      %dma_start3A_97 = tpu.memref_slice %arg5[%dma_start3A_95, %dma_start3A_96] : memref<100000x64xbf16, #tpu.memory_space<hbm>> -> memref<100000x64xbf16, #tpu.memory_space<hbm>>
      %dma_start3A_98 = tpu.memref_slice %arg16[%dma_start3A_88, %dma_start3A_89] : memref<2x3x!tpu.dma_semaphore, #tpu.memory_space<semaphore_mem>> -> memref<1x1x!tpu.dma_semaphore, #tpu.memory_space<semaphore_mem>>
      %dma_start3A_99 = tpu.memref_squeeze %dma_start3A_98 : memref<1x1x!tpu.dma_semaphore, #tpu.memory_space<semaphore_mem>> -> memref<!tpu.dma_semaphore, #tpu.memory_space<semaphore_mem>>
      tpu.enqueue_indirect_dma source(%dma_start3A_97 : memref<100000x64xbf16, #tpu.memory_space<hbm>>) target(%dma_start3A_93 : memref<16x64xbf16, #tpu.memory_space<vmem>>) offsets(%dma_start3A_94 : memref<16xi32, #tpu.memory_space<vmem>>) semaphore(%dma_start3A_99 : memref<!tpu.dma_semaphore, #tpu.memory_space<semaphore_mem>>)
      %mul3A_100 = arith.constant 16 : i32
      %mul3A_101 = arith.muli %add3A_67, %mul3A_100 : i32
      %mul3A_102 = arith.constant 20 : i32
      %mul3A_103 = arith.muli %mul3A_101, %mul3A_102 : i32
      %dma_start3A_104 = arith.constant 1 : i32
      %dma_start3A_105 = arith.constant 1 : i32
      %dma_start3A_106 = arith.constant 2 : i32
      %dma_start3A_107 = arith.constant 0 : i32
      %dma_start3A_108 = arith.constant 0 : i32
      %dma_start3A_109 = tpu.memref_slice %arg13[%dma_start3A_104, %dma_start3A_107, %dma_start3A_108] : memref<2x320x64xbf16, #tpu.memory_space<vmem>> -> memref<1x320x64xbf16, #tpu.memory_space<vmem>>
      %dma_start3A_110 = tpu.memref_squeeze %dma_start3A_109 : memref<1x320x64xbf16, #tpu.memory_space<vmem>> -> memref<320x64xbf16, #tpu.memory_space<vmem>>
      %dma_start3A_111 = tpu.memref_slice %arg10[%mul3A_103] : memref<10240xi32, #tpu.memory_space<vmem>> -> memref<320xi32, #tpu.memory_space<vmem>>
      %dma_start3A_112 = arith.constant 0 : i32
      %dma_start3A_113 = arith.constant 0 : i32
      %dma_start3A_114 = tpu.memref_slice %arg5[%dma_start3A_112, %dma_start3A_113] : memref<100000x64xbf16, #tpu.memory_space<hbm>> -> memref<100000x64xbf16, #tpu.memory_space<hbm>>
      %dma_start3A_115 = tpu.memref_slice %arg16[%dma_start3A_105, %dma_start3A_106] : memref<2x3x!tpu.dma_semaphore, #tpu.memory_space<semaphore_mem>> -> memref<1x1x!tpu.dma_semaphore, #tpu.memory_space<semaphore_mem>>
      %dma_start3A_116 = tpu.memref_squeeze %dma_start3A_115 : memref<1x1x!tpu.dma_semaphore, #tpu.memory_space<semaphore_mem>> -> memref<!tpu.dma_semaphore, #tpu.memory_space<semaphore_mem>>
      tpu.enqueue_indirect_dma source(%dma_start3A_114 : memref<100000x64xbf16, #tpu.memory_space<hbm>>) target(%dma_start3A_110 : memref<320x64xbf16, #tpu.memory_space<vmem>>) offsets(%dma_start3A_111 : memref<320xi32, #tpu.memory_space<vmem>>) semaphore(%dma_start3A_116 : memref<!tpu.dma_semaphore, #tpu.memory_space<semaphore_mem>>)
      %dma_wait3A = arith.constant 0 : i32
      %dma_wait3A_117 = arith.constant 0 : i32
      %dma_wait3A_118 = arith.constant 0 : i32
      %dma_wait3A_119 = arith.constant 0 : i32
      %dma_wait3A_120 = arith.constant 0 : i32
      %dma_wait3A_121 = tpu.memref_slice %arg12[%dma_wait3A, %dma_wait3A_119, %dma_wait3A_120] : memref<2x128x64xbf16, #tpu.memory_space<vmem>> -> memref<1x128x64xbf16, #tpu.memory_space<vmem>>
      %dma_wait3A_122 = tpu.memref_squeeze %dma_wait3A_121 : memref<1x128x64xbf16, #tpu.memory_space<vmem>> -> memref<128x64xbf16, #tpu.memory_space<vmem>>
      %dma_wait3A_123 = arith.constant 0 : i32
      %dma_wait3A_124 = tpu.memref_slice %arg9[%dma_wait3A_123] : memref<4096xi32, #tpu.memory_space<vmem>> -> memref<128xi32, #tpu.memory_space<vmem>>
      %dma_wait3A_125 = arith.constant 0 : i32
      %dma_wait3A_126 = arith.constant 0 : i32
      %dma_wait3A_127 = tpu.memref_slice %arg6[%dma_wait3A_125, %dma_wait3A_126] : memref<100000x64xbf16, #tpu.memory_space<hbm>> -> memref<100000x64xbf16, #tpu.memory_space<hbm>>
      %dma_wait3A_128 = tpu.memref_slice %arg16[%dma_wait3A_117, %dma_wait3A_118] : memref<2x3x!tpu.dma_semaphore, #tpu.memory_space<semaphore_mem>> -> memref<1x1x!tpu.dma_semaphore, #tpu.memory_space<semaphore_mem>>
      %dma_wait3A_129 = tpu.memref_squeeze %dma_wait3A_128 : memref<1x1x!tpu.dma_semaphore, #tpu.memory_space<semaphore_mem>> -> memref<!tpu.dma_semaphore, #tpu.memory_space<semaphore_mem>>
      tpu.wait_indirect_dma semaphore(%dma_wait3A_129 : memref<!tpu.dma_semaphore, #tpu.memory_space<semaphore_mem>>) src(%dma_wait3A_127 : memref<100000x64xbf16, #tpu.memory_space<hbm>>) dst(%dma_wait3A_122 : memref<128x64xbf16, #tpu.memory_space<vmem>>)
      %dma_wait3A_130 = arith.constant 0 : i32
      %dma_wait3A_131 = arith.constant 0 : i32
      %dma_wait3A_132 = arith.constant 1 : i32
      %dma_wait3A_133 = arith.constant 0 : i32
      %dma_wait3A_134 = arith.constant 0 : i32
      %dma_wait3A_135 = tpu.memref_slice %arg11[%dma_wait3A_130, %dma_wait3A_133, %dma_wait3A_134] : memref<2x16x64xbf16, #tpu.memory_space<vmem>> -> memref<1x16x64xbf16, #tpu.memory_space<vmem>>
      %dma_wait3A_136 = tpu.memref_squeeze %dma_wait3A_135 : memref<1x16x64xbf16, #tpu.memory_space<vmem>> -> memref<16x64xbf16, #tpu.memory_space<vmem>>
      %dma_wait3A_137 = arith.constant 0 : i32
      %dma_wait3A_138 = tpu.memref_slice %arg8[%dma_wait3A_137] : memref<512xi32, #tpu.memory_space<vmem>> -> memref<16xi32, #tpu.memory_space<vmem>>
      %dma_wait3A_139 = arith.constant 0 : i32
      %dma_wait3A_140 = arith.constant 0 : i32
      %dma_wait3A_141 = tpu.memref_slice %arg5[%dma_wait3A_139, %dma_wait3A_140] : memref<100000x64xbf16, #tpu.memory_space<hbm>> -> memref<100000x64xbf16, #tpu.memory_space<hbm>>
      %dma_wait3A_142 = tpu.memref_slice %arg16[%dma_wait3A_131, %dma_wait3A_132] : memref<2x3x!tpu.dma_semaphore, #tpu.memory_space<semaphore_mem>> -> memref<1x1x!tpu.dma_semaphore, #tpu.memory_space<semaphore_mem>>
      %dma_wait3A_143 = tpu.memref_squeeze %dma_wait3A_142 : memref<1x1x!tpu.dma_semaphore, #tpu.memory_space<semaphore_mem>> -> memref<!tpu.dma_semaphore, #tpu.memory_space<semaphore_mem>>
      tpu.wait_indirect_dma semaphore(%dma_wait3A_143 : memref<!tpu.dma_semaphore, #tpu.memory_space<semaphore_mem>>) src(%dma_wait3A_141 : memref<100000x64xbf16, #tpu.memory_space<hbm>>) dst(%dma_wait3A_136 : memref<16x64xbf16, #tpu.memory_space<vmem>>)
      %dma_wait3A_144 = arith.constant 0 : i32
      %dma_wait3A_145 = arith.constant 0 : i32
      %dma_wait3A_146 = arith.constant 2 : i32
      %dma_wait3A_147 = arith.constant 0 : i32
      %dma_wait3A_148 = arith.constant 0 : i32
      %dma_wait3A_149 = tpu.memref_slice %arg13[%dma_wait3A_144, %dma_wait3A_147, %dma_wait3A_148] : memref<2x320x64xbf16, #tpu.memory_space<vmem>> -> memref<1x320x64xbf16, #tpu.memory_space<vmem>>
      %dma_wait3A_150 = tpu.memref_squeeze %dma_wait3A_149 : memref<1x320x64xbf16, #tpu.memory_space<vmem>> -> memref<320x64xbf16, #tpu.memory_space<vmem>>
      %dma_wait3A_151 = arith.constant 0 : i32
      %dma_wait3A_152 = tpu.memref_slice %arg10[%dma_wait3A_151] : memref<10240xi32, #tpu.memory_space<vmem>> -> memref<320xi32, #tpu.memory_space<vmem>>
      %dma_wait3A_153 = arith.constant 0 : i32
      %dma_wait3A_154 = arith.constant 0 : i32
      %dma_wait3A_155 = tpu.memref_slice %arg5[%dma_wait3A_153, %dma_wait3A_154] : memref<100000x64xbf16, #tpu.memory_space<hbm>> -> memref<100000x64xbf16, #tpu.memory_space<hbm>>
      %dma_wait3A_156 = tpu.memref_slice %arg16[%dma_wait3A_145, %dma_wait3A_146] : memref<2x3x!tpu.dma_semaphore, #tpu.memory_space<semaphore_mem>> -> memref<1x1x!tpu.dma_semaphore, #tpu.memory_space<semaphore_mem>>
      %dma_wait3A_157 = tpu.memref_squeeze %dma_wait3A_156 : memref<1x1x!tpu.dma_semaphore, #tpu.memory_space<semaphore_mem>> -> memref<!tpu.dma_semaphore, #tpu.memory_space<semaphore_mem>>
      tpu.wait_indirect_dma semaphore(%dma_wait3A_157 : memref<!tpu.dma_semaphore, #tpu.memory_space<semaphore_mem>>) src(%dma_wait3A_155 : memref<100000x64xbf16, #tpu.memory_space<hbm>>) dst(%dma_wait3A_150 : memref<320x64xbf16, #tpu.memory_space<vmem>>)
      %scan3A_158 = arith.constant 0 : i32
      %scan3A_159 = arith.constant 0 : i32
      %scan3A_160 = arith.constant 16 : i32
      %scan3A_161 = arith.addi %scan3A_159, %scan3A_160 : i32
      %scan3A_162 = arith.constant 1 : i32
      %scan3A_163 = scf.for %scan3A_235 = %scan3A_159 to %scan3A_161 step %scan3A_162 iter_args(%scan3A_236 = %scan3A_158) -> (i32)  : i32 {
        %mul3A_237 = arith.constant 8 : i32
        %mul3A_238 = arith.muli %scan3A_235, %mul3A_237 : i32
        %add3A_239 = arith.constant 0 : i32
        %add3A_240 = arith.addi %mul3A_238, %add3A_239 : i32
        %get3A = arith.constant 0 : i32
        %get3A_241 = arith.index_cast %get3A : i32 to index
        %get3A_242 = arith.index_cast %add3A_240 : i32 to index
        %get3A_243 = arith.constant 0 : index
        %get3A_244 = tpu.vector_load %arg12[%get3A_241, %get3A_242, %get3A_243] {strides = array<i32>} : memref<2x128x64xbf16, #tpu.memory_space<vmem>>, vector<32xbf16>,
        %mul3A_245 = arith.constant 8 : i32
        %mul3A_246 = arith.muli %scan3A_235, %mul3A_245 : i32
        %add3A_247 = arith.constant 1 : i32
        %add3A_248 = arith.addi %mul3A_246, %add3A_247 : i32
        %get3A_249 = arith.constant 0 : i32
        %get3A_250 = arith.index_cast %get3A_249 : i32 to index
        %get3A_251 = arith.index_cast %add3A_248 : i32 to index
        %get3A_252 = arith.constant 0 : index
        %get3A_253 = tpu.vector_load %arg12[%get3A_250, %get3A_251, %get3A_252] {strides = array<i32>} : memref<2x128x64xbf16, #tpu.memory_space<vmem>>, vector<32xbf16>,
        %add3A_254 = arith.addf %get3A_244, %get3A_253 : vector<32xbf16>
        %mul3A_255 = arith.constant 8 : i32
        %mul3A_256 = arith.muli %scan3A_235, %mul3A_255 : i32
        %add3A_257 = arith.constant 2 : i32
        %add3A_258 = arith.addi %mul3A_256, %add3A_257 : i32
        %get3A_259 = arith.constant 0 : i32
        %get3A_260 = arith.index_cast %get3A_259 : i32 to index
        %get3A_261 = arith.index_cast %add3A_258 : i32 to index
        %get3A_262 = arith.constant 0 : index
        %get3A_263 = tpu.vector_load %arg12[%get3A_260, %get3A_261, %get3A_262] {strides = array<i32>} : memref<2x128x64xbf16, #tpu.memory_space<vmem>>, vector<32xbf16>,
        %add3A_264 = arith.addf %add3A_254, %get3A_263 : vector<32xbf16>
        %mul3A_265 = arith.constant 8 : i32
        %mul3A_266 = arith.muli %scan3A_235, %mul3A_265 : i32
        %add3A_267 = arith.constant 3 : i32
        %add3A_268 = arith.addi %mul3A_266, %add3A_267 : i32
        %get3A_269 = arith.constant 0 : i32
        %get3A_270 = arith.index_cast %get3A_269 : i32 to index
        %get3A_271 = arith.index_cast %add3A_268 : i32 to index
        %get3A_272 = arith.constant 0 : index
        %get3A_273 = tpu.vector_load %arg12[%get3A_270, %get3A_271, %get3A_272] {strides = array<i32>} : memref<2x128x64xbf16, #tpu.memory_space<vmem>>, vector<32xbf16>,
        %add3A_274 = arith.addf %add3A_264, %get3A_273 : vector<32xbf16>
        %mul3A_275 = arith.constant 8 : i32
        %mul3A_276 = arith.muli %scan3A_235, %mul3A_275 : i32
        %add3A_277 = arith.constant 4 : i32
        %add3A_278 = arith.addi %mul3A_276, %add3A_277 : i32
        %get3A_279 = arith.constant 0 : i32
        %get3A_280 = arith.index_cast %get3A_279 : i32 to index
        %get3A_281 = arith.index_cast %add3A_278 : i32 to index
        %get3A_282 = arith.constant 0 : index
        %get3A_283 = tpu.vector_load %arg12[%get3A_280, %get3A_281, %get3A_282] {strides = array<i32>} : memref<2x128x64xbf16, #tpu.memory_space<vmem>>, vector<32xbf16>,
        %add3A_284 = arith.addf %add3A_274, %get3A_283 : vector<32xbf16>
        %mul3A_285 = arith.constant 8 : i32
        %mul3A_286 = arith.muli %scan3A_235, %mul3A_285 : i32
        %add3A_287 = arith.constant 5 : i32
        %add3A_288 = arith.addi %mul3A_286, %add3A_287 : i32
        %get3A_289 = arith.constant 0 : i32
        %get3A_290 = arith.index_cast %get3A_289 : i32 to index
        %get3A_291 = arith.index_cast %add3A_288 : i32 to index
        %get3A_292 = arith.constant 0 : index
        %get3A_293 = tpu.vector_load %arg12[%get3A_290, %get3A_291, %get3A_292] {strides = array<i32>} : memref<2x128x64xbf16, #tpu.memory_space<vmem>>, vector<32xbf16>,
        %add3A_294 = arith.addf %add3A_284, %get3A_293 : vector<32xbf16>
        %mul3A_295 = arith.constant 8 : i32
        %mul3A_296 = arith.muli %scan3A_235, %mul3A_295 : i32
        %add3A_297 = arith.constant 6 : i32
        %add3A_298 = arith.addi %mul3A_296, %add3A_297 : i32
        %get3A_299 = arith.constant 0 : i32
        %get3A_300 = arith.index_cast %get3A_299 : i32 to index
        %get3A_301 = arith.index_cast %add3A_298 : i32 to index
        %get3A_302 = arith.constant 0 : index
        %get3A_303 = tpu.vector_load %arg12[%get3A_300, %get3A_301, %get3A_302] {strides = array<i32>} : memref<2x128x64xbf16, #tpu.memory_space<vmem>>, vector<32xbf16>,
        %add3A_304 = arith.addf %add3A_294, %get3A_303 : vector<32xbf16>
        %mul3A_305 = arith.constant 8 : i32
        %mul3A_306 = arith.muli %scan3A_235, %mul3A_305 : i32
        %add3A_307 = arith.constant 7 : i32
        %add3A_308 = arith.addi %mul3A_306, %add3A_307 : i32
        %get3A_309 = arith.constant 0 : i32
        %get3A_310 = arith.index_cast %get3A_309 : i32 to index
        %get3A_311 = arith.index_cast %add3A_308 : i32 to index
        %get3A_312 = arith.constant 0 : index
        %get3A_313 = tpu.vector_load %arg12[%get3A_310, %get3A_311, %get3A_312] {strides = array<i32>} : memref<2x128x64xbf16, #tpu.memory_space<vmem>>, vector<32xbf16>,
        %add3A_314 = arith.addf %add3A_304, %get3A_313 : vector<32xbf16>
        %unpack3A = tpu.unpack_subelements %add3A_314, 0 {pack_format = #tpu.pack_format<interleaved>} : vector<32xbf16> -> vector<16xf32>
        %unpack3A_315 = tpu.unpack_subelements %add3A_314, 1 {pack_format = #tpu.pack_format<interleaved>} : vector<32xbf16> -> vector<16xf32>
        %mul3A_316 = arith.constant 8 : i32
        %mul3A_317 = arith.muli %scan3A_235, %mul3A_316 : i32
        %add3A_318 = arith.constant 0 : i32
        %add3A_319 = arith.addi %mul3A_317, %add3A_318 : i32
        %get3A_320 = arith.constant 0 : i32
        %get3A_321 = arith.index_cast %get3A_320 : i32 to index
        %get3A_322 = arith.index_cast %add3A_319 : i32 to index
        %get3A_323 = arith.constant 32 : index
        %get3A_324 = tpu.vector_load %arg12[%get3A_321, %get3A_322, %get3A_323] {strides = array<i32>} : memref<2x128x64xbf16, #tpu.memory_space<vmem>>, vector<32xbf16>,
        %mul3A_325 = arith.constant 8 : i32
        %mul3A_326 = arith.muli %scan3A_235, %mul3A_325 : i32
        %add3A_327 = arith.constant 1 : i32
        %add3A_328 = arith.addi %mul3A_326, %add3A_327 : i32
        %get3A_329 = arith.constant 0 : i32
        %get3A_330 = arith.index_cast %get3A_329 : i32 to index
        %get3A_331 = arith.index_cast %add3A_328 : i32 to index
        %get3A_332 = arith.constant 32 : index
        %get3A_333 = tpu.vector_load %arg12[%get3A_330, %get3A_331, %get3A_332] {strides = array<i32>} : memref<2x128x64xbf16, #tpu.memory_space<vmem>>, vector<32xbf16>,
        %add3A_334 = arith.addf %get3A_324, %get3A_333 : vector<32xbf16>
        %mul3A_335 = arith.constant 8 : i32
        %mul3A_336 = arith.muli %scan3A_235, %mul3A_335 : i32
        %add3A_337 = arith.constant 2 : i32
        %add3A_338 = arith.addi %mul3A_336, %add3A_337 : i32
        %get3A_339 = arith.constant 0 : i32
        %get3A_340 = arith.index_cast %get3A_339 : i32 to index
        %get3A_341 = arith.index_cast %add3A_338 : i32 to index
        %get3A_342 = arith.constant 32 : index
        %get3A_343 = tpu.vector_load %arg12[%get3A_340, %get3A_341, %get3A_342] {strides = array<i32>} : memref<2x128x64xbf16, #tpu.memory_space<vmem>>, vector<32xbf16>,
        %add3A_344 = arith.addf %add3A_334, %get3A_343 : vector<32xbf16>
        %mul3A_345 = arith.constant 8 : i32
        %mul3A_346 = arith.muli %scan3A_235, %mul3A_345 : i32
        %add3A_347 = arith.constant 3 : i32
        %add3A_348 = arith.addi %mul3A_346, %add3A_347 : i32
        %get3A_349 = arith.constant 0 : i32
        %get3A_350 = arith.index_cast %get3A_349 : i32 to index
        %get3A_351 = arith.index_cast %add3A_348 : i32 to index
        %get3A_352 = arith.constant 32 : index
        %get3A_353 = tpu.vector_load %arg12[%get3A_350, %get3A_351, %get3A_352] {strides = array<i32>} : memref<2x128x64xbf16, #tpu.memory_space<vmem>>, vector<32xbf16>,
        %add3A_354 = arith.addf %add3A_344, %get3A_353 : vector<32xbf16>
        %mul3A_355 = arith.constant 8 : i32
        %mul3A_356 = arith.muli %scan3A_235, %mul3A_355 : i32
        %add3A_357 = arith.constant 4 : i32
        %add3A_358 = arith.addi %mul3A_356, %add3A_357 : i32
        %get3A_359 = arith.constant 0 : i32
        %get3A_360 = arith.index_cast %get3A_359 : i32 to index
        %get3A_361 = arith.index_cast %add3A_358 : i32 to index
        %get3A_362 = arith.constant 32 : index
        %get3A_363 = tpu.vector_load %arg12[%get3A_360, %get3A_361, %get3A_362] {strides = array<i32>} : memref<2x128x64xbf16, #tpu.memory_space<vmem>>, vector<32xbf16>,
        %add3A_364 = arith.addf %add3A_354, %get3A_363 : vector<32xbf16>
        %mul3A_365 = arith.constant 8 : i32
        %mul3A_366 = arith.muli %scan3A_235, %mul3A_365 : i32
        %add3A_367 = arith.constant 5 : i32
        %add3A_368 = arith.addi %mul3A_366, %add3A_367 : i32
        %get3A_369 = arith.constant 0 : i32
        %get3A_370 = arith.index_cast %get3A_369 : i32 to index
        %get3A_371 = arith.index_cast %add3A_368 : i32 to index
        %get3A_372 = arith.constant 32 : index
        %get3A_373 = tpu.vector_load %arg12[%get3A_370, %get3A_371, %get3A_372] {strides = array<i32>} : memref<2x128x64xbf16, #tpu.memory_space<vmem>>, vector<32xbf16>,
        %add3A_374 = arith.addf %add3A_364, %get3A_373 : vector<32xbf16>
        %mul3A_375 = arith.constant 8 : i32
        %mul3A_376 = arith.muli %scan3A_235, %mul3A_375 : i32
        %add3A_377 = arith.constant 6 : i32
        %add3A_378 = arith.addi %mul3A_376, %add3A_377 : i32
        %get3A_379 = arith.constant 0 : i32
        %get3A_380 = arith.index_cast %get3A_379 : i32 to index
        %get3A_381 = arith.index_cast %add3A_378 : i32 to index
        %get3A_382 = arith.constant 32 : index
        %get3A_383 = tpu.vector_load %arg12[%get3A_380, %get3A_381, %get3A_382] {strides = array<i32>} : memref<2x128x64xbf16, #tpu.memory_space<vmem>>, vector<32xbf16>,
        %add3A_384 = arith.addf %add3A_374, %get3A_383 : vector<32xbf16>
        %mul3A_385 = arith.constant 8 : i32
        %mul3A_386 = arith.muli %scan3A_235, %mul3A_385 : i32
        %add3A_387 = arith.constant 7 : i32
        %add3A_388 = arith.addi %mul3A_386, %add3A_387 : i32
        %get3A_389 = arith.constant 0 : i32
        %get3A_390 = arith.index_cast %get3A_389 : i32 to index
        %get3A_391 = arith.index_cast %add3A_388 : i32 to index
        %get3A_392 = arith.constant 32 : index
        %get3A_393 = tpu.vector_load %arg12[%get3A_390, %get3A_391, %get3A_392] {strides = array<i32>} : memref<2x128x64xbf16, #tpu.memory_space<vmem>>, vector<32xbf16>,
        %add3A_394 = arith.addf %add3A_384, %get3A_393 : vector<32xbf16>
        %unpack3A_395 = tpu.unpack_subelements %add3A_394, 0 {pack_format = #tpu.pack_format<interleaved>} : vector<32xbf16> -> vector<16xf32>
        %unpack3A_396 = tpu.unpack_subelements %add3A_394, 1 {pack_format = #tpu.pack_format<interleaved>} : vector<32xbf16> -> vector<16xf32>
        %mul3A_397 = arith.constant 21 : i32
        %mul3A_398 = arith.muli %scan3A_235, %mul3A_397 : i32
        %get3A_399 = arith.constant 0 : i32
        %get3A_400 = arith.index_cast %get3A_399 : i32 to index
        %get3A_401 = arith.index_cast %scan3A_235 : i32 to index
        %get3A_402 = arith.constant 0 : index
        %get3A_403 = tpu.vector_load %arg11[%get3A_400, %get3A_401, %get3A_402] {strides = array<i32>} : memref<2x16x64xbf16, #tpu.memory_space<vmem>>, vector<32xbf16>,
        %get3A_404 = arith.constant 0 : i32
        %get3A_405 = arith.index_cast %get3A_404 : i32 to index
        %get3A_406 = arith.index_cast %scan3A_235 : i32 to index
        %get3A_407 = arith.constant 32 : index
        %get3A_408 = tpu.vector_load %arg11[%get3A_405, %get3A_406, %get3A_407] {strides = array<i32>} : memref<2x16x64xbf16, #tpu.memory_space<vmem>>, vector<32xbf16>,
        %unpack3A_409 = tpu.unpack_subelements %get3A_403, 0 {pack_format = #tpu.pack_format<interleaved>} : vector<32xbf16> -> vector<16xf32>
        %unpack3A_410 = tpu.unpack_subelements %get3A_403, 1 {pack_format = #tpu.pack_format<interleaved>} : vector<32xbf16> -> vector<16xf32>
        %unpack3A_411 = tpu.unpack_subelements %get3A_408, 0 {pack_format = #tpu.pack_format<interleaved>} : vector<32xbf16> -> vector<16xf32>
        %unpack3A_412 = tpu.unpack_subelements %get3A_408, 1 {pack_format = #tpu.pack_format<interleaved>} : vector<32xbf16> -> vector<16xf32>
        %mul3A_413 = arith.mulf %unpack3A_409, %unpack3A : vector<16xf32>
        %mul3A_414 = arith.mulf %unpack3A_410, %unpack3A_315 : vector<16xf32>
        %add3A_415 = arith.addf %mul3A_413, %mul3A_414 : vector<16xf32>
        %mul3A_416 = arith.mulf %unpack3A_411, %unpack3A_395 : vector<16xf32>
        %add3A_417 = arith.addf %add3A_415, %mul3A_416 : vector<16xf32>
        %mul3A_418 = arith.mulf %unpack3A_412, %unpack3A_396 : vector<16xf32>
        %add3A_419 = arith.addf %add3A_417, %mul3A_418 : vector<16xf32>
        %mul3A_420 = arith.constant 336 : i32
        %mul3A_421 = vector.broadcast %mul3A_420 : i32 to vector<16xi32>
        %mul3A_422 = arith.muli %iota3A, %mul3A_421 : vector<16xi32>
        %add3A_423 = vector.broadcast %mul3A_398 : i32 to vector<16xi32>
        %add3A_424 = arith.addi %mul3A_422, %add3A_423 : vector<16xi32>
        tpu.vector_store_idx %arg14[%add3A_424], %add3A_419 : memref<5376xf32, #tpu.memory_space<vmem>>[vector<16xi32>], vector<16xf32>,
        %mul3A_425 = arith.constant 20 : i32
        %mul3A_426 = arith.muli %scan3A_235, %mul3A_425 : i32
        %add3A_427 = arith.constant 0 : i32
        %add3A_428 = arith.addi %mul3A_426, %add3A_427 : i32
        %get3A_429 = arith.constant 0 : i32
        %get3A_430 = arith.index_cast %get3A_429 : i32 to index
        %get3A_431 = arith.index_cast %add3A_428 : i32 to index
        %get3A_432 = arith.constant 0 : index
        %get3A_433 = tpu.vector_load %arg13[%get3A_430, %get3A_431, %get3A_432] {strides = array<i32>} : memref<2x320x64xbf16, #tpu.memory_space<vmem>>, vector<32xbf16>,
        %mul3A_434 = arith.constant 20 : i32
        %mul3A_435 = arith.muli %scan3A_235, %mul3A_434 : i32
        %add3A_436 = arith.constant 0 : i32
        %add3A_437 = arith.addi %mul3A_435, %add3A_436 : i32
        %get3A_438 = arith.constant 0 : i32
        %get3A_439 = arith.index_cast %get3A_438 : i32 to index
        %get3A_440 = arith.index_cast %add3A_437 : i32 to index
        %get3A_441 = arith.constant 32 : index
        %get3A_442 = tpu.vector_load %arg13[%get3A_439, %get3A_440, %get3A_441] {strides = array<i32>} : memref<2x320x64xbf16, #tpu.memory_space<vmem>>, vector<32xbf16>,
        %unpack3A_443 = tpu.unpack_subelements %get3A_433, 0 {pack_format = #tpu.pack_format<interleaved>} : vector<32xbf16> -> vector<16xf32>
        %unpack3A_444 = tpu.unpack_subelements %get3A_433, 1 {pack_format = #tpu.pack_format<interleaved>} : vector<32xbf16> -> vector<16xf32>
        %unpack3A_445 = tpu.unpack_subelements %get3A_442, 0 {pack_format = #tpu.pack_format<interleaved>} : vector<32xbf16> -> vector<16xf32>
        %unpack3A_446 = tpu.unpack_subelements %get3A_442, 1 {pack_format = #tpu.pack_format<interleaved>} : vector<32xbf16> -> vector<16xf32>
        %mul3A_447 = arith.mulf %unpack3A_443, %unpack3A : vector<16xf32>
        %mul3A_448 = arith.mulf %unpack3A_444, %unpack3A_315 : vector<16xf32>
        %add3A_449 = arith.addf %mul3A_447, %mul3A_448 : vector<16xf32>
        %mul3A_450 = arith.mulf %unpack3A_445, %unpack3A_395 : vector<16xf32>
        %add3A_451 = arith.addf %add3A_449, %mul3A_450 : vector<16xf32>
        %mul3A_452 = arith.mulf %unpack3A_446, %unpack3A_396 : vector<16xf32>
        %add3A_453 = arith.addf %add3A_451, %mul3A_452 : vector<16xf32>
        %mul3A_454 = arith.constant 336 : i32
        %mul3A_455 = vector.broadcast %mul3A_454 : i32 to vector<16xi32>
        %mul3A_456 = arith.muli %iota3A, %mul3A_455 : vector<16xi32>
        %add3A_457 = arith.constant 1 : i32
        %add3A_458 = arith.addi %mul3A_398, %add3A_457 : i32
        %add3A_459 = arith.constant 0 : i32
        %add3A_460 = arith.addi %add3A_458, %add3A_459 : i32
        %add3A_461 = vector.broadcast %add3A_460 : i32 to vector<16xi32>
        %add3A_462 = arith.addi %mul3A_456, %add3A_461 : vector<16xi32>
        tpu.vector_store_idx %arg14[%add3A_462], %add3A_453 : memref<5376xf32, #tpu.memory_space<vmem>>[vector<16xi32>], vector<16xf32>,
        %mul3A_463 = arith.constant 20 : i32
        %mul3A_464 = arith.muli %scan3A_235, %mul3A_463 : i32
        %add3A_465 = arith.constant 1 : i32
        %add3A_466 = arith.addi %mul3A_464, %add3A_465 : i32
        %get3A_467 = arith.constant 0 : i32
        %get3A_468 = arith.index_cast %get3A_467 : i32 to index
        %get3A_469 = arith.index_cast %add3A_466 : i32 to index
        %get3A_470 = arith.constant 0 : index
        %get3A_471 = tpu.vector_load %arg13[%get3A_468, %get3A_469, %get3A_470] {strides = array<i32>} : memref<2x320x64xbf16, #tpu.memory_space<vmem>>, vector<32xbf16>,
        %mul3A_472 = arith.constant 20 : i32
        %mul3A_473 = arith.muli %scan3A_235, %mul3A_472 : i32
        %add3A_474 = arith.constant 1 : i32
        %add3A_475 = arith.addi %mul3A_473, %add3A_474 : i32
        %get3A_476 = arith.constant 0 : i32
        %get3A_477 = arith.index_cast %get3A_476 : i32 to index
        %get3A_478 = arith.index_cast %add3A_475 : i32 to index
        %get3A_479 = arith.constant 32 : index
        %get3A_480 = tpu.vector_load %arg13[%get3A_477, %get3A_478, %get3A_479] {strides = array<i32>} : memref<2x320x64xbf16, #tpu.memory_space<vmem>>, vector<32xbf16>,
        %unpack3A_481 = tpu.unpack_subelements %get3A_471, 0 {pack_format = #tpu.pack_format<interleaved>} : vector<32xbf16> -> vector<16xf32>
        %unpack3A_482 = tpu.unpack_subelements %get3A_471, 1 {pack_format = #tpu.pack_format<interleaved>} : vector<32xbf16> -> vector<16xf32>
        %unpack3A_483 = tpu.unpack_subelements %get3A_480, 0 {pack_format = #tpu.pack_format<interleaved>} : vector<32xbf16> -> vector<16xf32>
        %unpack3A_484 = tpu.unpack_subelements %get3A_480, 1 {pack_format = #tpu.pack_format<interleaved>} : vector<32xbf16> -> vector<16xf32>
        %mul3A_485 = arith.mulf %unpack3A_481, %unpack3A : vector<16xf32>
        %mul3A_486 = arith.mulf %unpack3A_482, %unpack3A_315 : vector<16xf32>
        %add3A_487 = arith.addf %mul3A_485, %mul3A_486 : vector<16xf32>
        %mul3A_488 = arith.mulf %unpack3A_483, %unpack3A_395 : vector<16xf32>
        %add3A_489 = arith.addf %add3A_487, %mul3A_488 : vector<16xf32>
        %mul3A_490 = arith.mulf %unpack3A_484, %unpack3A_396 : vector<16xf32>
        %add3A_491 = arith.addf %add3A_489, %mul3A_490 : vector<16xf32>
        %mul3A_492 = arith.constant 336 : i32
        %mul3A_493 = vector.broadcast %mul3A_492 : i32 to vector<16xi32>
        %mul3A_494 = arith.muli %iota3A, %mul3A_493 : vector<16xi32>
        %add3A_495 = arith.constant 1 : i32
        %add3A_496 = arith.addi %mul3A_398, %add3A_495 : i32
        %add3A_497 = arith.constant 1 : i32
        %add3A_498 = arith.addi %add3A_496, %add3A_497 : i32
        %add3A_499 = vector.broadcast %add3A_498 : i32 to vector<16xi32>
        %add3A_500 = arith.addi %mul3A_494, %add3A_499 : vector<16xi32>
        tpu.vector_store_idx %arg14[%add3A_500], %add3A_491 : memref<5376xf32, #tpu.memory_space<vmem>>[vector<16xi32>], vector<16xf32>,
        %mul3A_501 = arith.constant 20 : i32
        %mul3A_502 = arith.muli %scan3A_235, %mul3A_501 : i32
        %add3A_503 = arith.constant 2 : i32
        %add3A_504 = arith.addi %mul3A_502, %add3A_503 : i32
        %get3A_505 = arith.constant 0 : i32
        %get3A_506 = arith.index_cast %get3A_505 : i32 to index
        %get3A_507 = arith.index_cast %add3A_504 : i32 to index
        %get3A_508 = arith.constant 0 : index
        %get3A_509 = tpu.vector_load %arg13[%get3A_506, %get3A_507, %get3A_508] {strides = array<i32>} : memref<2x320x64xbf16, #tpu.memory_space<vmem>>, vector<32xbf16>,
        %mul3A_510 = arith.constant 20 : i32
        %mul3A_511 = arith.muli %scan3A_235, %mul3A_510 : i32
        %add3A_512 = arith.constant 2 : i32
        %add3A_513 = arith.addi %mul3A_511, %add3A_512 : i32
        %get3A_514 = arith.constant 0 : i32
        %get3A_515 = arith.index_cast %get3A_514 : i32 to index
        %get3A_516 = arith.index_cast %add3A_513 : i32 to index
        %get3A_517 = arith.constant 32 : index
        %get3A_518 = tpu.vector_load %arg13[%get3A_515, %get3A_516, %get3A_517] {strides = array<i32>} : memref<2x320x64xbf16, #tpu.memory_space<vmem>>, vector<32xbf16>,
        %unpack3A_519 = tpu.unpack_subelements %get3A_509, 0 {pack_format = #tpu.pack_format<interleaved>} : vector<32xbf16> -> vector<16xf32>
        %unpack3A_520 = tpu.unpack_subelements %get3A_509, 1 {pack_format = #tpu.pack_format<interleaved>} : vector<32xbf16> -> vector<16xf32>
        %unpack3A_521 = tpu.unpack_subelements %get3A_518, 0 {pack_format = #tpu.pack_format<interleaved>} : vector<32xbf16> -> vector<16xf32>
        %unpack3A_522 = tpu.unpack_subelements %get3A_518, 1 {pack_format = #tpu.pack_format<interleaved>} : vector<32xbf16> -> vector<16xf32>
        %mul3A_523 = arith.mulf %unpack3A_519, %unpack3A : vector<16xf32>
        %mul3A_524 = arith.mulf %unpack3A_520, %unpack3A_315 : vector<16xf32>
        %add3A_525 = arith.addf %mul3A_523, %mul3A_524 : vector<16xf32>
        %mul3A_526 = arith.mulf %unpack3A_521, %unpack3A_395 : vector<16xf32>
        %add3A_527 = arith.addf %add3A_525, %mul3A_526 : vector<16xf32>
        %mul3A_528 = arith.mulf %unpack3A_522, %unpack3A_396 : vector<16xf32>
        %add3A_529 = arith.addf %add3A_527, %mul3A_528 : vector<16xf32>
        %mul3A_530 = arith.constant 336 : i32
        %mul3A_531 = vector.broadcast %mul3A_530 : i32 to vector<16xi32>
        %mul3A_532 = arith.muli %iota3A, %mul3A_531 : vector<16xi32>
        %add3A_533 = arith.constant 1 : i32
        %add3A_534 = arith.addi %mul3A_398, %add3A_533 : i32
        %add3A_535 = arith.constant 2 : i32
        %add3A_536 = arith.addi %add3A_534, %add3A_535 : i32
        %add3A_537 = vector.broadcast %add3A_536 : i32 to vector<16xi32>
        %add3A_538 = arith.addi %mul3A_532, %add3A_537 : vector<16xi32>
        tpu.vector_store_idx %arg14[%add3A_538], %add3A_529 : memref<5376xf32, #tpu.memory_space<vmem>>[vector<16xi32>], vector<16xf32>,
        %mul3A_539 = arith.constant 20 : i32
        %mul3A_540 = arith.muli %scan3A_235, %mul3A_539 : i32
        %add3A_541 = arith.constant 3 : i32
        %add3A_542 = arith.addi %mul3A_540, %add3A_541 : i32
        %get3A_543 = arith.constant 0 : i32
        %get3A_544 = arith.index_cast %get3A_543 : i32 to index
        %get3A_545 = arith.index_cast %add3A_542 : i32 to index
        %get3A_546 = arith.constant 0 : index
        %get3A_547 = tpu.vector_load %arg13[%get3A_544, %get3A_545, %get3A_546] {strides = array<i32>} : memref<2x320x64xbf16, #tpu.memory_space<vmem>>, vector<32xbf16>,
        %mul3A_548 = arith.constant 20 : i32
        %mul3A_549 = arith.muli %scan3A_235, %mul3A_548 : i32
        %add3A_550 = arith.constant 3 : i32
        %add3A_551 = arith.addi %mul3A_549, %add3A_550 : i32
        %get3A_552 = arith.constant 0 : i32
        %get3A_553 = arith.index_cast %get3A_552 : i32 to index
        %get3A_554 = arith.index_cast %add3A_551 : i32 to index
        %get3A_555 = arith.constant 32 : index
        %get3A_556 = tpu.vector_load %arg13[%get3A_553, %get3A_554, %get3A_555] {strides = array<i32>} : memref<2x320x64xbf16, #tpu.memory_space<vmem>>, vector<32xbf16>,
        %unpack3A_557 = tpu.unpack_subelements %get3A_547, 0 {pack_format = #tpu.pack_format<interleaved>} : vector<32xbf16> -> vector<16xf32>
        %unpack3A_558 = tpu.unpack_subelements %get3A_547, 1 {pack_format = #tpu.pack_format<interleaved>} : vector<32xbf16> -> vector<16xf32>
        %unpack3A_559 = tpu.unpack_subelements %get3A_556, 0 {pack_format = #tpu.pack_format<interleaved>} : vector<32xbf16> -> vector<16xf32>
        %unpack3A_560 = tpu.unpack_subelements %get3A_556, 1 {pack_format = #tpu.pack_format<interleaved>} : vector<32xbf16> -> vector<16xf32>
        %mul3A_561 = arith.mulf %unpack3A_557, %unpack3A : vector<16xf32>
        %mul3A_562 = arith.mulf %unpack3A_558, %unpack3A_315 : vector<16xf32>
        %add3A_563 = arith.addf %mul3A_561, %mul3A_562 : vector<16xf32>
        %mul3A_564 = arith.mulf %unpack3A_559, %unpack3A_395 : vector<16xf32>
        %add3A_565 = arith.addf %add3A_563, %mul3A_564 : vector<16xf32>
        %mul3A_566 = arith.mulf %unpack3A_560, %unpack3A_396 : vector<16xf32>
        %add3A_567 = arith.addf %add3A_565, %mul3A_566 : vector<16xf32>
        %mul3A_568 = arith.constant 336 : i32
        %mul3A_569 = vector.broadcast %mul3A_568 : i32 to vector<16xi32>
        %mul3A_570 = arith.muli %iota3A, %mul3A_569 : vector<16xi32>
        %add3A_571 = arith.constant 1 : i32
        %add3A_572 = arith.addi %mul3A_398, %add3A_571 : i32
        %add3A_573 = arith.constant 3 : i32
        %add3A_574 = arith.addi %add3A_572, %add3A_573 : i32
        %add3A_575 = vector.broadcast %add3A_574 : i32 to vector<16xi32>
        %add3A_576 = arith.addi %mul3A_570, %add3A_575 : vector<16xi32>
        tpu.vector_store_idx %arg14[%add3A_576], %add3A_567 : memref<5376xf32, #tpu.memory_space<vmem>>[vector<16xi32>], vector<16xf32>,
        %mul3A_577 = arith.constant 20 : i32
        %mul3A_578 = arith.muli %scan3A_235, %mul3A_577 : i32
        %add3A_579 = arith.constant 4 : i32
        %add3A_580 = arith.addi %mul3A_578, %add3A_579 : i32
        %get3A_581 = arith.constant 0 : i32
        %get3A_582 = arith.index_cast %get3A_581 : i32 to index
        %get3A_583 = arith.index_cast %add3A_580 : i32 to index
        %get3A_584 = arith.constant 0 : index
        %get3A_585 = tpu.vector_load %arg13[%get3A_582, %get3A_583, %get3A_584] {strides = array<i32>} : memref<2x320x64xbf16, #tpu.memory_space<vmem>>, vector<32xbf16>,
        %mul3A_586 = arith.constant 20 : i32
        %mul3A_587 = arith.muli %scan3A_235, %mul3A_586 : i32
        %add3A_588 = arith.constant 4 : i32
        %add3A_589 = arith.addi %mul3A_587, %add3A_588 : i32
        %get3A_590 = arith.constant 0 : i32
        %get3A_591 = arith.index_cast %get3A_590 : i32 to index
        %get3A_592 = arith.index_cast %add3A_589 : i32 to index
        %get3A_593 = arith.constant 32 : index
        %get3A_594 = tpu.vector_load %arg13[%get3A_591, %get3A_592, %get3A_593] {strides = array<i32>} : memref<2x320x64xbf16, #tpu.memory_space<vmem>>, vector<32xbf16>,
        %unpack3A_595 = tpu.unpack_subelements %get3A_585, 0 {pack_format = #tpu.pack_format<interleaved>} : vector<32xbf16> -> vector<16xf32>
        %unpack3A_596 = tpu.unpack_subelements %get3A_585, 1 {pack_format = #tpu.pack_format<interleaved>} : vector<32xbf16> -> vector<16xf32>
        %unpack3A_597 = tpu.unpack_subelements %get3A_594, 0 {pack_format = #tpu.pack_format<interleaved>} : vector<32xbf16> -> vector<16xf32>
        %unpack3A_598 = tpu.unpack_subelements %get3A_594, 1 {pack_format = #tpu.pack_format<interleaved>} : vector<32xbf16> -> vector<16xf32>
        %mul3A_599 = arith.mulf %unpack3A_595, %unpack3A : vector<16xf32>
        %mul3A_600 = arith.mulf %unpack3A_596, %unpack3A_315 : vector<16xf32>
        %add3A_601 = arith.addf %mul3A_599, %mul3A_600 : vector<16xf32>
        %mul3A_602 = arith.mulf %unpack3A_597, %unpack3A_395 : vector<16xf32>
        %add3A_603 = arith.addf %add3A_601, %mul3A_602 : vector<16xf32>
        %mul3A_604 = arith.mulf %unpack3A_598, %unpack3A_396 : vector<16xf32>
        %add3A_605 = arith.addf %add3A_603, %mul3A_604 : vector<16xf32>
        %mul3A_606 = arith.constant 336 : i32
        %mul3A_607 = vector.broadcast %mul3A_606 : i32 to vector<16xi32>
        %mul3A_608 = arith.muli %iota3A, %mul3A_607 : vector<16xi32>
        %add3A_609 = arith.constant 1 : i32
        %add3A_610 = arith.addi %mul3A_398, %add3A_609 : i32
        %add3A_611 = arith.constant 4 : i32
        %add3A_612 = arith.addi %add3A_610, %add3A_611 : i32
        %add3A_613 = vector.broadcast %add3A_612 : i32 to vector<16xi32>
        %add3A_614 = arith.addi %mul3A_608, %add3A_613 : vector<16xi32>
        tpu.vector_store_idx %arg14[%add3A_614], %add3A_605 : memref<5376xf32, #tpu.memory_space<vmem>>[vector<16xi32>], vector<16xf32>,
        %mul3A_615 = arith.constant 20 : i32
        %mul3A_616 = arith.muli %scan3A_235, %mul3A_615 : i32
        %add3A_617 = arith.constant 5 : i32
        %add3A_618 = arith.addi %mul3A_616, %add3A_617 : i32
        %get3A_619 = arith.constant 0 : i32
        %get3A_620 = arith.index_cast %get3A_619 : i32 to index
        %get3A_621 = arith.index_cast %add3A_618 : i32 to index
        %get3A_622 = arith.constant 0 : index
        %get3A_623 = tpu.vector_load %arg13[%get3A_620, %get3A_621, %get3A_622] {strides = array<i32>} : memref<2x320x64xbf16, #tpu.memory_space<vmem>>, vector<32xbf16>,
        %mul3A_624 = arith.constant 20 : i32
        %mul3A_625 = arith.muli %scan3A_235, %mul3A_624 : i32
        %add3A_626 = arith.constant 5 : i32
        %add3A_627 = arith.addi %mul3A_625, %add3A_626 : i32
        %get3A_628 = arith.constant 0 : i32
        %get3A_629 = arith.index_cast %get3A_628 : i32 to index
        %get3A_630 = arith.index_cast %add3A_627 : i32 to index
        %get3A_631 = arith.constant 32 : index
        %get3A_632 = tpu.vector_load %arg13[%get3A_629, %get3A_630, %get3A_631] {strides = array<i32>} : memref<2x320x64xbf16, #tpu.memory_space<vmem>>, vector<32xbf16>,
        %unpack3A_633 = tpu.unpack_subelements %get3A_623, 0 {pack_format = #tpu.pack_format<interleaved>} : vector<32xbf16> -> vector<16xf32>
        %unpack3A_634 = tpu.unpack_subelements %get3A_623, 1 {pack_format = #tpu.pack_format<interleaved>} : vector<32xbf16> -> vector<16xf32>
        %unpack3A_635 = tpu.unpack_subelements %get3A_632, 0 {pack_format = #tpu.pack_format<interleaved>} : vector<32xbf16> -> vector<16xf32>
        %unpack3A_636 = tpu.unpack_subelements %get3A_632, 1 {pack_format = #tpu.pack_format<interleaved>} : vector<32xbf16> -> vector<16xf32>
        %mul3A_637 = arith.mulf %unpack3A_633, %unpack3A : vector<16xf32>
        %mul3A_638 = arith.mulf %unpack3A_634, %unpack3A_315 : vector<16xf32>
        %add3A_639 = arith.addf %mul3A_637, %mul3A_638 : vector<16xf32>
        %mul3A_640 = arith.mulf %unpack3A_635, %unpack3A_395 : vector<16xf32>
        %add3A_641 = arith.addf %add3A_639, %mul3A_640 : vector<16xf32>
        %mul3A_642 = arith.mulf %unpack3A_636, %unpack3A_396 : vector<16xf32>
        %add3A_643 = arith.addf %add3A_641, %mul3A_642 : vector<16xf32>
        %mul3A_644 = arith.constant 336 : i32
        %mul3A_645 = vector.broadcast %mul3A_644 : i32 to vector<16xi32>
        %mul3A_646 = arith.muli %iota3A, %mul3A_645 : vector<16xi32>
        %add3A_647 = arith.constant 1 : i32
        %add3A_648 = arith.addi %mul3A_398, %add3A_647 : i32
        %add3A_649 = arith.constant 5 : i32
        %add3A_650 = arith.addi %add3A_648, %add3A_649 : i32
        %add3A_651 = vector.broadcast %add3A_650 : i32 to vector<16xi32>
        %add3A_652 = arith.addi %mul3A_646, %add3A_651 : vector<16xi32>
        tpu.vector_store_idx %arg14[%add3A_652], %add3A_643 : memref<5376xf32, #tpu.memory_space<vmem>>[vector<16xi32>], vector<16xf32>,
        %mul3A_653 = arith.constant 20 : i32
        %mul3A_654 = arith.muli %scan3A_235, %mul3A_653 : i32
        %add3A_655 = arith.constant 6 : i32
        %add3A_656 = arith.addi %mul3A_654, %add3A_655 : i32
        %get3A_657 = arith.constant 0 : i32
        %get3A_658 = arith.index_cast %get3A_657 : i32 to index
        %get3A_659 = arith.index_cast %add3A_656 : i32 to index
        %get3A_660 = arith.constant 0 : index
        %get3A_661 = tpu.vector_load %arg13[%get3A_658, %get3A_659, %get3A_660] {strides = array<i32>} : memref<2x320x64xbf16, #tpu.memory_space<vmem>>, vector<32xbf16>,
        %mul3A_662 = arith.constant 20 : i32
        %mul3A_663 = arith.muli %scan3A_235, %mul3A_662 : i32
        %add3A_664 = arith.constant 6 : i32
        %add3A_665 = arith.addi %mul3A_663, %add3A_664 : i32
        %get3A_666 = arith.constant 0 : i32
        %get3A_667 = arith.index_cast %get3A_666 : i32 to index
        %get3A_668 = arith.index_cast %add3A_665 : i32 to index
        %get3A_669 = arith.constant 32 : index
        %get3A_670 = tpu.vector_load %arg13[%get3A_667, %get3A_668, %get3A_669] {strides = array<i32>} : memref<2x320x64xbf16, #tpu.memory_space<vmem>>, vector<32xbf16>,
        %unpack3A_671 = tpu.unpack_subelements %get3A_661, 0 {pack_format = #tpu.pack_format<interleaved>} : vector<32xbf16> -> vector<16xf32>
        %unpack3A_672 = tpu.unpack_subelements %get3A_661, 1 {pack_format = #tpu.pack_format<interleaved>} : vector<32xbf16> -> vector<16xf32>
        %unpack3A_673 = tpu.unpack_subelements %get3A_670, 0 {pack_format = #tpu.pack_format<interleaved>} : vector<32xbf16> -> vector<16xf32>
        %unpack3A_674 = tpu.unpack_subelements %get3A_670, 1 {pack_format = #tpu.pack_format<interleaved>} : vector<32xbf16> -> vector<16xf32>
        %mul3A_675 = arith.mulf %unpack3A_671, %unpack3A : vector<16xf32>
        %mul3A_676 = arith.mulf %unpack3A_672, %unpack3A_315 : vector<16xf32>
        %add3A_677 = arith.addf %mul3A_675, %mul3A_676 : vector<16xf32>
        %mul3A_678 = arith.mulf %unpack3A_673, %unpack3A_395 : vector<16xf32>
        %add3A_679 = arith.addf %add3A_677, %mul3A_678 : vector<16xf32>
        %mul3A_680 = arith.mulf %unpack3A_674, %unpack3A_396 : vector<16xf32>
        %add3A_681 = arith.addf %add3A_679, %mul3A_680 : vector<16xf32>
        %mul3A_682 = arith.constant 336 : i32
        %mul3A_683 = vector.broadcast %mul3A_682 : i32 to vector<16xi32>
        %mul3A_684 = arith.muli %iota3A, %mul3A_683 : vector<16xi32>
        %add3A_685 = arith.constant 1 : i32
        %add3A_686 = arith.addi %mul3A_398, %add3A_685 : i32
        %add3A_687 = arith.constant 6 : i32
        %add3A_688 = arith.addi %add3A_686, %add3A_687 : i32
        %add3A_689 = vector.broadcast %add3A_688 : i32 to vector<16xi32>
        %add3A_690 = arith.addi %mul3A_684, %add3A_689 : vector<16xi32>
        tpu.vector_store_idx %arg14[%add3A_690], %add3A_681 : memref<5376xf32, #tpu.memory_space<vmem>>[vector<16xi32>], vector<16xf32>,
        %mul3A_691 = arith.constant 20 : i32
        %mul3A_692 = arith.muli %scan3A_235, %mul3A_691 : i32
        %add3A_693 = arith.constant 7 : i32
        %add3A_694 = arith.addi %mul3A_692, %add3A_693 : i32
        %get3A_695 = arith.constant 0 : i32
        %get3A_696 = arith.index_cast %get3A_695 : i32 to index
        %get3A_697 = arith.index_cast %add3A_694 : i32 to index
        %get3A_698 = arith.constant 0 : index
        %get3A_699 = tpu.vector_load %arg13[%get3A_696, %get3A_697, %get3A_698] {strides = array<i32>} : memref<2x320x64xbf16, #tpu.memory_space<vmem>>, vector<32xbf16>,
        %mul3A_700 = arith.constant 20 : i32
        %mul3A_701 = arith.muli %scan3A_235, %mul3A_700 : i32
        %add3A_702 = arith.constant 7 : i32
        %add3A_703 = arith.addi %mul3A_701, %add3A_702 : i32
        %get3A_704 = arith.constant 0 : i32
        %get3A_705 = arith.index_cast %get3A_704 : i32 to index
        %get3A_706 = arith.index_cast %add3A_703 : i32 to index
        %get3A_707 = arith.constant 32 : index
        %get3A_708 = tpu.vector_load %arg13[%get3A_705, %get3A_706, %get3A_707] {strides = array<i32>} : memref<2x320x64xbf16, #tpu.memory_space<vmem>>, vector<32xbf16>,
        %unpack3A_709 = tpu.unpack_subelements %get3A_699, 0 {pack_format = #tpu.pack_format<interleaved>} : vector<32xbf16> -> vector<16xf32>
        %unpack3A_710 = tpu.unpack_subelements %get3A_699, 1 {pack_format = #tpu.pack_format<interleaved>} : vector<32xbf16> -> vector<16xf32>
        %unpack3A_711 = tpu.unpack_subelements %get3A_708, 0 {pack_format = #tpu.pack_format<interleaved>} : vector<32xbf16> -> vector<16xf32>
        %unpack3A_712 = tpu.unpack_subelements %get3A_708, 1 {pack_format = #tpu.pack_format<interleaved>} : vector<32xbf16> -> vector<16xf32>
        %mul3A_713 = arith.mulf %unpack3A_709, %unpack3A : vector<16xf32>
        %mul3A_714 = arith.mulf %unpack3A_710, %unpack3A_315 : vector<16xf32>
        %add3A_715 = arith.addf %mul3A_713, %mul3A_714 : vector<16xf32>
        %mul3A_716 = arith.mulf %unpack3A_711, %unpack3A_395 : vector<16xf32>
        %add3A_717 = arith.addf %add3A_715, %mul3A_716 : vector<16xf32>
        %mul3A_718 = arith.mulf %unpack3A_712, %unpack3A_396 : vector<16xf32>
        %add3A_719 = arith.addf %add3A_717, %mul3A_718 : vector<16xf32>
        %mul3A_720 = arith.constant 336 : i32
        %mul3A_721 = vector.broadcast %mul3A_720 : i32 to vector<16xi32>
        %mul3A_722 = arith.muli %iota3A, %mul3A_721 : vector<16xi32>
        %add3A_723 = arith.constant 1 : i32
        %add3A_724 = arith.addi %mul3A_398, %add3A_723 : i32
        %add3A_725 = arith.constant 7 : i32
        %add3A_726 = arith.addi %add3A_724, %add3A_725 : i32
        %add3A_727 = vector.broadcast %add3A_726 : i32 to vector<16xi32>
        %add3A_728 = arith.addi %mul3A_722, %add3A_727 : vector<16xi32>
        tpu.vector_store_idx %arg14[%add3A_728], %add3A_719 : memref<5376xf32, #tpu.memory_space<vmem>>[vector<16xi32>], vector<16xf32>,
        %mul3A_729 = arith.constant 20 : i32
        %mul3A_730 = arith.muli %scan3A_235, %mul3A_729 : i32
        %add3A_731 = arith.constant 8 : i32
        %add3A_732 = arith.addi %mul3A_730, %add3A_731 : i32
        %get3A_733 = arith.constant 0 : i32
        %get3A_734 = arith.index_cast %get3A_733 : i32 to index
        %get3A_735 = arith.index_cast %add3A_732 : i32 to index
        %get3A_736 = arith.constant 0 : index
        %get3A_737 = tpu.vector_load %arg13[%get3A_734, %get3A_735, %get3A_736] {strides = array<i32>} : memref<2x320x64xbf16, #tpu.memory_space<vmem>>, vector<32xbf16>,
        %mul3A_738 = arith.constant 20 : i32
        %mul3A_739 = arith.muli %scan3A_235, %mul3A_738 : i32
        %add3A_740 = arith.constant 8 : i32
        %add3A_741 = arith.addi %mul3A_739, %add3A_740 : i32
        %get3A_742 = arith.constant 0 : i32
        %get3A_743 = arith.index_cast %get3A_742 : i32 to index
        %get3A_744 = arith.index_cast %add3A_741 : i32 to index
        %get3A_745 = arith.constant 32 : index
        %get3A_746 = tpu.vector_load %arg13[%get3A_743, %get3A_744, %get3A_745] {strides = array<i32>} : memref<2x320x64xbf16, #tpu.memory_space<vmem>>, vector<32xbf16>,
        %unpack3A_747 = tpu.unpack_subelements %get3A_737, 0 {pack_format = #tpu.pack_format<interleaved>} : vector<32xbf16> -> vector<16xf32>
        %unpack3A_748 = tpu.unpack_subelements %get3A_737, 1 {pack_format = #tpu.pack_format<interleaved>} : vector<32xbf16> -> vector<16xf32>
        %unpack3A_749 = tpu.unpack_subelements %get3A_746, 0 {pack_format = #tpu.pack_format<interleaved>} : vector<32xbf16> -> vector<16xf32>
        %unpack3A_750 = tpu.unpack_subelements %get3A_746, 1 {pack_format = #tpu.pack_format<interleaved>} : vector<32xbf16> -> vector<16xf32>
        %mul3A_751 = arith.mulf %unpack3A_747, %unpack3A : vector<16xf32>
        %mul3A_752 = arith.mulf %unpack3A_748, %unpack3A_315 : vector<16xf32>
        %add3A_753 = arith.addf %mul3A_751, %mul3A_752 : vector<16xf32>
        %mul3A_754 = arith.mulf %unpack3A_749, %unpack3A_395 : vector<16xf32>
        %add3A_755 = arith.addf %add3A_753, %mul3A_754 : vector<16xf32>
        %mul3A_756 = arith.mulf %unpack3A_750, %unpack3A_396 : vector<16xf32>
        %add3A_757 = arith.addf %add3A_755, %mul3A_756 : vector<16xf32>
        %mul3A_758 = arith.constant 336 : i32
        %mul3A_759 = vector.broadcast %mul3A_758 : i32 to vector<16xi32>
        %mul3A_760 = arith.muli %iota3A, %mul3A_759 : vector<16xi32>
        %add3A_761 = arith.constant 1 : i32
        %add3A_762 = arith.addi %mul3A_398, %add3A_761 : i32
        %add3A_763 = arith.constant 8 : i32
        %add3A_764 = arith.addi %add3A_762, %add3A_763 : i32
        %add3A_765 = vector.broadcast %add3A_764 : i32 to vector<16xi32>
        %add3A_766 = arith.addi %mul3A_760, %add3A_765 : vector<16xi32>
        tpu.vector_store_idx %arg14[%add3A_766], %add3A_757 : memref<5376xf32, #tpu.memory_space<vmem>>[vector<16xi32>], vector<16xf32>,
        %mul3A_767 = arith.constant 20 : i32
        %mul3A_768 = arith.muli %scan3A_235, %mul3A_767 : i32
        %add3A_769 = arith.constant 9 : i32
        %add3A_770 = arith.addi %mul3A_768, %add3A_769 : i32
        %get3A_771 = arith.constant 0 : i32
        %get3A_772 = arith.index_cast %get3A_771 : i32 to index
        %get3A_773 = arith.index_cast %add3A_770 : i32 to index
        %get3A_774 = arith.constant 0 : index
        %get3A_775 = tpu.vector_load %arg13[%get3A_772, %get3A_773, %get3A_774] {strides = array<i32>} : memref<2x320x64xbf16, #tpu.memory_space<vmem>>, vector<32xbf16>,
        %mul3A_776 = arith.constant 20 : i32
        %mul3A_777 = arith.muli %scan3A_235, %mul3A_776 : i32
        %add3A_778 = arith.constant 9 : i32
        %add3A_779 = arith.addi %mul3A_777, %add3A_778 : i32
        %get3A_780 = arith.constant 0 : i32
        %get3A_781 = arith.index_cast %get3A_780 : i32 to index
        %get3A_782 = arith.index_cast %add3A_779 : i32 to index
        %get3A_783 = arith.constant 32 : index
        %get3A_784 = tpu.vector_load %arg13[%get3A_781, %get3A_782, %get3A_783] {strides = array<i32>} : memref<2x320x64xbf16, #tpu.memory_space<vmem>>, vector<32xbf16>,
        %unpack3A_785 = tpu.unpack_subelements %get3A_775, 0 {pack_format = #tpu.pack_format<interleaved>} : vector<32xbf16> -> vector<16xf32>
        %unpack3A_786 = tpu.unpack_subelements %get3A_775, 1 {pack_format = #tpu.pack_format<interleaved>} : vector<32xbf16> -> vector<16xf32>
        %unpack3A_787 = tpu.unpack_subelements %get3A_784, 0 {pack_format = #tpu.pack_format<interleaved>} : vector<32xbf16> -> vector<16xf32>
        %unpack3A_788 = tpu.unpack_subelements %get3A_784, 1 {pack_format = #tpu.pack_format<interleaved>} : vector<32xbf16> -> vector<16xf32>
        %mul3A_789 = arith.mulf %unpack3A_785, %unpack3A : vector<16xf32>
        %mul3A_790 = arith.mulf %unpack3A_786, %unpack3A_315 : vector<16xf32>
        %add3A_791 = arith.addf %mul3A_789, %mul3A_790 : vector<16xf32>
        %mul3A_792 = arith.mulf %unpack3A_787, %unpack3A_395 : vector<16xf32>
        %add3A_793 = arith.addf %add3A_791, %mul3A_792 : vector<16xf32>
        %mul3A_794 = arith.mulf %unpack3A_788, %unpack3A_396 : vector<16xf32>
        %add3A_795 = arith.addf %add3A_793, %mul3A_794 : vector<16xf32>
        %mul3A_796 = arith.constant 336 : i32
        %mul3A_797 = vector.broadcast %mul3A_796 : i32 to vector<16xi32>
        %mul3A_798 = arith.muli %iota3A, %mul3A_797 : vector<16xi32>
        %add3A_799 = arith.constant 1 : i32
        %add3A_800 = arith.addi %mul3A_398, %add3A_799 : i32
        %add3A_801 = arith.constant 9 : i32
        %add3A_802 = arith.addi %add3A_800, %add3A_801 : i32
        %add3A_803 = vector.broadcast %add3A_802 : i32 to vector<16xi32>
        %add3A_804 = arith.addi %mul3A_798, %add3A_803 : vector<16xi32>
        tpu.vector_store_idx %arg14[%add3A_804], %add3A_795 : memref<5376xf32, #tpu.memory_space<vmem>>[vector<16xi32>], vector<16xf32>,
        %mul3A_805 = arith.constant 20 : i32
        %mul3A_806 = arith.muli %scan3A_235, %mul3A_805 : i32
        %add3A_807 = arith.constant 10 : i32
        %add3A_808 = arith.addi %mul3A_806, %add3A_807 : i32
        %get3A_809 = arith.constant 0 : i32
        %get3A_810 = arith.index_cast %get3A_809 : i32 to index
        %get3A_811 = arith.index_cast %add3A_808 : i32 to index
        %get3A_812 = arith.constant 0 : index
        %get3A_813 = tpu.vector_load %arg13[%get3A_810, %get3A_811, %get3A_812] {strides = array<i32>} : memref<2x320x64xbf16, #tpu.memory_space<vmem>>, vector<32xbf16>,
        %mul3A_814 = arith.constant 20 : i32
        %mul3A_815 = arith.muli %scan3A_235, %mul3A_814 : i32
        %add3A_816 = arith.constant 10 : i32
        %add3A_817 = arith.addi %mul3A_815, %add3A_816 : i32
        %get3A_818 = arith.constant 0 : i32
        %get3A_819 = arith.index_cast %get3A_818 : i32 to index
        %get3A_820 = arith.index_cast %add3A_817 : i32 to index
        %get3A_821 = arith.constant 32 : index
        %get3A_822 = tpu.vector_load %arg13[%get3A_819, %get3A_820, %get3A_821] {strides = array<i32>} : memref<2x320x64xbf16, #tpu.memory_space<vmem>>, vector<32xbf16>,
        %unpack3A_823 = tpu.unpack_subelements %get3A_813, 0 {pack_format = #tpu.pack_format<interleaved>} : vector<32xbf16> -> vector<16xf32>
        %unpack3A_824 = tpu.unpack_subelements %get3A_813, 1 {pack_format = #tpu.pack_format<interleaved>} : vector<32xbf16> -> vector<16xf32>
        %unpack3A_825 = tpu.unpack_subelements %get3A_822, 0 {pack_format = #tpu.pack_format<interleaved>} : vector<32xbf16> -> vector<16xf32>
        %unpack3A_826 = tpu.unpack_subelements %get3A_822, 1 {pack_format = #tpu.pack_format<interleaved>} : vector<32xbf16> -> vector<16xf32>
        %mul3A_827 = arith.mulf %unpack3A_823, %unpack3A : vector<16xf32>
        %mul3A_828 = arith.mulf %unpack3A_824, %unpack3A_315 : vector<16xf32>
        %add3A_829 = arith.addf %mul3A_827, %mul3A_828 : vector<16xf32>
        %mul3A_830 = arith.mulf %unpack3A_825, %unpack3A_395 : vector<16xf32>
        %add3A_831 = arith.addf %add3A_829, %mul3A_830 : vector<16xf32>
        %mul3A_832 = arith.mulf %unpack3A_826, %unpack3A_396 : vector<16xf32>
        %add3A_833 = arith.addf %add3A_831, %mul3A_832 : vector<16xf32>
        %mul3A_834 = arith.constant 336 : i32
        %mul3A_835 = vector.broadcast %mul3A_834 : i32 to vector<16xi32>
        %mul3A_836 = arith.muli %iota3A, %mul3A_835 : vector<16xi32>
        %add3A_837 = arith.constant 1 : i32
        %add3A_838 = arith.addi %mul3A_398, %add3A_837 : i32
        %add3A_839 = arith.constant 10 : i32
        %add3A_840 = arith.addi %add3A_838, %add3A_839 : i32
        %add3A_841 = vector.broadcast %add3A_840 : i32 to vector<16xi32>
        %add3A_842 = arith.addi %mul3A_836, %add3A_841 : vector<16xi32>
        tpu.vector_store_idx %arg14[%add3A_842], %add3A_833 : memref<5376xf32, #tpu.memory_space<vmem>>[vector<16xi32>], vector<16xf32>,
        %mul3A_843 = arith.constant 20 : i32
        %mul3A_844 = arith.muli %scan3A_235, %mul3A_843 : i32
        %add3A_845 = arith.constant 11 : i32
        %add3A_846 = arith.addi %mul3A_844, %add3A_845 : i32
        %get3A_847 = arith.constant 0 : i32
        %get3A_848 = arith.index_cast %get3A_847 : i32 to index
        %get3A_849 = arith.index_cast %add3A_846 : i32 to index
        %get3A_850 = arith.constant 0 : index
        %get3A_851 = tpu.vector_load %arg13[%get3A_848, %get3A_849, %get3A_850] {strides = array<i32>} : memref<2x320x64xbf16, #tpu.memory_space<vmem>>, vector<32xbf16>,
        %mul3A_852 = arith.constant 20 : i32
        %mul3A_853 = arith.muli %scan3A_235, %mul3A_852 : i32
        %add3A_854 = arith.constant 11 : i32
        %add3A_855 = arith.addi %mul3A_853, %add3A_854 : i32
        %get3A_856 = arith.constant 0 : i32
        %get3A_857 = arith.index_cast %get3A_856 : i32 to index
        %get3A_858 = arith.index_cast %add3A_855 : i32 to index
        %get3A_859 = arith.constant 32 : index
        %get3A_860 = tpu.vector_load %arg13[%get3A_857, %get3A_858, %get3A_859] {strides = array<i32>} : memref<2x320x64xbf16, #tpu.memory_space<vmem>>, vector<32xbf16>,
        %unpack3A_861 = tpu.unpack_subelements %get3A_851, 0 {pack_format = #tpu.pack_format<interleaved>} : vector<32xbf16> -> vector<16xf32>
        %unpack3A_862 = tpu.unpack_subelements %get3A_851, 1 {pack_format = #tpu.pack_format<interleaved>} : vector<32xbf16> -> vector<16xf32>
        %unpack3A_863 = tpu.unpack_subelements %get3A_860, 0 {pack_format = #tpu.pack_format<interleaved>} : vector<32xbf16> -> vector<16xf32>
        %unpack3A_864 = tpu.unpack_subelements %get3A_860, 1 {pack_format = #tpu.pack_format<interleaved>} : vector<32xbf16> -> vector<16xf32>
        %mul3A_865 = arith.mulf %unpack3A_861, %unpack3A : vector<16xf32>
        %mul3A_866 = arith.mulf %unpack3A_862, %unpack3A_315 : vector<16xf32>
        %add3A_867 = arith.addf %mul3A_865, %mul3A_866 : vector<16xf32>
        %mul3A_868 = arith.mulf %unpack3A_863, %unpack3A_395 : vector<16xf32>
        %add3A_869 = arith.addf %add3A_867, %mul3A_868 : vector<16xf32>
        %mul3A_870 = arith.mulf %unpack3A_864, %unpack3A_396 : vector<16xf32>
        %add3A_871 = arith.addf %add3A_869, %mul3A_870 : vector<16xf32>
        %mul3A_872 = arith.constant 336 : i32
        %mul3A_873 = vector.broadcast %mul3A_872 : i32 to vector<16xi32>
        %mul3A_874 = arith.muli %iota3A, %mul3A_873 : vector<16xi32>
        %add3A_875 = arith.constant 1 : i32
        %add3A_876 = arith.addi %mul3A_398, %add3A_875 : i32
        %add3A_877 = arith.constant 11 : i32
        %add3A_878 = arith.addi %add3A_876, %add3A_877 : i32
        %add3A_879 = vector.broadcast %add3A_878 : i32 to vector<16xi32>
        %add3A_880 = arith.addi %mul3A_874, %add3A_879 : vector<16xi32>
        tpu.vector_store_idx %arg14[%add3A_880], %add3A_871 : memref<5376xf32, #tpu.memory_space<vmem>>[vector<16xi32>], vector<16xf32>,
        %mul3A_881 = arith.constant 20 : i32
        %mul3A_882 = arith.muli %scan3A_235, %mul3A_881 : i32
        %add3A_883 = arith.constant 12 : i32
        %add3A_884 = arith.addi %mul3A_882, %add3A_883 : i32
        %get3A_885 = arith.constant 0 : i32
        %get3A_886 = arith.index_cast %get3A_885 : i32 to index
        %get3A_887 = arith.index_cast %add3A_884 : i32 to index
        %get3A_888 = arith.constant 0 : index
        %get3A_889 = tpu.vector_load %arg13[%get3A_886, %get3A_887, %get3A_888] {strides = array<i32>} : memref<2x320x64xbf16, #tpu.memory_space<vmem>>, vector<32xbf16>,
        %mul3A_890 = arith.constant 20 : i32
        %mul3A_891 = arith.muli %scan3A_235, %mul3A_890 : i32
        %add3A_892 = arith.constant 12 : i32
        %add3A_893 = arith.addi %mul3A_891, %add3A_892 : i32
        %get3A_894 = arith.constant 0 : i32
        %get3A_895 = arith.index_cast %get3A_894 : i32 to index
        %get3A_896 = arith.index_cast %add3A_893 : i32 to index
        %get3A_897 = arith.constant 32 : index
        %get3A_898 = tpu.vector_load %arg13[%get3A_895, %get3A_896, %get3A_897] {strides = array<i32>} : memref<2x320x64xbf16, #tpu.memory_space<vmem>>, vector<32xbf16>,
        %unpack3A_899 = tpu.unpack_subelements %get3A_889, 0 {pack_format = #tpu.pack_format<interleaved>} : vector<32xbf16> -> vector<16xf32>
        %unpack3A_900 = tpu.unpack_subelements %get3A_889, 1 {pack_format = #tpu.pack_format<interleaved>} : vector<32xbf16> -> vector<16xf32>
        %unpack3A_901 = tpu.unpack_subelements %get3A_898, 0 {pack_format = #tpu.pack_format<interleaved>} : vector<32xbf16> -> vector<16xf32>
        %unpack3A_902 = tpu.unpack_subelements %get3A_898, 1 {pack_format = #tpu.pack_format<interleaved>} : vector<32xbf16> -> vector<16xf32>
        %mul3A_903 = arith.mulf %unpack3A_899, %unpack3A : vector<16xf32>
        %mul3A_904 = arith.mulf %unpack3A_900, %unpack3A_315 : vector<16xf32>
        %add3A_905 = arith.addf %mul3A_903, %mul3A_904 : vector<16xf32>
        %mul3A_906 = arith.mulf %unpack3A_901, %unpack3A_395 : vector<16xf32>
        %add3A_907 = arith.addf %add3A_905, %mul3A_906 : vector<16xf32>
        %mul3A_908 = arith.mulf %unpack3A_902, %unpack3A_396 : vector<16xf32>
        %add3A_909 = arith.addf %add3A_907, %mul3A_908 : vector<16xf32>
        %mul3A_910 = arith.constant 336 : i32
        %mul3A_911 = vector.broadcast %mul3A_910 : i32 to vector<16xi32>
        %mul3A_912 = arith.muli %iota3A, %mul3A_911 : vector<16xi32>
        %add3A_913 = arith.constant 1 : i32
        %add3A_914 = arith.addi %mul3A_398, %add3A_913 : i32
        %add3A_915 = arith.constant 12 : i32
        %add3A_916 = arith.addi %add3A_914, %add3A_915 : i32
        %add3A_917 = vector.broadcast %add3A_916 : i32 to vector<16xi32>
        %add3A_918 = arith.addi %mul3A_912, %add3A_917 : vector<16xi32>
        tpu.vector_store_idx %arg14[%add3A_918], %add3A_909 : memref<5376xf32, #tpu.memory_space<vmem>>[vector<16xi32>], vector<16xf32>,
        %mul3A_919 = arith.constant 20 : i32
        %mul3A_920 = arith.muli %scan3A_235, %mul3A_919 : i32
        %add3A_921 = arith.constant 13 : i32
        %add3A_922 = arith.addi %mul3A_920, %add3A_921 : i32
        %get3A_923 = arith.constant 0 : i32
        %get3A_924 = arith.index_cast %get3A_923 : i32 to index
        %get3A_925 = arith.index_cast %add3A_922 : i32 to index
        %get3A_926 = arith.constant 0 : index
        %get3A_927 = tpu.vector_load %arg13[%get3A_924, %get3A_925, %get3A_926] {strides = array<i32>} : memref<2x320x64xbf16, #tpu.memory_space<vmem>>, vector<32xbf16>,
        %mul3A_928 = arith.constant 20 : i32
        %mul3A_929 = arith.muli %scan3A_235, %mul3A_928 : i32
        %add3A_930 = arith.constant 13 : i32
        %add3A_931 = arith.addi %mul3A_929, %add3A_930 : i32
        %get3A_932 = arith.constant 0 : i32
        %get3A_933 = arith.index_cast %get3A_932 : i32 to index
        %get3A_934 = arith.index_cast %add3A_931 : i32 to index
        %get3A_935 = arith.constant 32 : index
        %get3A_936 = tpu.vector_load %arg13[%get3A_933, %get3A_934, %get3A_935] {strides = array<i32>} : memref<2x320x64xbf16, #tpu.memory_space<vmem>>, vector<32xbf16>,
        %unpack3A_937 = tpu.unpack_subelements %get3A_927, 0 {pack_format = #tpu.pack_format<interleaved>} : vector<32xbf16> -> vector<16xf32>
        %unpack3A_938 = tpu.unpack_subelements %get3A_927, 1 {pack_format = #tpu.pack_format<interleaved>} : vector<32xbf16> -> vector<16xf32>
        %unpack3A_939 = tpu.unpack_subelements %get3A_936, 0 {pack_format = #tpu.pack_format<interleaved>} : vector<32xbf16> -> vector<16xf32>
        %unpack3A_940 = tpu.unpack_subelements %get3A_936, 1 {pack_format = #tpu.pack_format<interleaved>} : vector<32xbf16> -> vector<16xf32>
        %mul3A_941 = arith.mulf %unpack3A_937, %unpack3A : vector<16xf32>
        %mul3A_942 = arith.mulf %unpack3A_938, %unpack3A_315 : vector<16xf32>
        %add3A_943 = arith.addf %mul3A_941, %mul3A_942 : vector<16xf32>
        %mul3A_944 = arith.mulf %unpack3A_939, %unpack3A_395 : vector<16xf32>
        %add3A_945 = arith.addf %add3A_943, %mul3A_944 : vector<16xf32>
        %mul3A_946 = arith.mulf %unpack3A_940, %unpack3A_396 : vector<16xf32>
        %add3A_947 = arith.addf %add3A_945, %mul3A_946 : vector<16xf32>
        %mul3A_948 = arith.constant 336 : i32
        %mul3A_949 = vector.broadcast %mul3A_948 : i32 to vector<16xi32>
        %mul3A_950 = arith.muli %iota3A, %mul3A_949 : vector<16xi32>
        %add3A_951 = arith.constant 1 : i32
        %add3A_952 = arith.addi %mul3A_398, %add3A_951 : i32
        %add3A_953 = arith.constant 13 : i32
        %add3A_954 = arith.addi %add3A_952, %add3A_953 : i32
        %add3A_955 = vector.broadcast %add3A_954 : i32 to vector<16xi32>
        %add3A_956 = arith.addi %mul3A_950, %add3A_955 : vector<16xi32>
        tpu.vector_store_idx %arg14[%add3A_956], %add3A_947 : memref<5376xf32, #tpu.memory_space<vmem>>[vector<16xi32>], vector<16xf32>,
        %mul3A_957 = arith.constant 20 : i32
        %mul3A_958 = arith.muli %scan3A_235, %mul3A_957 : i32
        %add3A_959 = arith.constant 14 : i32
        %add3A_960 = arith.addi %mul3A_958, %add3A_959 : i32
        %get3A_961 = arith.constant 0 : i32
        %get3A_962 = arith.index_cast %get3A_961 : i32 to index
        %get3A_963 = arith.index_cast %add3A_960 : i32 to index
        %get3A_964 = arith.constant 0 : index
        %get3A_965 = tpu.vector_load %arg13[%get3A_962, %get3A_963, %get3A_964] {strides = array<i32>} : memref<2x320x64xbf16, #tpu.memory_space<vmem>>, vector<32xbf16>,
        %mul3A_966 = arith.constant 20 : i32
        %mul3A_967 = arith.muli %scan3A_235, %mul3A_966 : i32
        %add3A_968 = arith.constant 14 : i32
        %add3A_969 = arith.addi %mul3A_967, %add3A_968 : i32
        %get3A_970 = arith.constant 0 : i32
        %get3A_971 = arith.index_cast %get3A_970 : i32 to index
        %get3A_972 = arith.index_cast %add3A_969 : i32 to index
        %get3A_973 = arith.constant 32 : index
        %get3A_974 = tpu.vector_load %arg13[%get3A_971, %get3A_972, %get3A_973] {strides = array<i32>} : memref<2x320x64xbf16, #tpu.memory_space<vmem>>, vector<32xbf16>,
        %unpack3A_975 = tpu.unpack_subelements %get3A_965, 0 {pack_format = #tpu.pack_format<interleaved>} : vector<32xbf16> -> vector<16xf32>
        %unpack3A_976 = tpu.unpack_subelements %get3A_965, 1 {pack_format = #tpu.pack_format<interleaved>} : vector<32xbf16> -> vector<16xf32>
        %unpack3A_977 = tpu.unpack_subelements %get3A_974, 0 {pack_format = #tpu.pack_format<interleaved>} : vector<32xbf16> -> vector<16xf32>
        %unpack3A_978 = tpu.unpack_subelements %get3A_974, 1 {pack_format = #tpu.pack_format<interleaved>} : vector<32xbf16> -> vector<16xf32>
        %mul3A_979 = arith.mulf %unpack3A_975, %unpack3A : vector<16xf32>
        %mul3A_980 = arith.mulf %unpack3A_976, %unpack3A_315 : vector<16xf32>
        %add3A_981 = arith.addf %mul3A_979, %mul3A_980 : vector<16xf32>
        %mul3A_982 = arith.mulf %unpack3A_977, %unpack3A_395 : vector<16xf32>
        %add3A_983 = arith.addf %add3A_981, %mul3A_982 : vector<16xf32>
        %mul3A_984 = arith.mulf %unpack3A_978, %unpack3A_396 : vector<16xf32>
        %add3A_985 = arith.addf %add3A_983, %mul3A_984 : vector<16xf32>
        %mul3A_986 = arith.constant 336 : i32
        %mul3A_987 = vector.broadcast %mul3A_986 : i32 to vector<16xi32>
        %mul3A_988 = arith.muli %iota3A, %mul3A_987 : vector<16xi32>
        %add3A_989 = arith.constant 1 : i32
        %add3A_990 = arith.addi %mul3A_398, %add3A_989 : i32
        %add3A_991 = arith.constant 14 : i32
        %add3A_992 = arith.addi %add3A_990, %add3A_991 : i32
        %add3A_993 = vector.broadcast %add3A_992 : i32 to vector<16xi32>
        %add3A_994 = arith.addi %mul3A_988, %add3A_993 : vector<16xi32>
        tpu.vector_store_idx %arg14[%add3A_994], %add3A_985 : memref<5376xf32, #tpu.memory_space<vmem>>[vector<16xi32>], vector<16xf32>,
        %mul3A_995 = arith.constant 20 : i32
        %mul3A_996 = arith.muli %scan3A_235, %mul3A_995 : i32
        %add3A_997 = arith.constant 15 : i32
        %add3A_998 = arith.addi %mul3A_996, %add3A_997 : i32
        %get3A_999 = arith.constant 0 : i32
        %get3A_1000 = arith.index_cast %get3A_999 : i32 to index
        %get3A_1001 = arith.index_cast %add3A_998 : i32 to index
        %get3A_1002 = arith.constant 0 : index
        %get3A_1003 = tpu.vector_load %arg13[%get3A_1000, %get3A_1001, %get3A_1002] {strides = array<i32>} : memref<2x320x64xbf16, #tpu.memory_space<vmem>>, vector<32xbf16>,
        %mul3A_1004 = arith.constant 20 : i32
        %mul3A_1005 = arith.muli %scan3A_235, %mul3A_1004 : i32
        %add3A_1006 = arith.constant 15 : i32
        %add3A_1007 = arith.addi %mul3A_1005, %add3A_1006 : i32
        %get3A_1008 = arith.constant 0 : i32
        %get3A_1009 = arith.index_cast %get3A_1008 : i32 to index
        %get3A_1010 = arith.index_cast %add3A_1007 : i32 to index
        %get3A_1011 = arith.constant 32 : index
        %get3A_1012 = tpu.vector_load %arg13[%get3A_1009, %get3A_1010, %get3A_1011] {strides = array<i32>} : memref<2x320x64xbf16, #tpu.memory_space<vmem>>, vector<32xbf16>,
        %unpack3A_1013 = tpu.unpack_subelements %get3A_1003, 0 {pack_format = #tpu.pack_format<interleaved>} : vector<32xbf16> -> vector<16xf32>
        %unpack3A_1014 = tpu.unpack_subelements %get3A_1003, 1 {pack_format = #tpu.pack_format<interleaved>} : vector<32xbf16> -> vector<16xf32>
        %unpack3A_1015 = tpu.unpack_subelements %get3A_1012, 0 {pack_format = #tpu.pack_format<interleaved>} : vector<32xbf16> -> vector<16xf32>
        %unpack3A_1016 = tpu.unpack_subelements %get3A_1012, 1 {pack_format = #tpu.pack_format<interleaved>} : vector<32xbf16> -> vector<16xf32>
        %mul3A_1017 = arith.mulf %unpack3A_1013, %unpack3A : vector<16xf32>
        %mul3A_1018 = arith.mulf %unpack3A_1014, %unpack3A_315 : vector<16xf32>
        %add3A_1019 = arith.addf %mul3A_1017, %mul3A_1018 : vector<16xf32>
        %mul3A_1020 = arith.mulf %unpack3A_1015, %unpack3A_395 : vector<16xf32>
        %add3A_1021 = arith.addf %add3A_1019, %mul3A_1020 : vector<16xf32>
        %mul3A_1022 = arith.mulf %unpack3A_1016, %unpack3A_396 : vector<16xf32>
        %add3A_1023 = arith.addf %add3A_1021, %mul3A_1022 : vector<16xf32>
        %mul3A_1024 = arith.constant 336 : i32
        %mul3A_1025 = vector.broadcast %mul3A_1024 : i32 to vector<16xi32>
        %mul3A_1026 = arith.muli %iota3A, %mul3A_1025 : vector<16xi32>
        %add3A_1027 = arith.constant 1 : i32
        %add3A_1028 = arith.addi %mul3A_398, %add3A_1027 : i32
        %add3A_1029 = arith.constant 15 : i32
        %add3A_1030 = arith.addi %add3A_1028, %add3A_1029 : i32
        %add3A_1031 = vector.broadcast %add3A_1030 : i32 to vector<16xi32>
        %add3A_1032 = arith.addi %mul3A_1026, %add3A_1031 : vector<16xi32>
        tpu.vector_store_idx %arg14[%add3A_1032], %add3A_1023 : memref<5376xf32, #tpu.memory_space<vmem>>[vector<16xi32>], vector<16xf32>,
        %mul3A_1033 = arith.constant 20 : i32
        %mul3A_1034 = arith.muli %scan3A_235, %mul3A_1033 : i32
        %add3A_1035 = arith.constant 16 : i32
        %add3A_1036 = arith.addi %mul3A_1034, %add3A_1035 : i32
        %get3A_1037 = arith.constant 0 : i32
        %get3A_1038 = arith.index_cast %get3A_1037 : i32 to index
        %get3A_1039 = arith.index_cast %add3A_1036 : i32 to index
        %get3A_1040 = arith.constant 0 : index
        %get3A_1041 = tpu.vector_load %arg13[%get3A_1038, %get3A_1039, %get3A_1040] {strides = array<i32>} : memref<2x320x64xbf16, #tpu.memory_space<vmem>>, vector<32xbf16>,
        %mul3A_1042 = arith.constant 20 : i32
        %mul3A_1043 = arith.muli %scan3A_235, %mul3A_1042 : i32
        %add3A_1044 = arith.constant 16 : i32
        %add3A_1045 = arith.addi %mul3A_1043, %add3A_1044 : i32
        %get3A_1046 = arith.constant 0 : i32
        %get3A_1047 = arith.index_cast %get3A_1046 : i32 to index
        %get3A_1048 = arith.index_cast %add3A_1045 : i32 to index
        %get3A_1049 = arith.constant 32 : index
        %get3A_1050 = tpu.vector_load %arg13[%get3A_1047, %get3A_1048, %get3A_1049] {strides = array<i32>} : memref<2x320x64xbf16, #tpu.memory_space<vmem>>, vector<32xbf16>,
        %unpack3A_1051 = tpu.unpack_subelements %get3A_1041, 0 {pack_format = #tpu.pack_format<interleaved>} : vector<32xbf16> -> vector<16xf32>
        %unpack3A_1052 = tpu.unpack_subelements %get3A_1041, 1 {pack_format = #tpu.pack_format<interleaved>} : vector<32xbf16> -> vector<16xf32>
        %unpack3A_1053 = tpu.unpack_subelements %get3A_1050, 0 {pack_format = #tpu.pack_format<interleaved>} : vector<32xbf16> -> vector<16xf32>
        %unpack3A_1054 = tpu.unpack_subelements %get3A_1050, 1 {pack_format = #tpu.pack_format<interleaved>} : vector<32xbf16> -> vector<16xf32>
        %mul3A_1055 = arith.mulf %unpack3A_1051, %unpack3A : vector<16xf32>
        %mul3A_1056 = arith.mulf %unpack3A_1052, %unpack3A_315 : vector<16xf32>
        %add3A_1057 = arith.addf %mul3A_1055, %mul3A_1056 : vector<16xf32>
        %mul3A_1058 = arith.mulf %unpack3A_1053, %unpack3A_395 : vector<16xf32>
        %add3A_1059 = arith.addf %add3A_1057, %mul3A_1058 : vector<16xf32>
        %mul3A_1060 = arith.mulf %unpack3A_1054, %unpack3A_396 : vector<16xf32>
        %add3A_1061 = arith.addf %add3A_1059, %mul3A_1060 : vector<16xf32>
        %mul3A_1062 = arith.constant 336 : i32
        %mul3A_1063 = vector.broadcast %mul3A_1062 : i32 to vector<16xi32>
        %mul3A_1064 = arith.muli %iota3A, %mul3A_1063 : vector<16xi32>
        %add3A_1065 = arith.constant 1 : i32
        %add3A_1066 = arith.addi %mul3A_398, %add3A_1065 : i32
        %add3A_1067 = arith.constant 16 : i32
        %add3A_1068 = arith.addi %add3A_1066, %add3A_1067 : i32
        %add3A_1069 = vector.broadcast %add3A_1068 : i32 to vector<16xi32>
        %add3A_1070 = arith.addi %mul3A_1064, %add3A_1069 : vector<16xi32>
        tpu.vector_store_idx %arg14[%add3A_1070], %add3A_1061 : memref<5376xf32, #tpu.memory_space<vmem>>[vector<16xi32>], vector<16xf32>,
        %mul3A_1071 = arith.constant 20 : i32
        %mul3A_1072 = arith.muli %scan3A_235, %mul3A_1071 : i32
        %add3A_1073 = arith.constant 17 : i32
        %add3A_1074 = arith.addi %mul3A_1072, %add3A_1073 : i32
        %get3A_1075 = arith.constant 0 : i32
        %get3A_1076 = arith.index_cast %get3A_1075 : i32 to index
        %get3A_1077 = arith.index_cast %add3A_1074 : i32 to index
        %get3A_1078 = arith.constant 0 : index
        %get3A_1079 = tpu.vector_load %arg13[%get3A_1076, %get3A_1077, %get3A_1078] {strides = array<i32>} : memref<2x320x64xbf16, #tpu.memory_space<vmem>>, vector<32xbf16>,
        %mul3A_1080 = arith.constant 20 : i32
        %mul3A_1081 = arith.muli %scan3A_235, %mul3A_1080 : i32
        %add3A_1082 = arith.constant 17 : i32
        %add3A_1083 = arith.addi %mul3A_1081, %add3A_1082 : i32
        %get3A_1084 = arith.constant 0 : i32
        %get3A_1085 = arith.index_cast %get3A_1084 : i32 to index
        %get3A_1086 = arith.index_cast %add3A_1083 : i32 to index
        %get3A_1087 = arith.constant 32 : index
        %get3A_1088 = tpu.vector_load %arg13[%get3A_1085, %get3A_1086, %get3A_1087] {strides = array<i32>} : memref<2x320x64xbf16, #tpu.memory_space<vmem>>, vector<32xbf16>,
        %unpack3A_1089 = tpu.unpack_subelements %get3A_1079, 0 {pack_format = #tpu.pack_format<interleaved>} : vector<32xbf16> -> vector<16xf32>
        %unpack3A_1090 = tpu.unpack_subelements %get3A_1079, 1 {pack_format = #tpu.pack_format<interleaved>} : vector<32xbf16> -> vector<16xf32>
        %unpack3A_1091 = tpu.unpack_subelements %get3A_1088, 0 {pack_format = #tpu.pack_format<interleaved>} : vector<32xbf16> -> vector<16xf32>
        %unpack3A_1092 = tpu.unpack_subelements %get3A_1088, 1 {pack_format = #tpu.pack_format<interleaved>} : vector<32xbf16> -> vector<16xf32>
        %mul3A_1093 = arith.mulf %unpack3A_1089, %unpack3A : vector<16xf32>
        %mul3A_1094 = arith.mulf %unpack3A_1090, %unpack3A_315 : vector<16xf32>
        %add3A_1095 = arith.addf %mul3A_1093, %mul3A_1094 : vector<16xf32>
        %mul3A_1096 = arith.mulf %unpack3A_1091, %unpack3A_395 : vector<16xf32>
        %add3A_1097 = arith.addf %add3A_1095, %mul3A_1096 : vector<16xf32>
        %mul3A_1098 = arith.mulf %unpack3A_1092, %unpack3A_396 : vector<16xf32>
        %add3A_1099 = arith.addf %add3A_1097, %mul3A_1098 : vector<16xf32>
        %mul3A_1100 = arith.constant 336 : i32
        %mul3A_1101 = vector.broadcast %mul3A_1100 : i32 to vector<16xi32>
        %mul3A_1102 = arith.muli %iota3A, %mul3A_1101 : vector<16xi32>
        %add3A_1103 = arith.constant 1 : i32
        %add3A_1104 = arith.addi %mul3A_398, %add3A_1103 : i32
        %add3A_1105 = arith.constant 17 : i32
        %add3A_1106 = arith.addi %add3A_1104, %add3A_1105 : i32
        %add3A_1107 = vector.broadcast %add3A_1106 : i32 to vector<16xi32>
        %add3A_1108 = arith.addi %mul3A_1102, %add3A_1107 : vector<16xi32>
        tpu.vector_store_idx %arg14[%add3A_1108], %add3A_1099 : memref<5376xf32, #tpu.memory_space<vmem>>[vector<16xi32>], vector<16xf32>,
        %mul3A_1109 = arith.constant 20 : i32
        %mul3A_1110 = arith.muli %scan3A_235, %mul3A_1109 : i32
        %add3A_1111 = arith.constant 18 : i32
        %add3A_1112 = arith.addi %mul3A_1110, %add3A_1111 : i32
        %get3A_1113 = arith.constant 0 : i32
        %get3A_1114 = arith.index_cast %get3A_1113 : i32 to index
        %get3A_1115 = arith.index_cast %add3A_1112 : i32 to index
        %get3A_1116 = arith.constant 0 : index
        %get3A_1117 = tpu.vector_load %arg13[%get3A_1114, %get3A_1115, %get3A_1116] {strides = array<i32>} : memref<2x320x64xbf16, #tpu.memory_space<vmem>>, vector<32xbf16>,
        %mul3A_1118 = arith.constant 20 : i32
        %mul3A_1119 = arith.muli %scan3A_235, %mul3A_1118 : i32
        %add3A_1120 = arith.constant 18 : i32
        %add3A_1121 = arith.addi %mul3A_1119, %add3A_1120 : i32
        %get3A_1122 = arith.constant 0 : i32
        %get3A_1123 = arith.index_cast %get3A_1122 : i32 to index
        %get3A_1124 = arith.index_cast %add3A_1121 : i32 to index
        %get3A_1125 = arith.constant 32 : index
        %get3A_1126 = tpu.vector_load %arg13[%get3A_1123, %get3A_1124, %get3A_1125] {strides = array<i32>} : memref<2x320x64xbf16, #tpu.memory_space<vmem>>, vector<32xbf16>,
        %unpack3A_1127 = tpu.unpack_subelements %get3A_1117, 0 {pack_format = #tpu.pack_format<interleaved>} : vector<32xbf16> -> vector<16xf32>
        %unpack3A_1128 = tpu.unpack_subelements %get3A_1117, 1 {pack_format = #tpu.pack_format<interleaved>} : vector<32xbf16> -> vector<16xf32>
        %unpack3A_1129 = tpu.unpack_subelements %get3A_1126, 0 {pack_format = #tpu.pack_format<interleaved>} : vector<32xbf16> -> vector<16xf32>
        %unpack3A_1130 = tpu.unpack_subelements %get3A_1126, 1 {pack_format = #tpu.pack_format<interleaved>} : vector<32xbf16> -> vector<16xf32>
        %mul3A_1131 = arith.mulf %unpack3A_1127, %unpack3A : vector<16xf32>
        %mul3A_1132 = arith.mulf %unpack3A_1128, %unpack3A_315 : vector<16xf32>
        %add3A_1133 = arith.addf %mul3A_1131, %mul3A_1132 : vector<16xf32>
        %mul3A_1134 = arith.mulf %unpack3A_1129, %unpack3A_395 : vector<16xf32>
        %add3A_1135 = arith.addf %add3A_1133, %mul3A_1134 : vector<16xf32>
        %mul3A_1136 = arith.mulf %unpack3A_1130, %unpack3A_396 : vector<16xf32>
        %add3A_1137 = arith.addf %add3A_1135, %mul3A_1136 : vector<16xf32>
        %mul3A_1138 = arith.constant 336 : i32
        %mul3A_1139 = vector.broadcast %mul3A_1138 : i32 to vector<16xi32>
        %mul3A_1140 = arith.muli %iota3A, %mul3A_1139 : vector<16xi32>
        %add3A_1141 = arith.constant 1 : i32
        %add3A_1142 = arith.addi %mul3A_398, %add3A_1141 : i32
        %add3A_1143 = arith.constant 18 : i32
        %add3A_1144 = arith.addi %add3A_1142, %add3A_1143 : i32
        %add3A_1145 = vector.broadcast %add3A_1144 : i32 to vector<16xi32>
        %add3A_1146 = arith.addi %mul3A_1140, %add3A_1145 : vector<16xi32>
        tpu.vector_store_idx %arg14[%add3A_1146], %add3A_1137 : memref<5376xf32, #tpu.memory_space<vmem>>[vector<16xi32>], vector<16xf32>,
        %mul3A_1147 = arith.constant 20 : i32
        %mul3A_1148 = arith.muli %scan3A_235, %mul3A_1147 : i32
        %add3A_1149 = arith.constant 19 : i32
        %add3A_1150 = arith.addi %mul3A_1148, %add3A_1149 : i32
        %get3A_1151 = arith.constant 0 : i32
        %get3A_1152 = arith.index_cast %get3A_1151 : i32 to index
        %get3A_1153 = arith.index_cast %add3A_1150 : i32 to index
        %get3A_1154 = arith.constant 0 : index
        %get3A_1155 = tpu.vector_load %arg13[%get3A_1152, %get3A_1153, %get3A_1154] {strides = array<i32>} : memref<2x320x64xbf16, #tpu.memory_space<vmem>>, vector<32xbf16>,
        %mul3A_1156 = arith.constant 20 : i32
        %mul3A_1157 = arith.muli %scan3A_235, %mul3A_1156 : i32
        %add3A_1158 = arith.constant 19 : i32
        %add3A_1159 = arith.addi %mul3A_1157, %add3A_1158 : i32
        %get3A_1160 = arith.constant 0 : i32
        %get3A_1161 = arith.index_cast %get3A_1160 : i32 to index
        %get3A_1162 = arith.index_cast %add3A_1159 : i32 to index
        %get3A_1163 = arith.constant 32 : index
        %get3A_1164 = tpu.vector_load %arg13[%get3A_1161, %get3A_1162, %get3A_1163] {strides = array<i32>} : memref<2x320x64xbf16, #tpu.memory_space<vmem>>, vector<32xbf16>,
        %unpack3A_1165 = tpu.unpack_subelements %get3A_1155, 0 {pack_format = #tpu.pack_format<interleaved>} : vector<32xbf16> -> vector<16xf32>
        %unpack3A_1166 = tpu.unpack_subelements %get3A_1155, 1 {pack_format = #tpu.pack_format<interleaved>} : vector<32xbf16> -> vector<16xf32>
        %unpack3A_1167 = tpu.unpack_subelements %get3A_1164, 0 {pack_format = #tpu.pack_format<interleaved>} : vector<32xbf16> -> vector<16xf32>
        %unpack3A_1168 = tpu.unpack_subelements %get3A_1164, 1 {pack_format = #tpu.pack_format<interleaved>} : vector<32xbf16> -> vector<16xf32>
        %mul3A_1169 = arith.mulf %unpack3A_1165, %unpack3A : vector<16xf32>
        %mul3A_1170 = arith.mulf %unpack3A_1166, %unpack3A_315 : vector<16xf32>
        %add3A_1171 = arith.addf %mul3A_1169, %mul3A_1170 : vector<16xf32>
        %mul3A_1172 = arith.mulf %unpack3A_1167, %unpack3A_395 : vector<16xf32>
        %add3A_1173 = arith.addf %add3A_1171, %mul3A_1172 : vector<16xf32>
        %mul3A_1174 = arith.mulf %unpack3A_1168, %unpack3A_396 : vector<16xf32>
        %add3A_1175 = arith.addf %add3A_1173, %mul3A_1174 : vector<16xf32>
        %mul3A_1176 = arith.constant 336 : i32
        %mul3A_1177 = vector.broadcast %mul3A_1176 : i32 to vector<16xi32>
        %mul3A_1178 = arith.muli %iota3A, %mul3A_1177 : vector<16xi32>
        %add3A_1179 = arith.constant 1 : i32
        %add3A_1180 = arith.addi %mul3A_398, %add3A_1179 : i32
        %add3A_1181 = arith.constant 19 : i32
        %add3A_1182 = arith.addi %add3A_1180, %add3A_1181 : i32
        %add3A_1183 = vector.broadcast %add3A_1182 : i32 to vector<16xi32>
        %add3A_1184 = arith.addi %mul3A_1178, %add3A_1183 : vector<16xi32>
        tpu.vector_store_idx %arg14[%add3A_1184], %add3A_1175 : memref<5376xf32, #tpu.memory_space<vmem>>[vector<16xi32>], vector<16xf32>,
        %scan3A_1185 = arith.constant 0 : i32
        scf.yield %scan3A_1185 : i32
      }
      %scan3A_164 = arith.constant 16 : i32
      %scan3A_165 = arith.constant 0 : i32
      %scan3A_166 = arith.constant 0 : i32
      %scan3A_167 = arith.constant 21 : i32
      %scan3A_168 = arith.addi %scan3A_166, %scan3A_167 : i32
      %scan3A_169 = arith.constant 1 : i32
      %scan3A_170 = scf.for %scan3A_235 = %scan3A_166 to %scan3A_168 step %scan3A_169 iter_args(%scan3A_236 = %scan3A_165) -> (i32)  : i32 {
        %mul3A_237 = arith.constant 16 : i32
        %mul3A_238 = arith.muli %scan3A_235, %mul3A_237 : i32
        %get3A = arith.index_cast %mul3A_238 : i32 to index
        %get3A_239 = tpu.vector_load %arg14[%get3A] {strides = array<i32>} : memref<5376xf32, #tpu.memory_space<vmem>>, vector<16xf32>,
        %mul3A_240 = arith.constant 16 : i32
        %mul3A_241 = arith.muli %scan3A_235, %mul3A_240 : i32
        %add3A_242 = arith.constant 336 : i32
        %add3A_243 = arith.addi %add3A_242, %mul3A_241 : i32
        %get3A_244 = arith.index_cast %add3A_243 : i32 to index
        %get3A_245 = tpu.vector_load %arg14[%get3A_244] {strides = array<i32>} : memref<5376xf32, #tpu.memory_space<vmem>>, vector<16xf32>,
        %add3A_246 = arith.addf %get3A_239, %get3A_245 : vector<16xf32>
        %mul3A_247 = arith.constant 16 : i32
        %mul3A_248 = arith.muli %scan3A_235, %mul3A_247 : i32
        %add3A_249 = arith.constant 672 : i32
        %add3A_250 = arith.addi %add3A_249, %mul3A_248 : i32
        %get3A_251 = arith.index_cast %add3A_250 : i32 to index
        %get3A_252 = tpu.vector_load %arg14[%get3A_251] {strides = array<i32>} : memref<5376xf32, #tpu.memory_space<vmem>>, vector<16xf32>,
        %add3A_253 = arith.addf %add3A_246, %get3A_252 : vector<16xf32>
        %mul3A_254 = arith.constant 16 : i32
        %mul3A_255 = arith.muli %scan3A_235, %mul3A_254 : i32
        %add3A_256 = arith.constant 1008 : i32
        %add3A_257 = arith.addi %add3A_256, %mul3A_255 : i32
        %get3A_258 = arith.index_cast %add3A_257 : i32 to index
        %get3A_259 = tpu.vector_load %arg14[%get3A_258] {strides = array<i32>} : memref<5376xf32, #tpu.memory_space<vmem>>, vector<16xf32>,
        %add3A_260 = arith.addf %add3A_253, %get3A_259 : vector<16xf32>
        %mul3A_261 = arith.constant 16 : i32
        %mul3A_262 = arith.muli %scan3A_235, %mul3A_261 : i32
        %add3A_263 = arith.constant 1344 : i32
        %add3A_264 = arith.addi %add3A_263, %mul3A_262 : i32
        %get3A_265 = arith.index_cast %add3A_264 : i32 to index
        %get3A_266 = tpu.vector_load %arg14[%get3A_265] {strides = array<i32>} : memref<5376xf32, #tpu.memory_space<vmem>>, vector<16xf32>,
        %add3A_267 = arith.addf %add3A_260, %get3A_266 : vector<16xf32>
        %mul3A_268 = arith.constant 16 : i32
        %mul3A_269 = arith.muli %scan3A_235, %mul3A_268 : i32
        %add3A_270 = arith.constant 1680 : i32
        %add3A_271 = arith.addi %add3A_270, %mul3A_269 : i32
        %get3A_272 = arith.index_cast %add3A_271 : i32 to index
        %get3A_273 = tpu.vector_load %arg14[%get3A_272] {strides = array<i32>} : memref<5376xf32, #tpu.memory_space<vmem>>, vector<16xf32>,
        %add3A_274 = arith.addf %add3A_267, %get3A_273 : vector<16xf32>
        %mul3A_275 = arith.constant 16 : i32
        %mul3A_276 = arith.muli %scan3A_235, %mul3A_275 : i32
        %add3A_277 = arith.constant 2016 : i32
        %add3A_278 = arith.addi %add3A_277, %mul3A_276 : i32
        %get3A_279 = arith.index_cast %add3A_278 : i32 to index
        %get3A_280 = tpu.vector_load %arg14[%get3A_279] {strides = array<i32>} : memref<5376xf32, #tpu.memory_space<vmem>>, vector<16xf32>,
        %add3A_281 = arith.addf %add3A_274, %get3A_280 : vector<16xf32>
        %mul3A_282 = arith.constant 16 : i32
        %mul3A_283 = arith.muli %scan3A_235, %mul3A_282 : i32
        %add3A_284 = arith.constant 2352 : i32
        %add3A_285 = arith.addi %add3A_284, %mul3A_283 : i32
        %get3A_286 = arith.index_cast %add3A_285 : i32 to index
        %get3A_287 = tpu.vector_load %arg14[%get3A_286] {strides = array<i32>} : memref<5376xf32, #tpu.memory_space<vmem>>, vector<16xf32>,
        %add3A_288 = arith.addf %add3A_281, %get3A_287 : vector<16xf32>
        %mul3A_289 = arith.constant 16 : i32
        %mul3A_290 = arith.muli %scan3A_235, %mul3A_289 : i32
        %add3A_291 = arith.constant 2688 : i32
        %add3A_292 = arith.addi %add3A_291, %mul3A_290 : i32
        %get3A_293 = arith.index_cast %add3A_292 : i32 to index
        %get3A_294 = tpu.vector_load %arg14[%get3A_293] {strides = array<i32>} : memref<5376xf32, #tpu.memory_space<vmem>>, vector<16xf32>,
        %add3A_295 = arith.addf %add3A_288, %get3A_294 : vector<16xf32>
        %mul3A_296 = arith.constant 16 : i32
        %mul3A_297 = arith.muli %scan3A_235, %mul3A_296 : i32
        %add3A_298 = arith.constant 3024 : i32
        %add3A_299 = arith.addi %add3A_298, %mul3A_297 : i32
        %get3A_300 = arith.index_cast %add3A_299 : i32 to index
        %get3A_301 = tpu.vector_load %arg14[%get3A_300] {strides = array<i32>} : memref<5376xf32, #tpu.memory_space<vmem>>, vector<16xf32>,
        %add3A_302 = arith.addf %add3A_295, %get3A_301 : vector<16xf32>
        %mul3A_303 = arith.constant 16 : i32
        %mul3A_304 = arith.muli %scan3A_235, %mul3A_303 : i32
        %add3A_305 = arith.constant 3360 : i32
        %add3A_306 = arith.addi %add3A_305, %mul3A_304 : i32
        %get3A_307 = arith.index_cast %add3A_306 : i32 to index
        %get3A_308 = tpu.vector_load %arg14[%get3A_307] {strides = array<i32>} : memref<5376xf32, #tpu.memory_space<vmem>>, vector<16xf32>,
        %add3A_309 = arith.addf %add3A_302, %get3A_308 : vector<16xf32>
        %mul3A_310 = arith.constant 16 : i32
        %mul3A_311 = arith.muli %scan3A_235, %mul3A_310 : i32
        %add3A_312 = arith.constant 3696 : i32
        %add3A_313 = arith.addi %add3A_312, %mul3A_311 : i32
        %get3A_314 = arith.index_cast %add3A_313 : i32 to index
        %get3A_315 = tpu.vector_load %arg14[%get3A_314] {strides = array<i32>} : memref<5376xf32, #tpu.memory_space<vmem>>, vector<16xf32>,
        %add3A_316 = arith.addf %add3A_309, %get3A_315 : vector<16xf32>
        %mul3A_317 = arith.constant 16 : i32
        %mul3A_318 = arith.muli %scan3A_235, %mul3A_317 : i32
        %add3A_319 = arith.constant 4032 : i32
        %add3A_320 = arith.addi %add3A_319, %mul3A_318 : i32
        %get3A_321 = arith.index_cast %add3A_320 : i32 to index
        %get3A_322 = tpu.vector_load %arg14[%get3A_321] {strides = array<i32>} : memref<5376xf32, #tpu.memory_space<vmem>>, vector<16xf32>,
        %add3A_323 = arith.addf %add3A_316, %get3A_322 : vector<16xf32>
        %mul3A_324 = arith.constant 16 : i32
        %mul3A_325 = arith.muli %scan3A_235, %mul3A_324 : i32
        %add3A_326 = arith.constant 4368 : i32
        %add3A_327 = arith.addi %add3A_326, %mul3A_325 : i32
        %get3A_328 = arith.index_cast %add3A_327 : i32 to index
        %get3A_329 = tpu.vector_load %arg14[%get3A_328] {strides = array<i32>} : memref<5376xf32, #tpu.memory_space<vmem>>, vector<16xf32>,
        %add3A_330 = arith.addf %add3A_323, %get3A_329 : vector<16xf32>
        %mul3A_331 = arith.constant 16 : i32
        %mul3A_332 = arith.muli %scan3A_235, %mul3A_331 : i32
        %add3A_333 = arith.constant 4704 : i32
        %add3A_334 = arith.addi %add3A_333, %mul3A_332 : i32
        %get3A_335 = arith.index_cast %add3A_334 : i32 to index
        %get3A_336 = tpu.vector_load %arg14[%get3A_335] {strides = array<i32>} : memref<5376xf32, #tpu.memory_space<vmem>>, vector<16xf32>,
        %add3A_337 = arith.addf %add3A_330, %get3A_336 : vector<16xf32>
        %mul3A_338 = arith.constant 16 : i32
        %mul3A_339 = arith.muli %scan3A_235, %mul3A_338 : i32
        %add3A_340 = arith.constant 5040 : i32
        %add3A_341 = arith.addi %add3A_340, %mul3A_339 : i32
        %get3A_342 = arith.index_cast %add3A_341 : i32 to index
        %get3A_343 = tpu.vector_load %arg14[%get3A_342] {strides = array<i32>} : memref<5376xf32, #tpu.memory_space<vmem>>, vector<16xf32>,
        %add3A_344 = arith.addf %add3A_337, %get3A_343 : vector<16xf32>
        %mul3A_345 = arith.constant 336 : i32
        %mul3A_346 = arith.muli %mul3A_65, %mul3A_345 : i32
        %mul3A_347 = arith.constant 16 : i32
        %mul3A_348 = arith.muli %scan3A_235, %mul3A_347 : i32
        %add3A_349 = arith.addi %mul3A_346, %mul3A_348 : i32
        %swap3A = arith.index_cast %add3A_349 : i32 to index
        %swap3A_350 = tpu.vector_load %arg15[%swap3A] {strides = array<i32>} : memref<10752xf32, #tpu.memory_space<vmem>>, vector<16xf32>,
        tpu.vector_store %arg15[%swap3A], %add3A_344 {strides = array<i32>} : memref<10752xf32, #tpu.memory_space<vmem>>, vector<16xf32>,
        %scan3A_351 = arith.constant 0 : i32
        scf.yield %scan3A_351 : i32
      }
      %scan3A_171 = arith.constant 21 : i32
      %add3A_172 = arith.constant 2 : i32
      %add3A_173 = arith.addi %mul3A_65, %add3A_172 : i32
      %lt3A = arith.constant 32 : i32
      %lt3A_174 = arith.cmpi slt, %add3A_173, %lt3A : i32
      %convert_element_type3A = arith.extui %lt3A_174 : i1 to i32
      %cond3A = arith.constant 0 : i32
      %cond3A_175 = arith.cmpi ne, %convert_element_type3A, %cond3A : i32
      scf.if %cond3A_175 {
        %add3A_235 = arith.constant 2 : i32
        %add3A_236 = arith.addi %mul3A_65, %add3A_235 : i32
        %mul3A_237 = arith.constant 16 : i32
        %mul3A_238 = arith.muli %add3A_236, %mul3A_237 : i32
        %mul3A_239 = arith.constant 8 : i32
        %mul3A_240 = arith.muli %mul3A_238, %mul3A_239 : i32
        %dma_start3A_241 = arith.constant 0 : i32
        %dma_start3A_242 = arith.constant 0 : i32
        %dma_start3A_243 = arith.constant 0 : i32
        %dma_start3A_244 = arith.constant 0 : i32
        %dma_start3A_245 = arith.constant 0 : i32
        %dma_start3A_246 = tpu.memref_slice %arg12[%dma_start3A_241, %dma_start3A_244, %dma_start3A_245] : memref<2x128x64xbf16, #tpu.memory_space<vmem>> -> memref<1x128x64xbf16, #tpu.memory_space<vmem>>
        %dma_start3A_247 = tpu.memref_squeeze %dma_start3A_246 : memref<1x128x64xbf16, #tpu.memory_space<vmem>> -> memref<128x64xbf16, #tpu.memory_space<vmem>>
        %dma_start3A_248 = tpu.memref_slice %arg9[%mul3A_240] : memref<4096xi32, #tpu.memory_space<vmem>> -> memref<128xi32, #tpu.memory_space<vmem>>
        %dma_start3A_249 = arith.constant 0 : i32
        %dma_start3A_250 = arith.constant 0 : i32
        %dma_start3A_251 = tpu.memref_slice %arg6[%dma_start3A_249, %dma_start3A_250] : memref<100000x64xbf16, #tpu.memory_space<hbm>> -> memref<100000x64xbf16, #tpu.memory_space<hbm>>
        %dma_start3A_252 = tpu.memref_slice %arg16[%dma_start3A_242, %dma_start3A_243] : memref<2x3x!tpu.dma_semaphore, #tpu.memory_space<semaphore_mem>> -> memref<1x1x!tpu.dma_semaphore, #tpu.memory_space<semaphore_mem>>
        %dma_start3A_253 = tpu.memref_squeeze %dma_start3A_252 : memref<1x1x!tpu.dma_semaphore, #tpu.memory_space<semaphore_mem>> -> memref<!tpu.dma_semaphore, #tpu.memory_space<semaphore_mem>>
        tpu.enqueue_indirect_dma source(%dma_start3A_251 : memref<100000x64xbf16, #tpu.memory_space<hbm>>) target(%dma_start3A_247 : memref<128x64xbf16, #tpu.memory_space<vmem>>) offsets(%dma_start3A_248 : memref<128xi32, #tpu.memory_space<vmem>>) semaphore(%dma_start3A_253 : memref<!tpu.dma_semaphore, #tpu.memory_space<semaphore_mem>>)
        %mul3A_254 = arith.constant 16 : i32
        %mul3A_255 = arith.muli %add3A_236, %mul3A_254 : i32
        %dma_start3A_256 = arith.constant 0 : i32
        %dma_start3A_257 = arith.constant 0 : i32
        %dma_start3A_258 = arith.constant 1 : i32
        %dma_start3A_259 = arith.constant 0 : i32
        %dma_start3A_260 = arith.constant 0 : i32
        %dma_start3A_261 = tpu.memref_slice %arg11[%dma_start3A_256, %dma_start3A_259, %dma_start3A_260] : memref<2x16x64xbf16, #tpu.memory_space<vmem>> -> memref<1x16x64xbf16, #tpu.memory_space<vmem>>
        %dma_start3A_262 = tpu.memref_squeeze %dma_start3A_261 : memref<1x16x64xbf16, #tpu.memory_space<vmem>> -> memref<16x64xbf16, #tpu.memory_space<vmem>>
        %dma_start3A_263 = tpu.memref_slice %arg8[%mul3A_255] : memref<512xi32, #tpu.memory_space<vmem>> -> memref<16xi32, #tpu.memory_space<vmem>>
        %dma_start3A_264 = arith.constant 0 : i32
        %dma_start3A_265 = arith.constant 0 : i32
        %dma_start3A_266 = tpu.memref_slice %arg5[%dma_start3A_264, %dma_start3A_265] : memref<100000x64xbf16, #tpu.memory_space<hbm>> -> memref<100000x64xbf16, #tpu.memory_space<hbm>>
        %dma_start3A_267 = tpu.memref_slice %arg16[%dma_start3A_257, %dma_start3A_258] : memref<2x3x!tpu.dma_semaphore, #tpu.memory_space<semaphore_mem>> -> memref<1x1x!tpu.dma_semaphore, #tpu.memory_space<semaphore_mem>>
        %dma_start3A_268 = tpu.memref_squeeze %dma_start3A_267 : memref<1x1x!tpu.dma_semaphore, #tpu.memory_space<semaphore_mem>> -> memref<!tpu.dma_semaphore, #tpu.memory_space<semaphore_mem>>
        tpu.enqueue_indirect_dma source(%dma_start3A_266 : memref<100000x64xbf16, #tpu.memory_space<hbm>>) target(%dma_start3A_262 : memref<16x64xbf16, #tpu.memory_space<vmem>>) offsets(%dma_start3A_263 : memref<16xi32, #tpu.memory_space<vmem>>) semaphore(%dma_start3A_268 : memref<!tpu.dma_semaphore, #tpu.memory_space<semaphore_mem>>)
        %mul3A_269 = arith.constant 16 : i32
        %mul3A_270 = arith.muli %add3A_236, %mul3A_269 : i32
        %mul3A_271 = arith.constant 20 : i32
        %mul3A_272 = arith.muli %mul3A_270, %mul3A_271 : i32
        %dma_start3A_273 = arith.constant 0 : i32
        %dma_start3A_274 = arith.constant 0 : i32
        %dma_start3A_275 = arith.constant 2 : i32
        %dma_start3A_276 = arith.constant 0 : i32
        %dma_start3A_277 = arith.constant 0 : i32
        %dma_start3A_278 = tpu.memref_slice %arg13[%dma_start3A_273, %dma_start3A_276, %dma_start3A_277] : memref<2x320x64xbf16, #tpu.memory_space<vmem>> -> memref<1x320x64xbf16, #tpu.memory_space<vmem>>
        %dma_start3A_279 = tpu.memref_squeeze %dma_start3A_278 : memref<1x320x64xbf16, #tpu.memory_space<vmem>> -> memref<320x64xbf16, #tpu.memory_space<vmem>>
        %dma_start3A_280 = tpu.memref_slice %arg10[%mul3A_272] : memref<10240xi32, #tpu.memory_space<vmem>> -> memref<320xi32, #tpu.memory_space<vmem>>
        %dma_start3A_281 = arith.constant 0 : i32
        %dma_start3A_282 = arith.constant 0 : i32
        %dma_start3A_283 = tpu.memref_slice %arg5[%dma_start3A_281, %dma_start3A_282] : memref<100000x64xbf16, #tpu.memory_space<hbm>> -> memref<100000x64xbf16, #tpu.memory_space<hbm>>
        %dma_start3A_284 = tpu.memref_slice %arg16[%dma_start3A_274, %dma_start3A_275] : memref<2x3x!tpu.dma_semaphore, #tpu.memory_space<semaphore_mem>> -> memref<1x1x!tpu.dma_semaphore, #tpu.memory_space<semaphore_mem>>
        %dma_start3A_285 = tpu.memref_squeeze %dma_start3A_284 : memref<1x1x!tpu.dma_semaphore, #tpu.memory_space<semaphore_mem>> -> memref<!tpu.dma_semaphore, #tpu.memory_space<semaphore_mem>>
        tpu.enqueue_indirect_dma source(%dma_start3A_283 : memref<100000x64xbf16, #tpu.memory_space<hbm>>) target(%dma_start3A_279 : memref<320x64xbf16, #tpu.memory_space<vmem>>) offsets(%dma_start3A_280 : memref<320xi32, #tpu.memory_space<vmem>>) semaphore(%dma_start3A_285 : memref<!tpu.dma_semaphore, #tpu.memory_space<semaphore_mem>>)
      } else {
      }
      %dma_wait3A_176 = arith.constant 1 : i32
      %dma_wait3A_177 = arith.constant 1 : i32
      %dma_wait3A_178 = arith.constant 0 : i32
      %dma_wait3A_179 = arith.constant 0 : i32
      %dma_wait3A_180 = arith.constant 0 : i32
      %dma_wait3A_181 = tpu.memref_slice %arg12[%dma_wait3A_176, %dma_wait3A_179, %dma_wait3A_180] : memref<2x128x64xbf16, #tpu.memory_space<vmem>> -> memref<1x128x64xbf16, #tpu.memory_space<vmem>>
      %dma_wait3A_182 = tpu.memref_squeeze %dma_wait3A_181 : memref<1x128x64xbf16, #tpu.memory_space<vmem>> -> memref<128x64xbf16, #tpu.memory_space<vmem>>
      %dma_wait3A_183 = arith.constant 0 : i32
      %dma_wait3A_184 = tpu.memref_slice %arg9[%dma_wait3A_183] : memref<4096xi32, #tpu.memory_space<vmem>> -> memref<128xi32, #tpu.memory_space<vmem>>
      %dma_wait3A_185 = arith.constant 0 : i32
      %dma_wait3A_186 = arith.constant 0 : i32
      %dma_wait3A_187 = tpu.memref_slice %arg6[%dma_wait3A_185, %dma_wait3A_186] : memref<100000x64xbf16, #tpu.memory_space<hbm>> -> memref<100000x64xbf16, #tpu.memory_space<hbm>>
      %dma_wait3A_188 = tpu.memref_slice %arg16[%dma_wait3A_177, %dma_wait3A_178] : memref<2x3x!tpu.dma_semaphore, #tpu.memory_space<semaphore_mem>> -> memref<1x1x!tpu.dma_semaphore, #tpu.memory_space<semaphore_mem>>
      %dma_wait3A_189 = tpu.memref_squeeze %dma_wait3A_188 : memref<1x1x!tpu.dma_semaphore, #tpu.memory_space<semaphore_mem>> -> memref<!tpu.dma_semaphore, #tpu.memory_space<semaphore_mem>>
      tpu.wait_indirect_dma semaphore(%dma_wait3A_189 : memref<!tpu.dma_semaphore, #tpu.memory_space<semaphore_mem>>) src(%dma_wait3A_187 : memref<100000x64xbf16, #tpu.memory_space<hbm>>) dst(%dma_wait3A_182 : memref<128x64xbf16, #tpu.memory_space<vmem>>)
      %dma_wait3A_190 = arith.constant 1 : i32
      %dma_wait3A_191 = arith.constant 1 : i32
      %dma_wait3A_192 = arith.constant 1 : i32
      %dma_wait3A_193 = arith.constant 0 : i32
      %dma_wait3A_194 = arith.constant 0 : i32
      %dma_wait3A_195 = tpu.memref_slice %arg11[%dma_wait3A_190, %dma_wait3A_193, %dma_wait3A_194] : memref<2x16x64xbf16, #tpu.memory_space<vmem>> -> memref<1x16x64xbf16, #tpu.memory_space<vmem>>
      %dma_wait3A_196 = tpu.memref_squeeze %dma_wait3A_195 : memref<1x16x64xbf16, #tpu.memory_space<vmem>> -> memref<16x64xbf16, #tpu.memory_space<vmem>>
      %dma_wait3A_197 = arith.constant 0 : i32
      %dma_wait3A_198 = tpu.memref_slice %arg8[%dma_wait3A_197] : memref<512xi32, #tpu.memory_space<vmem>> -> memref<16xi32, #tpu.memory_space<vmem>>
      %dma_wait3A_199 = arith.constant 0 : i32
      %dma_wait3A_200 = arith.constant 0 : i32
      %dma_wait3A_201 = tpu.memref_slice %arg5[%dma_wait3A_199, %dma_wait3A_200] : memref<100000x64xbf16, #tpu.memory_space<hbm>> -> memref<100000x64xbf16, #tpu.memory_space<hbm>>
      %dma_wait3A_202 = tpu.memref_slice %arg16[%dma_wait3A_191, %dma_wait3A_192] : memref<2x3x!tpu.dma_semaphore, #tpu.memory_space<semaphore_mem>> -> memref<1x1x!tpu.dma_semaphore, #tpu.memory_space<semaphore_mem>>
      %dma_wait3A_203 = tpu.memref_squeeze %dma_wait3A_202 : memref<1x1x!tpu.dma_semaphore, #tpu.memory_space<semaphore_mem>> -> memref<!tpu.dma_semaphore, #tpu.memory_space<semaphore_mem>>
      tpu.wait_indirect_dma semaphore(%dma_wait3A_203 : memref<!tpu.dma_semaphore, #tpu.memory_space<semaphore_mem>>) src(%dma_wait3A_201 : memref<100000x64xbf16, #tpu.memory_space<hbm>>) dst(%dma_wait3A_196 : memref<16x64xbf16, #tpu.memory_space<vmem>>)
      %dma_wait3A_204 = arith.constant 1 : i32
      %dma_wait3A_205 = arith.constant 1 : i32
      %dma_wait3A_206 = arith.constant 2 : i32
      %dma_wait3A_207 = arith.constant 0 : i32
      %dma_wait3A_208 = arith.constant 0 : i32
      %dma_wait3A_209 = tpu.memref_slice %arg13[%dma_wait3A_204, %dma_wait3A_207, %dma_wait3A_208] : memref<2x320x64xbf16, #tpu.memory_space<vmem>> -> memref<1x320x64xbf16, #tpu.memory_space<vmem>>
      %dma_wait3A_210 = tpu.memref_squeeze %dma_wait3A_209 : memref<1x320x64xbf16, #tpu.memory_space<vmem>> -> memref<320x64xbf16, #tpu.memory_space<vmem>>
      %dma_wait3A_211 = arith.constant 0 : i32
      %dma_wait3A_212 = tpu.memref_slice %arg10[%dma_wait3A_211] : memref<10240xi32, #tpu.memory_space<vmem>> -> memref<320xi32, #tpu.memory_space<vmem>>
      %dma_wait3A_213 = arith.constant 0 : i32
      %dma_wait3A_214 = arith.constant 0 : i32
      %dma_wait3A_215 = tpu.memref_slice %arg5[%dma_wait3A_213, %dma_wait3A_214] : memref<100000x64xbf16, #tpu.memory_space<hbm>> -> memref<100000x64xbf16, #tpu.memory_space<hbm>>
      %dma_wait3A_216 = tpu.memref_slice %arg16[%dma_wait3A_205, %dma_wait3A_206] : memref<2x3x!tpu.dma_semaphore, #tpu.memory_space<semaphore_mem>> -> memref<1x1x!tpu.dma_semaphore, #tpu.memory_space<semaphore_mem>>
      %dma_wait3A_217 = tpu.memref_squeeze %dma_wait3A_216 : memref<1x1x!tpu.dma_semaphore, #tpu.memory_space<semaphore_mem>> -> memref<!tpu.dma_semaphore, #tpu.memory_space<semaphore_mem>>
      tpu.wait_indirect_dma semaphore(%dma_wait3A_217 : memref<!tpu.dma_semaphore, #tpu.memory_space<semaphore_mem>>) src(%dma_wait3A_215 : memref<100000x64xbf16, #tpu.memory_space<hbm>>) dst(%dma_wait3A_210 : memref<320x64xbf16, #tpu.memory_space<vmem>>)
      %add3A_218 = arith.constant 1 : i32
      %add3A_219 = arith.addi %mul3A_65, %add3A_218 : i32
      %scan3A_220 = arith.constant 0 : i32
      %scan3A_221 = arith.constant 0 : i32
      %scan3A_222 = arith.constant 16 : i32
      %scan3A_223 = arith.addi %scan3A_221, %scan3A_222 : i32
      %scan3A_224 = arith.constant 1 : i32
      %scan3A_225 = scf.for %scan3A_235 = %scan3A_221 to %scan3A_223 step %scan3A_224 iter_args(%scan3A_236 = %scan3A_220) -> (i32)  : i32 {
        %mul3A_237 = arith.constant 8 : i32
        %mul3A_238 = arith.muli %scan3A_235, %mul3A_237 : i32
        %add3A_239 = arith.constant 0 : i32
        %add3A_240 = arith.addi %mul3A_238, %add3A_239 : i32
        %get3A = arith.constant 1 : i32
        %get3A_241 = arith.index_cast %get3A : i32 to index
        %get3A_242 = arith.index_cast %add3A_240 : i32 to index
        %get3A_243 = arith.constant 0 : index
        %get3A_244 = tpu.vector_load %arg12[%get3A_241, %get3A_242, %get3A_243] {strides = array<i32>} : memref<2x128x64xbf16, #tpu.memory_space<vmem>>, vector<32xbf16>,
        %mul3A_245 = arith.constant 8 : i32
        %mul3A_246 = arith.muli %scan3A_235, %mul3A_245 : i32
        %add3A_247 = arith.constant 1 : i32
        %add3A_248 = arith.addi %mul3A_246, %add3A_247 : i32
        %get3A_249 = arith.constant 1 : i32
        %get3A_250 = arith.index_cast %get3A_249 : i32 to index
        %get3A_251 = arith.index_cast %add3A_248 : i32 to index
        %get3A_252 = arith.constant 0 : index
        %get3A_253 = tpu.vector_load %arg12[%get3A_250, %get3A_251, %get3A_252] {strides = array<i32>} : memref<2x128x64xbf16, #tpu.memory_space<vmem>>, vector<32xbf16>,
        %add3A_254 = arith.addf %get3A_244, %get3A_253 : vector<32xbf16>
        %mul3A_255 = arith.constant 8 : i32
        %mul3A_256 = arith.muli %scan3A_235, %mul3A_255 : i32
        %add3A_257 = arith.constant 2 : i32
        %add3A_258 = arith.addi %mul3A_256, %add3A_257 : i32
        %get3A_259 = arith.constant 1 : i32
        %get3A_260 = arith.index_cast %get3A_259 : i32 to index
        %get3A_261 = arith.index_cast %add3A_258 : i32 to index
        %get3A_262 = arith.constant 0 : index
        %get3A_263 = tpu.vector_load %arg12[%get3A_260, %get3A_261, %get3A_262] {strides = array<i32>} : memref<2x128x64xbf16, #tpu.memory_space<vmem>>, vector<32xbf16>,
        %add3A_264 = arith.addf %add3A_254, %get3A_263 : vector<32xbf16>
        %mul3A_265 = arith.constant 8 : i32
        %mul3A_266 = arith.muli %scan3A_235, %mul3A_265 : i32
        %add3A_267 = arith.constant 3 : i32
        %add3A_268 = arith.addi %mul3A_266, %add3A_267 : i32
        %get3A_269 = arith.constant 1 : i32
        %get3A_270 = arith.index_cast %get3A_269 : i32 to index
        %get3A_271 = arith.index_cast %add3A_268 : i32 to index
        %get3A_272 = arith.constant 0 : index
        %get3A_273 = tpu.vector_load %arg12[%get3A_270, %get3A_271, %get3A_272] {strides = array<i32>} : memref<2x128x64xbf16, #tpu.memory_space<vmem>>, vector<32xbf16>,
        %add3A_274 = arith.addf %add3A_264, %get3A_273 : vector<32xbf16>
        %mul3A_275 = arith.constant 8 : i32
        %mul3A_276 = arith.muli %scan3A_235, %mul3A_275 : i32
        %add3A_277 = arith.constant 4 : i32
        %add3A_278 = arith.addi %mul3A_276, %add3A_277 : i32
        %get3A_279 = arith.constant 1 : i32
        %get3A_280 = arith.index_cast %get3A_279 : i32 to index
        %get3A_281 = arith.index_cast %add3A_278 : i32 to index
        %get3A_282 = arith.constant 0 : index
        %get3A_283 = tpu.vector_load %arg12[%get3A_280, %get3A_281, %get3A_282] {strides = array<i32>} : memref<2x128x64xbf16, #tpu.memory_space<vmem>>, vector<32xbf16>,
        %add3A_284 = arith.addf %add3A_274, %get3A_283 : vector<32xbf16>
        %mul3A_285 = arith.constant 8 : i32
        %mul3A_286 = arith.muli %scan3A_235, %mul3A_285 : i32
        %add3A_287 = arith.constant 5 : i32
        %add3A_288 = arith.addi %mul3A_286, %add3A_287 : i32
        %get3A_289 = arith.constant 1 : i32
        %get3A_290 = arith.index_cast %get3A_289 : i32 to index
        %get3A_291 = arith.index_cast %add3A_288 : i32 to index
        %get3A_292 = arith.constant 0 : index
        %get3A_293 = tpu.vector_load %arg12[%get3A_290, %get3A_291, %get3A_292] {strides = array<i32>} : memref<2x128x64xbf16, #tpu.memory_space<vmem>>, vector<32xbf16>,
        %add3A_294 = arith.addf %add3A_284, %get3A_293 : vector<32xbf16>
        %mul3A_295 = arith.constant 8 : i32
        %mul3A_296 = arith.muli %scan3A_235, %mul3A_295 : i32
        %add3A_297 = arith.constant 6 : i32
        %add3A_298 = arith.addi %mul3A_296, %add3A_297 : i32
        %get3A_299 = arith.constant 1 : i32
        %get3A_300 = arith.index_cast %get3A_299 : i32 to index
        %get3A_301 = arith.index_cast %add3A_298 : i32 to index
        %get3A_302 = arith.constant 0 : index
        %get3A_303 = tpu.vector_load %arg12[%get3A_300, %get3A_301, %get3A_302] {strides = array<i32>} : memref<2x128x64xbf16, #tpu.memory_space<vmem>>, vector<32xbf16>,
        %add3A_304 = arith.addf %add3A_294, %get3A_303 : vector<32xbf16>
        %mul3A_305 = arith.constant 8 : i32
        %mul3A_306 = arith.muli %scan3A_235, %mul3A_305 : i32
        %add3A_307 = arith.constant 7 : i32
        %add3A_308 = arith.addi %mul3A_306, %add3A_307 : i32
        %get3A_309 = arith.constant 1 : i32
        %get3A_310 = arith.index_cast %get3A_309 : i32 to index
        %get3A_311 = arith.index_cast %add3A_308 : i32 to index
        %get3A_312 = arith.constant 0 : index
        %get3A_313 = tpu.vector_load %arg12[%get3A_310, %get3A_311, %get3A_312] {strides = array<i32>} : memref<2x128x64xbf16, #tpu.memory_space<vmem>>, vector<32xbf16>,
        %add3A_314 = arith.addf %add3A_304, %get3A_313 : vector<32xbf16>
        %unpack3A = tpu.unpack_subelements %add3A_314, 0 {pack_format = #tpu.pack_format<interleaved>} : vector<32xbf16> -> vector<16xf32>
        %unpack3A_315 = tpu.unpack_subelements %add3A_314, 1 {pack_format = #tpu.pack_format<interleaved>} : vector<32xbf16> -> vector<16xf32>
        %mul3A_316 = arith.constant 8 : i32
        %mul3A_317 = arith.muli %scan3A_235, %mul3A_316 : i32
        %add3A_318 = arith.constant 0 : i32
        %add3A_319 = arith.addi %mul3A_317, %add3A_318 : i32
        %get3A_320 = arith.constant 1 : i32
        %get3A_321 = arith.index_cast %get3A_320 : i32 to index
        %get3A_322 = arith.index_cast %add3A_319 : i32 to index
        %get3A_323 = arith.constant 32 : index
        %get3A_324 = tpu.vector_load %arg12[%get3A_321, %get3A_322, %get3A_323] {strides = array<i32>} : memref<2x128x64xbf16, #tpu.memory_space<vmem>>, vector<32xbf16>,
        %mul3A_325 = arith.constant 8 : i32
        %mul3A_326 = arith.muli %scan3A_235, %mul3A_325 : i32
        %add3A_327 = arith.constant 1 : i32
        %add3A_328 = arith.addi %mul3A_326, %add3A_327 : i32
        %get3A_329 = arith.constant 1 : i32
        %get3A_330 = arith.index_cast %get3A_329 : i32 to index
        %get3A_331 = arith.index_cast %add3A_328 : i32 to index
        %get3A_332 = arith.constant 32 : index
        %get3A_333 = tpu.vector_load %arg12[%get3A_330, %get3A_331, %get3A_332] {strides = array<i32>} : memref<2x128x64xbf16, #tpu.memory_space<vmem>>, vector<32xbf16>,
        %add3A_334 = arith.addf %get3A_324, %get3A_333 : vector<32xbf16>
        %mul3A_335 = arith.constant 8 : i32
        %mul3A_336 = arith.muli %scan3A_235, %mul3A_335 : i32
        %add3A_337 = arith.constant 2 : i32
        %add3A_338 = arith.addi %mul3A_336, %add3A_337 : i32
        %get3A_339 = arith.constant 1 : i32
        %get3A_340 = arith.index_cast %get3A_339 : i32 to index
        %get3A_341 = arith.index_cast %add3A_338 : i32 to index
        %get3A_342 = arith.constant 32 : index
        %get3A_343 = tpu.vector_load %arg12[%get3A_340, %get3A_341, %get3A_342] {strides = array<i32>} : memref<2x128x64xbf16, #tpu.memory_space<vmem>>, vector<32xbf16>,
        %add3A_344 = arith.addf %add3A_334, %get3A_343 : vector<32xbf16>
        %mul3A_345 = arith.constant 8 : i32
        %mul3A_346 = arith.muli %scan3A_235, %mul3A_345 : i32
        %add3A_347 = arith.constant 3 : i32
        %add3A_348 = arith.addi %mul3A_346, %add3A_347 : i32
        %get3A_349 = arith.constant 1 : i32
        %get3A_350 = arith.index_cast %get3A_349 : i32 to index
        %get3A_351 = arith.index_cast %add3A_348 : i32 to index
        %get3A_352 = arith.constant 32 : index
        %get3A_353 = tpu.vector_load %arg12[%get3A_350, %get3A_351, %get3A_352] {strides = array<i32>} : memref<2x128x64xbf16, #tpu.memory_space<vmem>>, vector<32xbf16>,
        %add3A_354 = arith.addf %add3A_344, %get3A_353 : vector<32xbf16>
        %mul3A_355 = arith.constant 8 : i32
        %mul3A_356 = arith.muli %scan3A_235, %mul3A_355 : i32
        %add3A_357 = arith.constant 4 : i32
        %add3A_358 = arith.addi %mul3A_356, %add3A_357 : i32
        %get3A_359 = arith.constant 1 : i32
        %get3A_360 = arith.index_cast %get3A_359 : i32 to index
        %get3A_361 = arith.index_cast %add3A_358 : i32 to index
        %get3A_362 = arith.constant 32 : index
        %get3A_363 = tpu.vector_load %arg12[%get3A_360, %get3A_361, %get3A_362] {strides = array<i32>} : memref<2x128x64xbf16, #tpu.memory_space<vmem>>, vector<32xbf16>,
        %add3A_364 = arith.addf %add3A_354, %get3A_363 : vector<32xbf16>
        %mul3A_365 = arith.constant 8 : i32
        %mul3A_366 = arith.muli %scan3A_235, %mul3A_365 : i32
        %add3A_367 = arith.constant 5 : i32
        %add3A_368 = arith.addi %mul3A_366, %add3A_367 : i32
        %get3A_369 = arith.constant 1 : i32
        %get3A_370 = arith.index_cast %get3A_369 : i32 to index
        %get3A_371 = arith.index_cast %add3A_368 : i32 to index
        %get3A_372 = arith.constant 32 : index
        %get3A_373 = tpu.vector_load %arg12[%get3A_370, %get3A_371, %get3A_372] {strides = array<i32>} : memref<2x128x64xbf16, #tpu.memory_space<vmem>>, vector<32xbf16>,
        %add3A_374 = arith.addf %add3A_364, %get3A_373 : vector<32xbf16>
        %mul3A_375 = arith.constant 8 : i32
        %mul3A_376 = arith.muli %scan3A_235, %mul3A_375 : i32
        %add3A_377 = arith.constant 6 : i32
        %add3A_378 = arith.addi %mul3A_376, %add3A_377 : i32
        %get3A_379 = arith.constant 1 : i32
        %get3A_380 = arith.index_cast %get3A_379 : i32 to index
        %get3A_381 = arith.index_cast %add3A_378 : i32 to index
        %get3A_382 = arith.constant 32 : index
        %get3A_383 = tpu.vector_load %arg12[%get3A_380, %get3A_381, %get3A_382] {strides = array<i32>} : memref<2x128x64xbf16, #tpu.memory_space<vmem>>, vector<32xbf16>,
        %add3A_384 = arith.addf %add3A_374, %get3A_383 : vector<32xbf16>
        %mul3A_385 = arith.constant 8 : i32
        %mul3A_386 = arith.muli %scan3A_235, %mul3A_385 : i32
        %add3A_387 = arith.constant 7 : i32
        %add3A_388 = arith.addi %mul3A_386, %add3A_387 : i32
        %get3A_389 = arith.constant 1 : i32
        %get3A_390 = arith.index_cast %get3A_389 : i32 to index
        %get3A_391 = arith.index_cast %add3A_388 : i32 to index
        %get3A_392 = arith.constant 32 : index
        %get3A_393 = tpu.vector_load %arg12[%get3A_390, %get3A_391, %get3A_392] {strides = array<i32>} : memref<2x128x64xbf16, #tpu.memory_space<vmem>>, vector<32xbf16>,
        %add3A_394 = arith.addf %add3A_384, %get3A_393 : vector<32xbf16>
        %unpack3A_395 = tpu.unpack_subelements %add3A_394, 0 {pack_format = #tpu.pack_format<interleaved>} : vector<32xbf16> -> vector<16xf32>
        %unpack3A_396 = tpu.unpack_subelements %add3A_394, 1 {pack_format = #tpu.pack_format<interleaved>} : vector<32xbf16> -> vector<16xf32>
        %mul3A_397 = arith.constant 21 : i32
        %mul3A_398 = arith.muli %scan3A_235, %mul3A_397 : i32
        %get3A_399 = arith.constant 1 : i32
        %get3A_400 = arith.index_cast %get3A_399 : i32 to index
        %get3A_401 = arith.index_cast %scan3A_235 : i32 to index
        %get3A_402 = arith.constant 0 : index
        %get3A_403 = tpu.vector_load %arg11[%get3A_400, %get3A_401, %get3A_402] {strides = array<i32>} : memref<2x16x64xbf16, #tpu.memory_space<vmem>>, vector<32xbf16>,
        %get3A_404 = arith.constant 1 : i32
        %get3A_405 = arith.index_cast %get3A_404 : i32 to index
        %get3A_406 = arith.index_cast %scan3A_235 : i32 to index
        %get3A_407 = arith.constant 32 : index
        %get3A_408 = tpu.vector_load %arg11[%get3A_405, %get3A_406, %get3A_407] {strides = array<i32>} : memref<2x16x64xbf16, #tpu.memory_space<vmem>>, vector<32xbf16>,
        %unpack3A_409 = tpu.unpack_subelements %get3A_403, 0 {pack_format = #tpu.pack_format<interleaved>} : vector<32xbf16> -> vector<16xf32>
        %unpack3A_410 = tpu.unpack_subelements %get3A_403, 1 {pack_format = #tpu.pack_format<interleaved>} : vector<32xbf16> -> vector<16xf32>
        %unpack3A_411 = tpu.unpack_subelements %get3A_408, 0 {pack_format = #tpu.pack_format<interleaved>} : vector<32xbf16> -> vector<16xf32>
        %unpack3A_412 = tpu.unpack_subelements %get3A_408, 1 {pack_format = #tpu.pack_format<interleaved>} : vector<32xbf16> -> vector<16xf32>
        %mul3A_413 = arith.mulf %unpack3A_409, %unpack3A : vector<16xf32>
        %mul3A_414 = arith.mulf %unpack3A_410, %unpack3A_315 : vector<16xf32>
        %add3A_415 = arith.addf %mul3A_413, %mul3A_414 : vector<16xf32>
        %mul3A_416 = arith.mulf %unpack3A_411, %unpack3A_395 : vector<16xf32>
        %add3A_417 = arith.addf %add3A_415, %mul3A_416 : vector<16xf32>
        %mul3A_418 = arith.mulf %unpack3A_412, %unpack3A_396 : vector<16xf32>
        %add3A_419 = arith.addf %add3A_417, %mul3A_418 : vector<16xf32>
        %mul3A_420 = arith.constant 336 : i32
        %mul3A_421 = vector.broadcast %mul3A_420 : i32 to vector<16xi32>
        %mul3A_422 = arith.muli %iota3A, %mul3A_421 : vector<16xi32>
        %add3A_423 = vector.broadcast %mul3A_398 : i32 to vector<16xi32>
        %add3A_424 = arith.addi %mul3A_422, %add3A_423 : vector<16xi32>
        tpu.vector_store_idx %arg14[%add3A_424], %add3A_419 : memref<5376xf32, #tpu.memory_space<vmem>>[vector<16xi32>], vector<16xf32>,
        %mul3A_425 = arith.constant 20 : i32
        %mul3A_426 = arith.muli %scan3A_235, %mul3A_425 : i32
        %add3A_427 = arith.constant 0 : i32
        %add3A_428 = arith.addi %mul3A_426, %add3A_427 : i32
        %get3A_429 = arith.constant 1 : i32
        %get3A_430 = arith.index_cast %get3A_429 : i32 to index
        %get3A_431 = arith.index_cast %add3A_428 : i32 to index
        %get3A_432 = arith.constant 0 : index
        %get3A_433 = tpu.vector_load %arg13[%get3A_430, %get3A_431, %get3A_432] {strides = array<i32>} : memref<2x320x64xbf16, #tpu.memory_space<vmem>>, vector<32xbf16>,
        %mul3A_434 = arith.constant 20 : i32
        %mul3A_435 = arith.muli %scan3A_235, %mul3A_434 : i32
        %add3A_436 = arith.constant 0 : i32
        %add3A_437 = arith.addi %mul3A_435, %add3A_436 : i32
        %get3A_438 = arith.constant 1 : i32
        %get3A_439 = arith.index_cast %get3A_438 : i32 to index
        %get3A_440 = arith.index_cast %add3A_437 : i32 to index
        %get3A_441 = arith.constant 32 : index
        %get3A_442 = tpu.vector_load %arg13[%get3A_439, %get3A_440, %get3A_441] {strides = array<i32>} : memref<2x320x64xbf16, #tpu.memory_space<vmem>>, vector<32xbf16>,
        %unpack3A_443 = tpu.unpack_subelements %get3A_433, 0 {pack_format = #tpu.pack_format<interleaved>} : vector<32xbf16> -> vector<16xf32>
        %unpack3A_444 = tpu.unpack_subelements %get3A_433, 1 {pack_format = #tpu.pack_format<interleaved>} : vector<32xbf16> -> vector<16xf32>
        %unpack3A_445 = tpu.unpack_subelements %get3A_442, 0 {pack_format = #tpu.pack_format<interleaved>} : vector<32xbf16> -> vector<16xf32>
        %unpack3A_446 = tpu.unpack_subelements %get3A_442, 1 {pack_format = #tpu.pack_format<interleaved>} : vector<32xbf16> -> vector<16xf32>
        %mul3A_447 = arith.mulf %unpack3A_443, %unpack3A : vector<16xf32>
        %mul3A_448 = arith.mulf %unpack3A_444, %unpack3A_315 : vector<16xf32>
        %add3A_449 = arith.addf %mul3A_447, %mul3A_448 : vector<16xf32>
        %mul3A_450 = arith.mulf %unpack3A_445, %unpack3A_395 : vector<16xf32>
        %add3A_451 = arith.addf %add3A_449, %mul3A_450 : vector<16xf32>
        %mul3A_452 = arith.mulf %unpack3A_446, %unpack3A_396 : vector<16xf32>
        %add3A_453 = arith.addf %add3A_451, %mul3A_452 : vector<16xf32>
        %mul3A_454 = arith.constant 336 : i32
        %mul3A_455 = vector.broadcast %mul3A_454 : i32 to vector<16xi32>
        %mul3A_456 = arith.muli %iota3A, %mul3A_455 : vector<16xi32>
        %add3A_457 = arith.constant 1 : i32
        %add3A_458 = arith.addi %mul3A_398, %add3A_457 : i32
        %add3A_459 = arith.constant 0 : i32
        %add3A_460 = arith.addi %add3A_458, %add3A_459 : i32
        %add3A_461 = vector.broadcast %add3A_460 : i32 to vector<16xi32>
        %add3A_462 = arith.addi %mul3A_456, %add3A_461 : vector<16xi32>
        tpu.vector_store_idx %arg14[%add3A_462], %add3A_453 : memref<5376xf32, #tpu.memory_space<vmem>>[vector<16xi32>], vector<16xf32>,
        %mul3A_463 = arith.constant 20 : i32
        %mul3A_464 = arith.muli %scan3A_235, %mul3A_463 : i32
        %add3A_465 = arith.constant 1 : i32
        %add3A_466 = arith.addi %mul3A_464, %add3A_465 : i32
        %get3A_467 = arith.constant 1 : i32
        %get3A_468 = arith.index_cast %get3A_467 : i32 to index
        %get3A_469 = arith.index_cast %add3A_466 : i32 to index
        %get3A_470 = arith.constant 0 : index
        %get3A_471 = tpu.vector_load %arg13[%get3A_468, %get3A_469, %get3A_470] {strides = array<i32>} : memref<2x320x64xbf16, #tpu.memory_space<vmem>>, vector<32xbf16>,
        %mul3A_472 = arith.constant 20 : i32
        %mul3A_473 = arith.muli %scan3A_235, %mul3A_472 : i32
        %add3A_474 = arith.constant 1 : i32
        %add3A_475 = arith.addi %mul3A_473, %add3A_474 : i32
        %get3A_476 = arith.constant 1 : i32
        %get3A_477 = arith.index_cast %get3A_476 : i32 to index
        %get3A_478 = arith.index_cast %add3A_475 : i32 to index
        %get3A_479 = arith.constant 32 : index
        %get3A_480 = tpu.vector_load %arg13[%get3A_477, %get3A_478, %get3A_479] {strides = array<i32>} : memref<2x320x64xbf16, #tpu.memory_space<vmem>>, vector<32xbf16>,
        %unpack3A_481 = tpu.unpack_subelements %get3A_471, 0 {pack_format = #tpu.pack_format<interleaved>} : vector<32xbf16> -> vector<16xf32>
        %unpack3A_482 = tpu.unpack_subelements %get3A_471, 1 {pack_format = #tpu.pack_format<interleaved>} : vector<32xbf16> -> vector<16xf32>
        %unpack3A_483 = tpu.unpack_subelements %get3A_480, 0 {pack_format = #tpu.pack_format<interleaved>} : vector<32xbf16> -> vector<16xf32>
        %unpack3A_484 = tpu.unpack_subelements %get3A_480, 1 {pack_format = #tpu.pack_format<interleaved>} : vector<32xbf16> -> vector<16xf32>
        %mul3A_485 = arith.mulf %unpack3A_481, %unpack3A : vector<16xf32>
        %mul3A_486 = arith.mulf %unpack3A_482, %unpack3A_315 : vector<16xf32>
        %add3A_487 = arith.addf %mul3A_485, %mul3A_486 : vector<16xf32>
        %mul3A_488 = arith.mulf %unpack3A_483, %unpack3A_395 : vector<16xf32>
        %add3A_489 = arith.addf %add3A_487, %mul3A_488 : vector<16xf32>
        %mul3A_490 = arith.mulf %unpack3A_484, %unpack3A_396 : vector<16xf32>
        %add3A_491 = arith.addf %add3A_489, %mul3A_490 : vector<16xf32>
        %mul3A_492 = arith.constant 336 : i32
        %mul3A_493 = vector.broadcast %mul3A_492 : i32 to vector<16xi32>
        %mul3A_494 = arith.muli %iota3A, %mul3A_493 : vector<16xi32>
        %add3A_495 = arith.constant 1 : i32
        %add3A_496 = arith.addi %mul3A_398, %add3A_495 : i32
        %add3A_497 = arith.constant 1 : i32
        %add3A_498 = arith.addi %add3A_496, %add3A_497 : i32
        %add3A_499 = vector.broadcast %add3A_498 : i32 to vector<16xi32>
        %add3A_500 = arith.addi %mul3A_494, %add3A_499 : vector<16xi32>
        tpu.vector_store_idx %arg14[%add3A_500], %add3A_491 : memref<5376xf32, #tpu.memory_space<vmem>>[vector<16xi32>], vector<16xf32>,
        %mul3A_501 = arith.constant 20 : i32
        %mul3A_502 = arith.muli %scan3A_235, %mul3A_501 : i32
        %add3A_503 = arith.constant 2 : i32
        %add3A_504 = arith.addi %mul3A_502, %add3A_503 : i32
        %get3A_505 = arith.constant 1 : i32
        %get3A_506 = arith.index_cast %get3A_505 : i32 to index
        %get3A_507 = arith.index_cast %add3A_504 : i32 to index
        %get3A_508 = arith.constant 0 : index
        %get3A_509 = tpu.vector_load %arg13[%get3A_506, %get3A_507, %get3A_508] {strides = array<i32>} : memref<2x320x64xbf16, #tpu.memory_space<vmem>>, vector<32xbf16>,
        %mul3A_510 = arith.constant 20 : i32
        %mul3A_511 = arith.muli %scan3A_235, %mul3A_510 : i32
        %add3A_512 = arith.constant 2 : i32
        %add3A_513 = arith.addi %mul3A_511, %add3A_512 : i32
        %get3A_514 = arith.constant 1 : i32
        %get3A_515 = arith.index_cast %get3A_514 : i32 to index
        %get3A_516 = arith.index_cast %add3A_513 : i32 to index
        %get3A_517 = arith.constant 32 : index
        %get3A_518 = tpu.vector_load %arg13[%get3A_515, %get3A_516, %get3A_517] {strides = array<i32>} : memref<2x320x64xbf16, #tpu.memory_space<vmem>>, vector<32xbf16>,
        %unpack3A_519 = tpu.unpack_subelements %get3A_509, 0 {pack_format = #tpu.pack_format<interleaved>} : vector<32xbf16> -> vector<16xf32>
        %unpack3A_520 = tpu.unpack_subelements %get3A_509, 1 {pack_format = #tpu.pack_format<interleaved>} : vector<32xbf16> -> vector<16xf32>
        %unpack3A_521 = tpu.unpack_subelements %get3A_518, 0 {pack_format = #tpu.pack_format<interleaved>} : vector<32xbf16> -> vector<16xf32>
        %unpack3A_522 = tpu.unpack_subelements %get3A_518, 1 {pack_format = #tpu.pack_format<interleaved>} : vector<32xbf16> -> vector<16xf32>
        %mul3A_523 = arith.mulf %unpack3A_519, %unpack3A : vector<16xf32>
        %mul3A_524 = arith.mulf %unpack3A_520, %unpack3A_315 : vector<16xf32>
        %add3A_525 = arith.addf %mul3A_523, %mul3A_524 : vector<16xf32>
        %mul3A_526 = arith.mulf %unpack3A_521, %unpack3A_395 : vector<16xf32>
        %add3A_527 = arith.addf %add3A_525, %mul3A_526 : vector<16xf32>
        %mul3A_528 = arith.mulf %unpack3A_522, %unpack3A_396 : vector<16xf32>
        %add3A_529 = arith.addf %add3A_527, %mul3A_528 : vector<16xf32>
        %mul3A_530 = arith.constant 336 : i32
        %mul3A_531 = vector.broadcast %mul3A_530 : i32 to vector<16xi32>
        %mul3A_532 = arith.muli %iota3A, %mul3A_531 : vector<16xi32>
        %add3A_533 = arith.constant 1 : i32
        %add3A_534 = arith.addi %mul3A_398, %add3A_533 : i32
        %add3A_535 = arith.constant 2 : i32
        %add3A_536 = arith.addi %add3A_534, %add3A_535 : i32
        %add3A_537 = vector.broadcast %add3A_536 : i32 to vector<16xi32>
        %add3A_538 = arith.addi %mul3A_532, %add3A_537 : vector<16xi32>
        tpu.vector_store_idx %arg14[%add3A_538], %add3A_529 : memref<5376xf32, #tpu.memory_space<vmem>>[vector<16xi32>], vector<16xf32>,
        %mul3A_539 = arith.constant 20 : i32
        %mul3A_540 = arith.muli %scan3A_235, %mul3A_539 : i32
        %add3A_541 = arith.constant 3 : i32
        %add3A_542 = arith.addi %mul3A_540, %add3A_541 : i32
        %get3A_543 = arith.constant 1 : i32
        %get3A_544 = arith.index_cast %get3A_543 : i32 to index
        %get3A_545 = arith.index_cast %add3A_542 : i32 to index
        %get3A_546 = arith.constant 0 : index
        %get3A_547 = tpu.vector_load %arg13[%get3A_544, %get3A_545, %get3A_546] {strides = array<i32>} : memref<2x320x64xbf16, #tpu.memory_space<vmem>>, vector<32xbf16>,
        %mul3A_548 = arith.constant 20 : i32
        %mul3A_549 = arith.muli %scan3A_235, %mul3A_548 : i32
        %add3A_550 = arith.constant 3 : i32
        %add3A_551 = arith.addi %mul3A_549, %add3A_550 : i32
        %get3A_552 = arith.constant 1 : i32
        %get3A_553 = arith.index_cast %get3A_552 : i32 to index
        %get3A_554 = arith.index_cast %add3A_551 : i32 to index
        %get3A_555 = arith.constant 32 : index
        %get3A_556 = tpu.vector_load %arg13[%get3A_553, %get3A_554, %get3A_555] {strides = array<i32>} : memref<2x320x64xbf16, #tpu.memory_space<vmem>>, vector<32xbf16>,
        %unpack3A_557 = tpu.unpack_subelements %get3A_547, 0 {pack_format = #tpu.pack_format<interleaved>} : vector<32xbf16> -> vector<16xf32>
        %unpack3A_558 = tpu.unpack_subelements %get3A_547, 1 {pack_format = #tpu.pack_format<interleaved>} : vector<32xbf16> -> vector<16xf32>
        %unpack3A_559 = tpu.unpack_subelements %get3A_556, 0 {pack_format = #tpu.pack_format<interleaved>} : vector<32xbf16> -> vector<16xf32>
        %unpack3A_560 = tpu.unpack_subelements %get3A_556, 1 {pack_format = #tpu.pack_format<interleaved>} : vector<32xbf16> -> vector<16xf32>
        %mul3A_561 = arith.mulf %unpack3A_557, %unpack3A : vector<16xf32>
        %mul3A_562 = arith.mulf %unpack3A_558, %unpack3A_315 : vector<16xf32>
        %add3A_563 = arith.addf %mul3A_561, %mul3A_562 : vector<16xf32>
        %mul3A_564 = arith.mulf %unpack3A_559, %unpack3A_395 : vector<16xf32>
        %add3A_565 = arith.addf %add3A_563, %mul3A_564 : vector<16xf32>
        %mul3A_566 = arith.mulf %unpack3A_560, %unpack3A_396 : vector<16xf32>
        %add3A_567 = arith.addf %add3A_565, %mul3A_566 : vector<16xf32>
        %mul3A_568 = arith.constant 336 : i32
        %mul3A_569 = vector.broadcast %mul3A_568 : i32 to vector<16xi32>
        %mul3A_570 = arith.muli %iota3A, %mul3A_569 : vector<16xi32>
        %add3A_571 = arith.constant 1 : i32
        %add3A_572 = arith.addi %mul3A_398, %add3A_571 : i32
        %add3A_573 = arith.constant 3 : i32
        %add3A_574 = arith.addi %add3A_572, %add3A_573 : i32
        %add3A_575 = vector.broadcast %add3A_574 : i32 to vector<16xi32>
        %add3A_576 = arith.addi %mul3A_570, %add3A_575 : vector<16xi32>
        tpu.vector_store_idx %arg14[%add3A_576], %add3A_567 : memref<5376xf32, #tpu.memory_space<vmem>>[vector<16xi32>], vector<16xf32>,
        %mul3A_577 = arith.constant 20 : i32
        %mul3A_578 = arith.muli %scan3A_235, %mul3A_577 : i32
        %add3A_579 = arith.constant 4 : i32
        %add3A_580 = arith.addi %mul3A_578, %add3A_579 : i32
        %get3A_581 = arith.constant 1 : i32
        %get3A_582 = arith.index_cast %get3A_581 : i32 to index
        %get3A_583 = arith.index_cast %add3A_580 : i32 to index
        %get3A_584 = arith.constant 0 : index
        %get3A_585 = tpu.vector_load %arg13[%get3A_582, %get3A_583, %get3A_584] {strides = array<i32>} : memref<2x320x64xbf16, #tpu.memory_space<vmem>>, vector<32xbf16>,
        %mul3A_586 = arith.constant 20 : i32
        %mul3A_587 = arith.muli %scan3A_235, %mul3A_586 : i32
        %add3A_588 = arith.constant 4 : i32
        %add3A_589 = arith.addi %mul3A_587, %add3A_588 : i32
        %get3A_590 = arith.constant 1 : i32
        %get3A_591 = arith.index_cast %get3A_590 : i32 to index
        %get3A_592 = arith.index_cast %add3A_589 : i32 to index
        %get3A_593 = arith.constant 32 : index
        %get3A_594 = tpu.vector_load %arg13[%get3A_591, %get3A_592, %get3A_593] {strides = array<i32>} : memref<2x320x64xbf16, #tpu.memory_space<vmem>>, vector<32xbf16>,
        %unpack3A_595 = tpu.unpack_subelements %get3A_585, 0 {pack_format = #tpu.pack_format<interleaved>} : vector<32xbf16> -> vector<16xf32>
        %unpack3A_596 = tpu.unpack_subelements %get3A_585, 1 {pack_format = #tpu.pack_format<interleaved>} : vector<32xbf16> -> vector<16xf32>
        %unpack3A_597 = tpu.unpack_subelements %get3A_594, 0 {pack_format = #tpu.pack_format<interleaved>} : vector<32xbf16> -> vector<16xf32>
        %unpack3A_598 = tpu.unpack_subelements %get3A_594, 1 {pack_format = #tpu.pack_format<interleaved>} : vector<32xbf16> -> vector<16xf32>
        %mul3A_599 = arith.mulf %unpack3A_595, %unpack3A : vector<16xf32>
        %mul3A_600 = arith.mulf %unpack3A_596, %unpack3A_315 : vector<16xf32>
        %add3A_601 = arith.addf %mul3A_599, %mul3A_600 : vector<16xf32>
        %mul3A_602 = arith.mulf %unpack3A_597, %unpack3A_395 : vector<16xf32>
        %add3A_603 = arith.addf %add3A_601, %mul3A_602 : vector<16xf32>
        %mul3A_604 = arith.mulf %unpack3A_598, %unpack3A_396 : vector<16xf32>
        %add3A_605 = arith.addf %add3A_603, %mul3A_604 : vector<16xf32>
        %mul3A_606 = arith.constant 336 : i32
        %mul3A_607 = vector.broadcast %mul3A_606 : i32 to vector<16xi32>
        %mul3A_608 = arith.muli %iota3A, %mul3A_607 : vector<16xi32>
        %add3A_609 = arith.constant 1 : i32
        %add3A_610 = arith.addi %mul3A_398, %add3A_609 : i32
        %add3A_611 = arith.constant 4 : i32
        %add3A_612 = arith.addi %add3A_610, %add3A_611 : i32
        %add3A_613 = vector.broadcast %add3A_612 : i32 to vector<16xi32>
        %add3A_614 = arith.addi %mul3A_608, %add3A_613 : vector<16xi32>
        tpu.vector_store_idx %arg14[%add3A_614], %add3A_605 : memref<5376xf32, #tpu.memory_space<vmem>>[vector<16xi32>], vector<16xf32>,
        %mul3A_615 = arith.constant 20 : i32
        %mul3A_616 = arith.muli %scan3A_235, %mul3A_615 : i32
        %add3A_617 = arith.constant 5 : i32
        %add3A_618 = arith.addi %mul3A_616, %add3A_617 : i32
        %get3A_619 = arith.constant 1 : i32
        %get3A_620 = arith.index_cast %get3A_619 : i32 to index
        %get3A_621 = arith.index_cast %add3A_618 : i32 to index
        %get3A_622 = arith.constant 0 : index
        %get3A_623 = tpu.vector_load %arg13[%get3A_620, %get3A_621, %get3A_622] {strides = array<i32>} : memref<2x320x64xbf16, #tpu.memory_space<vmem>>, vector<32xbf16>,
        %mul3A_624 = arith.constant 20 : i32
        %mul3A_625 = arith.muli %scan3A_235, %mul3A_624 : i32
        %add3A_626 = arith.constant 5 : i32
        %add3A_627 = arith.addi %mul3A_625, %add3A_626 : i32
        %get3A_628 = arith.constant 1 : i32
        %get3A_629 = arith.index_cast %get3A_628 : i32 to index
        %get3A_630 = arith.index_cast %add3A_627 : i32 to index
        %get3A_631 = arith.constant 32 : index
        %get3A_632 = tpu.vector_load %arg13[%get3A_629, %get3A_630, %get3A_631] {strides = array<i32>} : memref<2x320x64xbf16, #tpu.memory_space<vmem>>, vector<32xbf16>,
        %unpack3A_633 = tpu.unpack_subelements %get3A_623, 0 {pack_format = #tpu.pack_format<interleaved>} : vector<32xbf16> -> vector<16xf32>
        %unpack3A_634 = tpu.unpack_subelements %get3A_623, 1 {pack_format = #tpu.pack_format<interleaved>} : vector<32xbf16> -> vector<16xf32>
        %unpack3A_635 = tpu.unpack_subelements %get3A_632, 0 {pack_format = #tpu.pack_format<interleaved>} : vector<32xbf16> -> vector<16xf32>
        %unpack3A_636 = tpu.unpack_subelements %get3A_632, 1 {pack_format = #tpu.pack_format<interleaved>} : vector<32xbf16> -> vector<16xf32>
        %mul3A_637 = arith.mulf %unpack3A_633, %unpack3A : vector<16xf32>
        %mul3A_638 = arith.mulf %unpack3A_634, %unpack3A_315 : vector<16xf32>
        %add3A_639 = arith.addf %mul3A_637, %mul3A_638 : vector<16xf32>
        %mul3A_640 = arith.mulf %unpack3A_635, %unpack3A_395 : vector<16xf32>
        %add3A_641 = arith.addf %add3A_639, %mul3A_640 : vector<16xf32>
        %mul3A_642 = arith.mulf %unpack3A_636, %unpack3A_396 : vector<16xf32>
        %add3A_643 = arith.addf %add3A_641, %mul3A_642 : vector<16xf32>
        %mul3A_644 = arith.constant 336 : i32
        %mul3A_645 = vector.broadcast %mul3A_644 : i32 to vector<16xi32>
        %mul3A_646 = arith.muli %iota3A, %mul3A_645 : vector<16xi32>
        %add3A_647 = arith.constant 1 : i32
        %add3A_648 = arith.addi %mul3A_398, %add3A_647 : i32
        %add3A_649 = arith.constant 5 : i32
        %add3A_650 = arith.addi %add3A_648, %add3A_649 : i32
        %add3A_651 = vector.broadcast %add3A_650 : i32 to vector<16xi32>
        %add3A_652 = arith.addi %mul3A_646, %add3A_651 : vector<16xi32>
        tpu.vector_store_idx %arg14[%add3A_652], %add3A_643 : memref<5376xf32, #tpu.memory_space<vmem>>[vector<16xi32>], vector<16xf32>,
        %mul3A_653 = arith.constant 20 : i32
        %mul3A_654 = arith.muli %scan3A_235, %mul3A_653 : i32
        %add3A_655 = arith.constant 6 : i32
        %add3A_656 = arith.addi %mul3A_654, %add3A_655 : i32
        %get3A_657 = arith.constant 1 : i32
        %get3A_658 = arith.index_cast %get3A_657 : i32 to index
        %get3A_659 = arith.index_cast %add3A_656 : i32 to index
        %get3A_660 = arith.constant 0 : index
        %get3A_661 = tpu.vector_load %arg13[%get3A_658, %get3A_659, %get3A_660] {strides = array<i32>} : memref<2x320x64xbf16, #tpu.memory_space<vmem>>, vector<32xbf16>,
        %mul3A_662 = arith.constant 20 : i32
        %mul3A_663 = arith.muli %scan3A_235, %mul3A_662 : i32
        %add3A_664 = arith.constant 6 : i32
        %add3A_665 = arith.addi %mul3A_663, %add3A_664 : i32
        %get3A_666 = arith.constant 1 : i32
        %get3A_667 = arith.index_cast %get3A_666 : i32 to index
        %get3A_668 = arith.index_cast %add3A_665 : i32 to index
        %get3A_669 = arith.constant 32 : index
        %get3A_670 = tpu.vector_load %arg13[%get3A_667, %get3A_668, %get3A_669] {strides = array<i32>} : memref<2x320x64xbf16, #tpu.memory_space<vmem>>, vector<32xbf16>,
        %unpack3A_671 = tpu.unpack_subelements %get3A_661, 0 {pack_format = #tpu.pack_format<interleaved>} : vector<32xbf16> -> vector<16xf32>
        %unpack3A_672 = tpu.unpack_subelements %get3A_661, 1 {pack_format = #tpu.pack_format<interleaved>} : vector<32xbf16> -> vector<16xf32>
        %unpack3A_673 = tpu.unpack_subelements %get3A_670, 0 {pack_format = #tpu.pack_format<interleaved>} : vector<32xbf16> -> vector<16xf32>
        %unpack3A_674 = tpu.unpack_subelements %get3A_670, 1 {pack_format = #tpu.pack_format<interleaved>} : vector<32xbf16> -> vector<16xf32>
        %mul3A_675 = arith.mulf %unpack3A_671, %unpack3A : vector<16xf32>
        %mul3A_676 = arith.mulf %unpack3A_672, %unpack3A_315 : vector<16xf32>
        %add3A_677 = arith.addf %mul3A_675, %mul3A_676 : vector<16xf32>
        %mul3A_678 = arith.mulf %unpack3A_673, %unpack3A_395 : vector<16xf32>
        %add3A_679 = arith.addf %add3A_677, %mul3A_678 : vector<16xf32>
        %mul3A_680 = arith.mulf %unpack3A_674, %unpack3A_396 : vector<16xf32>
        %add3A_681 = arith.addf %add3A_679, %mul3A_680 : vector<16xf32>
        %mul3A_682 = arith.constant 336 : i32
        %mul3A_683 = vector.broadcast %mul3A_682 : i32 to vector<16xi32>
        %mul3A_684 = arith.muli %iota3A, %mul3A_683 : vector<16xi32>
        %add3A_685 = arith.constant 1 : i32
        %add3A_686 = arith.addi %mul3A_398, %add3A_685 : i32
        %add3A_687 = arith.constant 6 : i32
        %add3A_688 = arith.addi %add3A_686, %add3A_687 : i32
        %add3A_689 = vector.broadcast %add3A_688 : i32 to vector<16xi32>
        %add3A_690 = arith.addi %mul3A_684, %add3A_689 : vector<16xi32>
        tpu.vector_store_idx %arg14[%add3A_690], %add3A_681 : memref<5376xf32, #tpu.memory_space<vmem>>[vector<16xi32>], vector<16xf32>,
        %mul3A_691 = arith.constant 20 : i32
        %mul3A_692 = arith.muli %scan3A_235, %mul3A_691 : i32
        %add3A_693 = arith.constant 7 : i32
        %add3A_694 = arith.addi %mul3A_692, %add3A_693 : i32
        %get3A_695 = arith.constant 1 : i32
        %get3A_696 = arith.index_cast %get3A_695 : i32 to index
        %get3A_697 = arith.index_cast %add3A_694 : i32 to index
        %get3A_698 = arith.constant 0 : index
        %get3A_699 = tpu.vector_load %arg13[%get3A_696, %get3A_697, %get3A_698] {strides = array<i32>} : memref<2x320x64xbf16, #tpu.memory_space<vmem>>, vector<32xbf16>,
        %mul3A_700 = arith.constant 20 : i32
        %mul3A_701 = arith.muli %scan3A_235, %mul3A_700 : i32
        %add3A_702 = arith.constant 7 : i32
        %add3A_703 = arith.addi %mul3A_701, %add3A_702 : i32
        %get3A_704 = arith.constant 1 : i32
        %get3A_705 = arith.index_cast %get3A_704 : i32 to index
        %get3A_706 = arith.index_cast %add3A_703 : i32 to index
        %get3A_707 = arith.constant 32 : index
        %get3A_708 = tpu.vector_load %arg13[%get3A_705, %get3A_706, %get3A_707] {strides = array<i32>} : memref<2x320x64xbf16, #tpu.memory_space<vmem>>, vector<32xbf16>,
        %unpack3A_709 = tpu.unpack_subelements %get3A_699, 0 {pack_format = #tpu.pack_format<interleaved>} : vector<32xbf16> -> vector<16xf32>
        %unpack3A_710 = tpu.unpack_subelements %get3A_699, 1 {pack_format = #tpu.pack_format<interleaved>} : vector<32xbf16> -> vector<16xf32>
        %unpack3A_711 = tpu.unpack_subelements %get3A_708, 0 {pack_format = #tpu.pack_format<interleaved>} : vector<32xbf16> -> vector<16xf32>
        %unpack3A_712 = tpu.unpack_subelements %get3A_708, 1 {pack_format = #tpu.pack_format<interleaved>} : vector<32xbf16> -> vector<16xf32>
        %mul3A_713 = arith.mulf %unpack3A_709, %unpack3A : vector<16xf32>
        %mul3A_714 = arith.mulf %unpack3A_710, %unpack3A_315 : vector<16xf32>
        %add3A_715 = arith.addf %mul3A_713, %mul3A_714 : vector<16xf32>
        %mul3A_716 = arith.mulf %unpack3A_711, %unpack3A_395 : vector<16xf32>
        %add3A_717 = arith.addf %add3A_715, %mul3A_716 : vector<16xf32>
        %mul3A_718 = arith.mulf %unpack3A_712, %unpack3A_396 : vector<16xf32>
        %add3A_719 = arith.addf %add3A_717, %mul3A_718 : vector<16xf32>
        %mul3A_720 = arith.constant 336 : i32
        %mul3A_721 = vector.broadcast %mul3A_720 : i32 to vector<16xi32>
        %mul3A_722 = arith.muli %iota3A, %mul3A_721 : vector<16xi32>
        %add3A_723 = arith.constant 1 : i32
        %add3A_724 = arith.addi %mul3A_398, %add3A_723 : i32
        %add3A_725 = arith.constant 7 : i32
        %add3A_726 = arith.addi %add3A_724, %add3A_725 : i32
        %add3A_727 = vector.broadcast %add3A_726 : i32 to vector<16xi32>
        %add3A_728 = arith.addi %mul3A_722, %add3A_727 : vector<16xi32>
        tpu.vector_store_idx %arg14[%add3A_728], %add3A_719 : memref<5376xf32, #tpu.memory_space<vmem>>[vector<16xi32>], vector<16xf32>,
        %mul3A_729 = arith.constant 20 : i32
        %mul3A_730 = arith.muli %scan3A_235, %mul3A_729 : i32
        %add3A_731 = arith.constant 8 : i32
        %add3A_732 = arith.addi %mul3A_730, %add3A_731 : i32
        %get3A_733 = arith.constant 1 : i32
        %get3A_734 = arith.index_cast %get3A_733 : i32 to index
        %get3A_735 = arith.index_cast %add3A_732 : i32 to index
        %get3A_736 = arith.constant 0 : index
        %get3A_737 = tpu.vector_load %arg13[%get3A_734, %get3A_735, %get3A_736] {strides = array<i32>} : memref<2x320x64xbf16, #tpu.memory_space<vmem>>, vector<32xbf16>,
        %mul3A_738 = arith.constant 20 : i32
        %mul3A_739 = arith.muli %scan3A_235, %mul3A_738 : i32
        %add3A_740 = arith.constant 8 : i32
        %add3A_741 = arith.addi %mul3A_739, %add3A_740 : i32
        %get3A_742 = arith.constant 1 : i32
        %get3A_743 = arith.index_cast %get3A_742 : i32 to index
        %get3A_744 = arith.index_cast %add3A_741 : i32 to index
        %get3A_745 = arith.constant 32 : index
        %get3A_746 = tpu.vector_load %arg13[%get3A_743, %get3A_744, %get3A_745] {strides = array<i32>} : memref<2x320x64xbf16, #tpu.memory_space<vmem>>, vector<32xbf16>,
        %unpack3A_747 = tpu.unpack_subelements %get3A_737, 0 {pack_format = #tpu.pack_format<interleaved>} : vector<32xbf16> -> vector<16xf32>
        %unpack3A_748 = tpu.unpack_subelements %get3A_737, 1 {pack_format = #tpu.pack_format<interleaved>} : vector<32xbf16> -> vector<16xf32>
        %unpack3A_749 = tpu.unpack_subelements %get3A_746, 0 {pack_format = #tpu.pack_format<interleaved>} : vector<32xbf16> -> vector<16xf32>
        %unpack3A_750 = tpu.unpack_subelements %get3A_746, 1 {pack_format = #tpu.pack_format<interleaved>} : vector<32xbf16> -> vector<16xf32>
        %mul3A_751 = arith.mulf %unpack3A_747, %unpack3A : vector<16xf32>
        %mul3A_752 = arith.mulf %unpack3A_748, %unpack3A_315 : vector<16xf32>
        %add3A_753 = arith.addf %mul3A_751, %mul3A_752 : vector<16xf32>
        %mul3A_754 = arith.mulf %unpack3A_749, %unpack3A_395 : vector<16xf32>
        %add3A_755 = arith.addf %add3A_753, %mul3A_754 : vector<16xf32>
        %mul3A_756 = arith.mulf %unpack3A_750, %unpack3A_396 : vector<16xf32>
        %add3A_757 = arith.addf %add3A_755, %mul3A_756 : vector<16xf32>
        %mul3A_758 = arith.constant 336 : i32
        %mul3A_759 = vector.broadcast %mul3A_758 : i32 to vector<16xi32>
        %mul3A_760 = arith.muli %iota3A, %mul3A_759 : vector<16xi32>
        %add3A_761 = arith.constant 1 : i32
        %add3A_762 = arith.addi %mul3A_398, %add3A_761 : i32
        %add3A_763 = arith.constant 8 : i32
        %add3A_764 = arith.addi %add3A_762, %add3A_763 : i32
        %add3A_765 = vector.broadcast %add3A_764 : i32 to vector<16xi32>
        %add3A_766 = arith.addi %mul3A_760, %add3A_765 : vector<16xi32>
        tpu.vector_store_idx %arg14[%add3A_766], %add3A_757 : memref<5376xf32, #tpu.memory_space<vmem>>[vector<16xi32>], vector<16xf32>,
        %mul3A_767 = arith.constant 20 : i32
        %mul3A_768 = arith.muli %scan3A_235, %mul3A_767 : i32
        %add3A_769 = arith.constant 9 : i32
        %add3A_770 = arith.addi %mul3A_768, %add3A_769 : i32
        %get3A_771 = arith.constant 1 : i32
        %get3A_772 = arith.index_cast %get3A_771 : i32 to index
        %get3A_773 = arith.index_cast %add3A_770 : i32 to index
        %get3A_774 = arith.constant 0 : index
        %get3A_775 = tpu.vector_load %arg13[%get3A_772, %get3A_773, %get3A_774] {strides = array<i32>} : memref<2x320x64xbf16, #tpu.memory_space<vmem>>, vector<32xbf16>,
        %mul3A_776 = arith.constant 20 : i32
        %mul3A_777 = arith.muli %scan3A_235, %mul3A_776 : i32
        %add3A_778 = arith.constant 9 : i32
        %add3A_779 = arith.addi %mul3A_777, %add3A_778 : i32
        %get3A_780 = arith.constant 1 : i32
        %get3A_781 = arith.index_cast %get3A_780 : i32 to index
        %get3A_782 = arith.index_cast %add3A_779 : i32 to index
        %get3A_783 = arith.constant 32 : index
        %get3A_784 = tpu.vector_load %arg13[%get3A_781, %get3A_782, %get3A_783] {strides = array<i32>} : memref<2x320x64xbf16, #tpu.memory_space<vmem>>, vector<32xbf16>,
        %unpack3A_785 = tpu.unpack_subelements %get3A_775, 0 {pack_format = #tpu.pack_format<interleaved>} : vector<32xbf16> -> vector<16xf32>
        %unpack3A_786 = tpu.unpack_subelements %get3A_775, 1 {pack_format = #tpu.pack_format<interleaved>} : vector<32xbf16> -> vector<16xf32>
        %unpack3A_787 = tpu.unpack_subelements %get3A_784, 0 {pack_format = #tpu.pack_format<interleaved>} : vector<32xbf16> -> vector<16xf32>
        %unpack3A_788 = tpu.unpack_subelements %get3A_784, 1 {pack_format = #tpu.pack_format<interleaved>} : vector<32xbf16> -> vector<16xf32>
        %mul3A_789 = arith.mulf %unpack3A_785, %unpack3A : vector<16xf32>
        %mul3A_790 = arith.mulf %unpack3A_786, %unpack3A_315 : vector<16xf32>
        %add3A_791 = arith.addf %mul3A_789, %mul3A_790 : vector<16xf32>
        %mul3A_792 = arith.mulf %unpack3A_787, %unpack3A_395 : vector<16xf32>
        %add3A_793 = arith.addf %add3A_791, %mul3A_792 : vector<16xf32>
        %mul3A_794 = arith.mulf %unpack3A_788, %unpack3A_396 : vector<16xf32>
        %add3A_795 = arith.addf %add3A_793, %mul3A_794 : vector<16xf32>
        %mul3A_796 = arith.constant 336 : i32
        %mul3A_797 = vector.broadcast %mul3A_796 : i32 to vector<16xi32>
        %mul3A_798 = arith.muli %iota3A, %mul3A_797 : vector<16xi32>
        %add3A_799 = arith.constant 1 : i32
        %add3A_800 = arith.addi %mul3A_398, %add3A_799 : i32
        %add3A_801 = arith.constant 9 : i32
        %add3A_802 = arith.addi %add3A_800, %add3A_801 : i32
        %add3A_803 = vector.broadcast %add3A_802 : i32 to vector<16xi32>
        %add3A_804 = arith.addi %mul3A_798, %add3A_803 : vector<16xi32>
        tpu.vector_store_idx %arg14[%add3A_804], %add3A_795 : memref<5376xf32, #tpu.memory_space<vmem>>[vector<16xi32>], vector<16xf32>,
        %mul3A_805 = arith.constant 20 : i32
        %mul3A_806 = arith.muli %scan3A_235, %mul3A_805 : i32
        %add3A_807 = arith.constant 10 : i32
        %add3A_808 = arith.addi %mul3A_806, %add3A_807 : i32
        %get3A_809 = arith.constant 1 : i32
        %get3A_810 = arith.index_cast %get3A_809 : i32 to index
        %get3A_811 = arith.index_cast %add3A_808 : i32 to index
        %get3A_812 = arith.constant 0 : index
        %get3A_813 = tpu.vector_load %arg13[%get3A_810, %get3A_811, %get3A_812] {strides = array<i32>} : memref<2x320x64xbf16, #tpu.memory_space<vmem>>, vector<32xbf16>,
        %mul3A_814 = arith.constant 20 : i32
        %mul3A_815 = arith.muli %scan3A_235, %mul3A_814 : i32
        %add3A_816 = arith.constant 10 : i32
        %add3A_817 = arith.addi %mul3A_815, %add3A_816 : i32
        %get3A_818 = arith.constant 1 : i32
        %get3A_819 = arith.index_cast %get3A_818 : i32 to index
        %get3A_820 = arith.index_cast %add3A_817 : i32 to index
        %get3A_821 = arith.constant 32 : index
        %get3A_822 = tpu.vector_load %arg13[%get3A_819, %get3A_820, %get3A_821] {strides = array<i32>} : memref<2x320x64xbf16, #tpu.memory_space<vmem>>, vector<32xbf16>,
        %unpack3A_823 = tpu.unpack_subelements %get3A_813, 0 {pack_format = #tpu.pack_format<interleaved>} : vector<32xbf16> -> vector<16xf32>
        %unpack3A_824 = tpu.unpack_subelements %get3A_813, 1 {pack_format = #tpu.pack_format<interleaved>} : vector<32xbf16> -> vector<16xf32>
        %unpack3A_825 = tpu.unpack_subelements %get3A_822, 0 {pack_format = #tpu.pack_format<interleaved>} : vector<32xbf16> -> vector<16xf32>
        %unpack3A_826 = tpu.unpack_subelements %get3A_822, 1 {pack_format = #tpu.pack_format<interleaved>} : vector<32xbf16> -> vector<16xf32>
        %mul3A_827 = arith.mulf %unpack3A_823, %unpack3A : vector<16xf32>
        %mul3A_828 = arith.mulf %unpack3A_824, %unpack3A_315 : vector<16xf32>
        %add3A_829 = arith.addf %mul3A_827, %mul3A_828 : vector<16xf32>
        %mul3A_830 = arith.mulf %unpack3A_825, %unpack3A_395 : vector<16xf32>
        %add3A_831 = arith.addf %add3A_829, %mul3A_830 : vector<16xf32>
        %mul3A_832 = arith.mulf %unpack3A_826, %unpack3A_396 : vector<16xf32>
        %add3A_833 = arith.addf %add3A_831, %mul3A_832 : vector<16xf32>
        %mul3A_834 = arith.constant 336 : i32
        %mul3A_835 = vector.broadcast %mul3A_834 : i32 to vector<16xi32>
        %mul3A_836 = arith.muli %iota3A, %mul3A_835 : vector<16xi32>
        %add3A_837 = arith.constant 1 : i32
        %add3A_838 = arith.addi %mul3A_398, %add3A_837 : i32
        %add3A_839 = arith.constant 10 : i32
        %add3A_840 = arith.addi %add3A_838, %add3A_839 : i32
        %add3A_841 = vector.broadcast %add3A_840 : i32 to vector<16xi32>
        %add3A_842 = arith.addi %mul3A_836, %add3A_841 : vector<16xi32>
        tpu.vector_store_idx %arg14[%add3A_842], %add3A_833 : memref<5376xf32, #tpu.memory_space<vmem>>[vector<16xi32>], vector<16xf32>,
        %mul3A_843 = arith.constant 20 : i32
        %mul3A_844 = arith.muli %scan3A_235, %mul3A_843 : i32
        %add3A_845 = arith.constant 11 : i32
        %add3A_846 = arith.addi %mul3A_844, %add3A_845 : i32
        %get3A_847 = arith.constant 1 : i32
        %get3A_848 = arith.index_cast %get3A_847 : i32 to index
        %get3A_849 = arith.index_cast %add3A_846 : i32 to index
        %get3A_850 = arith.constant 0 : index
        %get3A_851 = tpu.vector_load %arg13[%get3A_848, %get3A_849, %get3A_850] {strides = array<i32>} : memref<2x320x64xbf16, #tpu.memory_space<vmem>>, vector<32xbf16>,
        %mul3A_852 = arith.constant 20 : i32
        %mul3A_853 = arith.muli %scan3A_235, %mul3A_852 : i32
        %add3A_854 = arith.constant 11 : i32
        %add3A_855 = arith.addi %mul3A_853, %add3A_854 : i32
        %get3A_856 = arith.constant 1 : i32
        %get3A_857 = arith.index_cast %get3A_856 : i32 to index
        %get3A_858 = arith.index_cast %add3A_855 : i32 to index
        %get3A_859 = arith.constant 32 : index
        %get3A_860 = tpu.vector_load %arg13[%get3A_857, %get3A_858, %get3A_859] {strides = array<i32>} : memref<2x320x64xbf16, #tpu.memory_space<vmem>>, vector<32xbf16>,
        %unpack3A_861 = tpu.unpack_subelements %get3A_851, 0 {pack_format = #tpu.pack_format<interleaved>} : vector<32xbf16> -> vector<16xf32>
        %unpack3A_862 = tpu.unpack_subelements %get3A_851, 1 {pack_format = #tpu.pack_format<interleaved>} : vector<32xbf16> -> vector<16xf32>
        %unpack3A_863 = tpu.unpack_subelements %get3A_860, 0 {pack_format = #tpu.pack_format<interleaved>} : vector<32xbf16> -> vector<16xf32>
        %unpack3A_864 = tpu.unpack_subelements %get3A_860, 1 {pack_format = #tpu.pack_format<interleaved>} : vector<32xbf16> -> vector<16xf32>
        %mul3A_865 = arith.mulf %unpack3A_861, %unpack3A : vector<16xf32>
        %mul3A_866 = arith.mulf %unpack3A_862, %unpack3A_315 : vector<16xf32>
        %add3A_867 = arith.addf %mul3A_865, %mul3A_866 : vector<16xf32>
        %mul3A_868 = arith.mulf %unpack3A_863, %unpack3A_395 : vector<16xf32>
        %add3A_869 = arith.addf %add3A_867, %mul3A_868 : vector<16xf32>
        %mul3A_870 = arith.mulf %unpack3A_864, %unpack3A_396 : vector<16xf32>
        %add3A_871 = arith.addf %add3A_869, %mul3A_870 : vector<16xf32>
        %mul3A_872 = arith.constant 336 : i32
        %mul3A_873 = vector.broadcast %mul3A_872 : i32 to vector<16xi32>
        %mul3A_874 = arith.muli %iota3A, %mul3A_873 : vector<16xi32>
        %add3A_875 = arith.constant 1 : i32
        %add3A_876 = arith.addi %mul3A_398, %add3A_875 : i32
        %add3A_877 = arith.constant 11 : i32
        %add3A_878 = arith.addi %add3A_876, %add3A_877 : i32
        %add3A_879 = vector.broadcast %add3A_878 : i32 to vector<16xi32>
        %add3A_880 = arith.addi %mul3A_874, %add3A_879 : vector<16xi32>
        tpu.vector_store_idx %arg14[%add3A_880], %add3A_871 : memref<5376xf32, #tpu.memory_space<vmem>>[vector<16xi32>], vector<16xf32>,
        %mul3A_881 = arith.constant 20 : i32
        %mul3A_882 = arith.muli %scan3A_235, %mul3A_881 : i32
        %add3A_883 = arith.constant 12 : i32
        %add3A_884 = arith.addi %mul3A_882, %add3A_883 : i32
        %get3A_885 = arith.constant 1 : i32
        %get3A_886 = arith.index_cast %get3A_885 : i32 to index
        %get3A_887 = arith.index_cast %add3A_884 : i32 to index
        %get3A_888 = arith.constant 0 : index
        %get3A_889 = tpu.vector_load %arg13[%get3A_886, %get3A_887, %get3A_888] {strides = array<i32>} : memref<2x320x64xbf16, #tpu.memory_space<vmem>>, vector<32xbf16>,
        %mul3A_890 = arith.constant 20 : i32
        %mul3A_891 = arith.muli %scan3A_235, %mul3A_890 : i32
        %add3A_892 = arith.constant 12 : i32
        %add3A_893 = arith.addi %mul3A_891, %add3A_892 : i32
        %get3A_894 = arith.constant 1 : i32
        %get3A_895 = arith.index_cast %get3A_894 : i32 to index
        %get3A_896 = arith.index_cast %add3A_893 : i32 to index
        %get3A_897 = arith.constant 32 : index
        %get3A_898 = tpu.vector_load %arg13[%get3A_895, %get3A_896, %get3A_897] {strides = array<i32>} : memref<2x320x64xbf16, #tpu.memory_space<vmem>>, vector<32xbf16>,
        %unpack3A_899 = tpu.unpack_subelements %get3A_889, 0 {pack_format = #tpu.pack_format<interleaved>} : vector<32xbf16> -> vector<16xf32>
        %unpack3A_900 = tpu.unpack_subelements %get3A_889, 1 {pack_format = #tpu.pack_format<interleaved>} : vector<32xbf16> -> vector<16xf32>
        %unpack3A_901 = tpu.unpack_subelements %get3A_898, 0 {pack_format = #tpu.pack_format<interleaved>} : vector<32xbf16> -> vector<16xf32>
        %unpack3A_902 = tpu.unpack_subelements %get3A_898, 1 {pack_format = #tpu.pack_format<interleaved>} : vector<32xbf16> -> vector<16xf32>
        %mul3A_903 = arith.mulf %unpack3A_899, %unpack3A : vector<16xf32>
        %mul3A_904 = arith.mulf %unpack3A_900, %unpack3A_315 : vector<16xf32>
        %add3A_905 = arith.addf %mul3A_903, %mul3A_904 : vector<16xf32>
        %mul3A_906 = arith.mulf %unpack3A_901, %unpack3A_395 : vector<16xf32>
        %add3A_907 = arith.addf %add3A_905, %mul3A_906 : vector<16xf32>
        %mul3A_908 = arith.mulf %unpack3A_902, %unpack3A_396 : vector<16xf32>
        %add3A_909 = arith.addf %add3A_907, %mul3A_908 : vector<16xf32>
        %mul3A_910 = arith.constant 336 : i32
        %mul3A_911 = vector.broadcast %mul3A_910 : i32 to vector<16xi32>
        %mul3A_912 = arith.muli %iota3A, %mul3A_911 : vector<16xi32>
        %add3A_913 = arith.constant 1 : i32
        %add3A_914 = arith.addi %mul3A_398, %add3A_913 : i32
        %add3A_915 = arith.constant 12 : i32
        %add3A_916 = arith.addi %add3A_914, %add3A_915 : i32
        %add3A_917 = vector.broadcast %add3A_916 : i32 to vector<16xi32>
        %add3A_918 = arith.addi %mul3A_912, %add3A_917 : vector<16xi32>
        tpu.vector_store_idx %arg14[%add3A_918], %add3A_909 : memref<5376xf32, #tpu.memory_space<vmem>>[vector<16xi32>], vector<16xf32>,
        %mul3A_919 = arith.constant 20 : i32
        %mul3A_920 = arith.muli %scan3A_235, %mul3A_919 : i32
        %add3A_921 = arith.constant 13 : i32
        %add3A_922 = arith.addi %mul3A_920, %add3A_921 : i32
        %get3A_923 = arith.constant 1 : i32
        %get3A_924 = arith.index_cast %get3A_923 : i32 to index
        %get3A_925 = arith.index_cast %add3A_922 : i32 to index
        %get3A_926 = arith.constant 0 : index
        %get3A_927 = tpu.vector_load %arg13[%get3A_924, %get3A_925, %get3A_926] {strides = array<i32>} : memref<2x320x64xbf16, #tpu.memory_space<vmem>>, vector<32xbf16>,
        %mul3A_928 = arith.constant 20 : i32
        %mul3A_929 = arith.muli %scan3A_235, %mul3A_928 : i32
        %add3A_930 = arith.constant 13 : i32
        %add3A_931 = arith.addi %mul3A_929, %add3A_930 : i32
        %get3A_932 = arith.constant 1 : i32
        %get3A_933 = arith.index_cast %get3A_932 : i32 to index
        %get3A_934 = arith.index_cast %add3A_931 : i32 to index
        %get3A_935 = arith.constant 32 : index
        %get3A_936 = tpu.vector_load %arg13[%get3A_933, %get3A_934, %get3A_935] {strides = array<i32>} : memref<2x320x64xbf16, #tpu.memory_space<vmem>>, vector<32xbf16>,
        %unpack3A_937 = tpu.unpack_subelements %get3A_927, 0 {pack_format = #tpu.pack_format<interleaved>} : vector<32xbf16> -> vector<16xf32>
        %unpack3A_938 = tpu.unpack_subelements %get3A_927, 1 {pack_format = #tpu.pack_format<interleaved>} : vector<32xbf16> -> vector<16xf32>
        %unpack3A_939 = tpu.unpack_subelements %get3A_936, 0 {pack_format = #tpu.pack_format<interleaved>} : vector<32xbf16> -> vector<16xf32>
        %unpack3A_940 = tpu.unpack_subelements %get3A_936, 1 {pack_format = #tpu.pack_format<interleaved>} : vector<32xbf16> -> vector<16xf32>
        %mul3A_941 = arith.mulf %unpack3A_937, %unpack3A : vector<16xf32>
        %mul3A_942 = arith.mulf %unpack3A_938, %unpack3A_315 : vector<16xf32>
        %add3A_943 = arith.addf %mul3A_941, %mul3A_942 : vector<16xf32>
        %mul3A_944 = arith.mulf %unpack3A_939, %unpack3A_395 : vector<16xf32>
        %add3A_945 = arith.addf %add3A_943, %mul3A_944 : vector<16xf32>
        %mul3A_946 = arith.mulf %unpack3A_940, %unpack3A_396 : vector<16xf32>
        %add3A_947 = arith.addf %add3A_945, %mul3A_946 : vector<16xf32>
        %mul3A_948 = arith.constant 336 : i32
        %mul3A_949 = vector.broadcast %mul3A_948 : i32 to vector<16xi32>
        %mul3A_950 = arith.muli %iota3A, %mul3A_949 : vector<16xi32>
        %add3A_951 = arith.constant 1 : i32
        %add3A_952 = arith.addi %mul3A_398, %add3A_951 : i32
        %add3A_953 = arith.constant 13 : i32
        %add3A_954 = arith.addi %add3A_952, %add3A_953 : i32
        %add3A_955 = vector.broadcast %add3A_954 : i32 to vector<16xi32>
        %add3A_956 = arith.addi %mul3A_950, %add3A_955 : vector<16xi32>
        tpu.vector_store_idx %arg14[%add3A_956], %add3A_947 : memref<5376xf32, #tpu.memory_space<vmem>>[vector<16xi32>], vector<16xf32>,
        %mul3A_957 = arith.constant 20 : i32
        %mul3A_958 = arith.muli %scan3A_235, %mul3A_957 : i32
        %add3A_959 = arith.constant 14 : i32
        %add3A_960 = arith.addi %mul3A_958, %add3A_959 : i32
        %get3A_961 = arith.constant 1 : i32
        %get3A_962 = arith.index_cast %get3A_961 : i32 to index
        %get3A_963 = arith.index_cast %add3A_960 : i32 to index
        %get3A_964 = arith.constant 0 : index
        %get3A_965 = tpu.vector_load %arg13[%get3A_962, %get3A_963, %get3A_964] {strides = array<i32>} : memref<2x320x64xbf16, #tpu.memory_space<vmem>>, vector<32xbf16>,
        %mul3A_966 = arith.constant 20 : i32
        %mul3A_967 = arith.muli %scan3A_235, %mul3A_966 : i32
        %add3A_968 = arith.constant 14 : i32
        %add3A_969 = arith.addi %mul3A_967, %add3A_968 : i32
        %get3A_970 = arith.constant 1 : i32
        %get3A_971 = arith.index_cast %get3A_970 : i32 to index
        %get3A_972 = arith.index_cast %add3A_969 : i32 to index
        %get3A_973 = arith.constant 32 : index
        %get3A_974 = tpu.vector_load %arg13[%get3A_971, %get3A_972, %get3A_973] {strides = array<i32>} : memref<2x320x64xbf16, #tpu.memory_space<vmem>>, vector<32xbf16>,
        %unpack3A_975 = tpu.unpack_subelements %get3A_965, 0 {pack_format = #tpu.pack_format<interleaved>} : vector<32xbf16> -> vector<16xf32>
        %unpack3A_976 = tpu.unpack_subelements %get3A_965, 1 {pack_format = #tpu.pack_format<interleaved>} : vector<32xbf16> -> vector<16xf32>
        %unpack3A_977 = tpu.unpack_subelements %get3A_974, 0 {pack_format = #tpu.pack_format<interleaved>} : vector<32xbf16> -> vector<16xf32>
        %unpack3A_978 = tpu.unpack_subelements %get3A_974, 1 {pack_format = #tpu.pack_format<interleaved>} : vector<32xbf16> -> vector<16xf32>
        %mul3A_979 = arith.mulf %unpack3A_975, %unpack3A : vector<16xf32>
        %mul3A_980 = arith.mulf %unpack3A_976, %unpack3A_315 : vector<16xf32>
        %add3A_981 = arith.addf %mul3A_979, %mul3A_980 : vector<16xf32>
        %mul3A_982 = arith.mulf %unpack3A_977, %unpack3A_395 : vector<16xf32>
        %add3A_983 = arith.addf %add3A_981, %mul3A_982 : vector<16xf32>
        %mul3A_984 = arith.mulf %unpack3A_978, %unpack3A_396 : vector<16xf32>
        %add3A_985 = arith.addf %add3A_983, %mul3A_984 : vector<16xf32>
        %mul3A_986 = arith.constant 336 : i32
        %mul3A_987 = vector.broadcast %mul3A_986 : i32 to vector<16xi32>
        %mul3A_988 = arith.muli %iota3A, %mul3A_987 : vector<16xi32>
        %add3A_989 = arith.constant 1 : i32
        %add3A_990 = arith.addi %mul3A_398, %add3A_989 : i32
        %add3A_991 = arith.constant 14 : i32
        %add3A_992 = arith.addi %add3A_990, %add3A_991 : i32
        %add3A_993 = vector.broadcast %add3A_992 : i32 to vector<16xi32>
        %add3A_994 = arith.addi %mul3A_988, %add3A_993 : vector<16xi32>
        tpu.vector_store_idx %arg14[%add3A_994], %add3A_985 : memref<5376xf32, #tpu.memory_space<vmem>>[vector<16xi32>], vector<16xf32>,
        %mul3A_995 = arith.constant 20 : i32
        %mul3A_996 = arith.muli %scan3A_235, %mul3A_995 : i32
        %add3A_997 = arith.constant 15 : i32
        %add3A_998 = arith.addi %mul3A_996, %add3A_997 : i32
        %get3A_999 = arith.constant 1 : i32
        %get3A_1000 = arith.index_cast %get3A_999 : i32 to index
        %get3A_1001 = arith.index_cast %add3A_998 : i32 to index
        %get3A_1002 = arith.constant 0 : index
        %get3A_1003 = tpu.vector_load %arg13[%get3A_1000, %get3A_1001, %get3A_1002] {strides = array<i32>} : memref<2x320x64xbf16, #tpu.memory_space<vmem>>, vector<32xbf16>,
        %mul3A_1004 = arith.constant 20 : i32
        %mul3A_1005 = arith.muli %scan3A_235, %mul3A_1004 : i32
        %add3A_1006 = arith.constant 15 : i32
        %add3A_1007 = arith.addi %mul3A_1005, %add3A_1006 : i32
        %get3A_1008 = arith.constant 1 : i32
        %get3A_1009 = arith.index_cast %get3A_1008 : i32 to index
        %get3A_1010 = arith.index_cast %add3A_1007 : i32 to index
        %get3A_1011 = arith.constant 32 : index
        %get3A_1012 = tpu.vector_load %arg13[%get3A_1009, %get3A_1010, %get3A_1011] {strides = array<i32>} : memref<2x320x64xbf16, #tpu.memory_space<vmem>>, vector<32xbf16>,
        %unpack3A_1013 = tpu.unpack_subelements %get3A_1003, 0 {pack_format = #tpu.pack_format<interleaved>} : vector<32xbf16> -> vector<16xf32>
        %unpack3A_1014 = tpu.unpack_subelements %get3A_1003, 1 {pack_format = #tpu.pack_format<interleaved>} : vector<32xbf16> -> vector<16xf32>
        %unpack3A_1015 = tpu.unpack_subelements %get3A_1012, 0 {pack_format = #tpu.pack_format<interleaved>} : vector<32xbf16> -> vector<16xf32>
        %unpack3A_1016 = tpu.unpack_subelements %get3A_1012, 1 {pack_format = #tpu.pack_format<interleaved>} : vector<32xbf16> -> vector<16xf32>
        %mul3A_1017 = arith.mulf %unpack3A_1013, %unpack3A : vector<16xf32>
        %mul3A_1018 = arith.mulf %unpack3A_1014, %unpack3A_315 : vector<16xf32>
        %add3A_1019 = arith.addf %mul3A_1017, %mul3A_1018 : vector<16xf32>
        %mul3A_1020 = arith.mulf %unpack3A_1015, %unpack3A_395 : vector<16xf32>
        %add3A_1021 = arith.addf %add3A_1019, %mul3A_1020 : vector<16xf32>
        %mul3A_1022 = arith.mulf %unpack3A_1016, %unpack3A_396 : vector<16xf32>
        %add3A_1023 = arith.addf %add3A_1021, %mul3A_1022 : vector<16xf32>
        %mul3A_1024 = arith.constant 336 : i32
        %mul3A_1025 = vector.broadcast %mul3A_1024 : i32 to vector<16xi32>
        %mul3A_1026 = arith.muli %iota3A, %mul3A_1025 : vector<16xi32>
        %add3A_1027 = arith.constant 1 : i32
        %add3A_1028 = arith.addi %mul3A_398, %add3A_1027 : i32
        %add3A_1029 = arith.constant 15 : i32
        %add3A_1030 = arith.addi %add3A_1028, %add3A_1029 : i32
        %add3A_1031 = vector.broadcast %add3A_1030 : i32 to vector<16xi32>
        %add3A_1032 = arith.addi %mul3A_1026, %add3A_1031 : vector<16xi32>
        tpu.vector_store_idx %arg14[%add3A_1032], %add3A_1023 : memref<5376xf32, #tpu.memory_space<vmem>>[vector<16xi32>], vector<16xf32>,
        %mul3A_1033 = arith.constant 20 : i32
        %mul3A_1034 = arith.muli %scan3A_235, %mul3A_1033 : i32
        %add3A_1035 = arith.constant 16 : i32
        %add3A_1036 = arith.addi %mul3A_1034, %add3A_1035 : i32
        %get3A_1037 = arith.constant 1 : i32
        %get3A_1038 = arith.index_cast %get3A_1037 : i32 to index
        %get3A_1039 = arith.index_cast %add3A_1036 : i32 to index
        %get3A_1040 = arith.constant 0 : index
        %get3A_1041 = tpu.vector_load %arg13[%get3A_1038, %get3A_1039, %get3A_1040] {strides = array<i32>} : memref<2x320x64xbf16, #tpu.memory_space<vmem>>, vector<32xbf16>,
        %mul3A_1042 = arith.constant 20 : i32
        %mul3A_1043 = arith.muli %scan3A_235, %mul3A_1042 : i32
        %add3A_1044 = arith.constant 16 : i32
        %add3A_1045 = arith.addi %mul3A_1043, %add3A_1044 : i32
        %get3A_1046 = arith.constant 1 : i32
        %get3A_1047 = arith.index_cast %get3A_1046 : i32 to index
        %get3A_1048 = arith.index_cast %add3A_1045 : i32 to index
        %get3A_1049 = arith.constant 32 : index
        %get3A_1050 = tpu.vector_load %arg13[%get3A_1047, %get3A_1048, %get3A_1049] {strides = array<i32>} : memref<2x320x64xbf16, #tpu.memory_space<vmem>>, vector<32xbf16>,
        %unpack3A_1051 = tpu.unpack_subelements %get3A_1041, 0 {pack_format = #tpu.pack_format<interleaved>} : vector<32xbf16> -> vector<16xf32>
        %unpack3A_1052 = tpu.unpack_subelements %get3A_1041, 1 {pack_format = #tpu.pack_format<interleaved>} : vector<32xbf16> -> vector<16xf32>
        %unpack3A_1053 = tpu.unpack_subelements %get3A_1050, 0 {pack_format = #tpu.pack_format<interleaved>} : vector<32xbf16> -> vector<16xf32>
        %unpack3A_1054 = tpu.unpack_subelements %get3A_1050, 1 {pack_format = #tpu.pack_format<interleaved>} : vector<32xbf16> -> vector<16xf32>
        %mul3A_1055 = arith.mulf %unpack3A_1051, %unpack3A : vector<16xf32>
        %mul3A_1056 = arith.mulf %unpack3A_1052, %unpack3A_315 : vector<16xf32>
        %add3A_1057 = arith.addf %mul3A_1055, %mul3A_1056 : vector<16xf32>
        %mul3A_1058 = arith.mulf %unpack3A_1053, %unpack3A_395 : vector<16xf32>
        %add3A_1059 = arith.addf %add3A_1057, %mul3A_1058 : vector<16xf32>
        %mul3A_1060 = arith.mulf %unpack3A_1054, %unpack3A_396 : vector<16xf32>
        %add3A_1061 = arith.addf %add3A_1059, %mul3A_1060 : vector<16xf32>
        %mul3A_1062 = arith.constant 336 : i32
        %mul3A_1063 = vector.broadcast %mul3A_1062 : i32 to vector<16xi32>
        %mul3A_1064 = arith.muli %iota3A, %mul3A_1063 : vector<16xi32>
        %add3A_1065 = arith.constant 1 : i32
        %add3A_1066 = arith.addi %mul3A_398, %add3A_1065 : i32
        %add3A_1067 = arith.constant 16 : i32
        %add3A_1068 = arith.addi %add3A_1066, %add3A_1067 : i32
        %add3A_1069 = vector.broadcast %add3A_1068 : i32 to vector<16xi32>
        %add3A_1070 = arith.addi %mul3A_1064, %add3A_1069 : vector<16xi32>
        tpu.vector_store_idx %arg14[%add3A_1070], %add3A_1061 : memref<5376xf32, #tpu.memory_space<vmem>>[vector<16xi32>], vector<16xf32>,
        %mul3A_1071 = arith.constant 20 : i32
        %mul3A_1072 = arith.muli %scan3A_235, %mul3A_1071 : i32
        %add3A_1073 = arith.constant 17 : i32
        %add3A_1074 = arith.addi %mul3A_1072, %add3A_1073 : i32
        %get3A_1075 = arith.constant 1 : i32
        %get3A_1076 = arith.index_cast %get3A_1075 : i32 to index
        %get3A_1077 = arith.index_cast %add3A_1074 : i32 to index
        %get3A_1078 = arith.constant 0 : index
        %get3A_1079 = tpu.vector_load %arg13[%get3A_1076, %get3A_1077, %get3A_1078] {strides = array<i32>} : memref<2x320x64xbf16, #tpu.memory_space<vmem>>, vector<32xbf16>,
        %mul3A_1080 = arith.constant 20 : i32
        %mul3A_1081 = arith.muli %scan3A_235, %mul3A_1080 : i32
        %add3A_1082 = arith.constant 17 : i32
        %add3A_1083 = arith.addi %mul3A_1081, %add3A_1082 : i32
        %get3A_1084 = arith.constant 1 : i32
        %get3A_1085 = arith.index_cast %get3A_1084 : i32 to index
        %get3A_1086 = arith.index_cast %add3A_1083 : i32 to index
        %get3A_1087 = arith.constant 32 : index
        %get3A_1088 = tpu.vector_load %arg13[%get3A_1085, %get3A_1086, %get3A_1087] {strides = array<i32>} : memref<2x320x64xbf16, #tpu.memory_space<vmem>>, vector<32xbf16>,
        %unpack3A_1089 = tpu.unpack_subelements %get3A_1079, 0 {pack_format = #tpu.pack_format<interleaved>} : vector<32xbf16> -> vector<16xf32>
        %unpack3A_1090 = tpu.unpack_subelements %get3A_1079, 1 {pack_format = #tpu.pack_format<interleaved>} : vector<32xbf16> -> vector<16xf32>
        %unpack3A_1091 = tpu.unpack_subelements %get3A_1088, 0 {pack_format = #tpu.pack_format<interleaved>} : vector<32xbf16> -> vector<16xf32>
        %unpack3A_1092 = tpu.unpack_subelements %get3A_1088, 1 {pack_format = #tpu.pack_format<interleaved>} : vector<32xbf16> -> vector<16xf32>
        %mul3A_1093 = arith.mulf %unpack3A_1089, %unpack3A : vector<16xf32>
        %mul3A_1094 = arith.mulf %unpack3A_1090, %unpack3A_315 : vector<16xf32>
        %add3A_1095 = arith.addf %mul3A_1093, %mul3A_1094 : vector<16xf32>
        %mul3A_1096 = arith.mulf %unpack3A_1091, %unpack3A_395 : vector<16xf32>
        %add3A_1097 = arith.addf %add3A_1095, %mul3A_1096 : vector<16xf32>
        %mul3A_1098 = arith.mulf %unpack3A_1092, %unpack3A_396 : vector<16xf32>
        %add3A_1099 = arith.addf %add3A_1097, %mul3A_1098 : vector<16xf32>
        %mul3A_1100 = arith.constant 336 : i32
        %mul3A_1101 = vector.broadcast %mul3A_1100 : i32 to vector<16xi32>
        %mul3A_1102 = arith.muli %iota3A, %mul3A_1101 : vector<16xi32>
        %add3A_1103 = arith.constant 1 : i32
        %add3A_1104 = arith.addi %mul3A_398, %add3A_1103 : i32
        %add3A_1105 = arith.constant 17 : i32
        %add3A_1106 = arith.addi %add3A_1104, %add3A_1105 : i32
        %add3A_1107 = vector.broadcast %add3A_1106 : i32 to vector<16xi32>
        %add3A_1108 = arith.addi %mul3A_1102, %add3A_1107 : vector<16xi32>
        tpu.vector_store_idx %arg14[%add3A_1108], %add3A_1099 : memref<5376xf32, #tpu.memory_space<vmem>>[vector<16xi32>], vector<16xf32>,
        %mul3A_1109 = arith.constant 20 : i32
        %mul3A_1110 = arith.muli %scan3A_235, %mul3A_1109 : i32
        %add3A_1111 = arith.constant 18 : i32
        %add3A_1112 = arith.addi %mul3A_1110, %add3A_1111 : i32
        %get3A_1113 = arith.constant 1 : i32
        %get3A_1114 = arith.index_cast %get3A_1113 : i32 to index
        %get3A_1115 = arith.index_cast %add3A_1112 : i32 to index
        %get3A_1116 = arith.constant 0 : index
        %get3A_1117 = tpu.vector_load %arg13[%get3A_1114, %get3A_1115, %get3A_1116] {strides = array<i32>} : memref<2x320x64xbf16, #tpu.memory_space<vmem>>, vector<32xbf16>,
        %mul3A_1118 = arith.constant 20 : i32
        %mul3A_1119 = arith.muli %scan3A_235, %mul3A_1118 : i32
        %add3A_1120 = arith.constant 18 : i32
        %add3A_1121 = arith.addi %mul3A_1119, %add3A_1120 : i32
        %get3A_1122 = arith.constant 1 : i32
        %get3A_1123 = arith.index_cast %get3A_1122 : i32 to index
        %get3A_1124 = arith.index_cast %add3A_1121 : i32 to index
        %get3A_1125 = arith.constant 32 : index
        %get3A_1126 = tpu.vector_load %arg13[%get3A_1123, %get3A_1124, %get3A_1125] {strides = array<i32>} : memref<2x320x64xbf16, #tpu.memory_space<vmem>>, vector<32xbf16>,
        %unpack3A_1127 = tpu.unpack_subelements %get3A_1117, 0 {pack_format = #tpu.pack_format<interleaved>} : vector<32xbf16> -> vector<16xf32>
        %unpack3A_1128 = tpu.unpack_subelements %get3A_1117, 1 {pack_format = #tpu.pack_format<interleaved>} : vector<32xbf16> -> vector<16xf32>
        %unpack3A_1129 = tpu.unpack_subelements %get3A_1126, 0 {pack_format = #tpu.pack_format<interleaved>} : vector<32xbf16> -> vector<16xf32>
        %unpack3A_1130 = tpu.unpack_subelements %get3A_1126, 1 {pack_format = #tpu.pack_format<interleaved>} : vector<32xbf16> -> vector<16xf32>
        %mul3A_1131 = arith.mulf %unpack3A_1127, %unpack3A : vector<16xf32>
        %mul3A_1132 = arith.mulf %unpack3A_1128, %unpack3A_315 : vector<16xf32>
        %add3A_1133 = arith.addf %mul3A_1131, %mul3A_1132 : vector<16xf32>
        %mul3A_1134 = arith.mulf %unpack3A_1129, %unpack3A_395 : vector<16xf32>
        %add3A_1135 = arith.addf %add3A_1133, %mul3A_1134 : vector<16xf32>
        %mul3A_1136 = arith.mulf %unpack3A_1130, %unpack3A_396 : vector<16xf32>
        %add3A_1137 = arith.addf %add3A_1135, %mul3A_1136 : vector<16xf32>
        %mul3A_1138 = arith.constant 336 : i32
        %mul3A_1139 = vector.broadcast %mul3A_1138 : i32 to vector<16xi32>
        %mul3A_1140 = arith.muli %iota3A, %mul3A_1139 : vector<16xi32>
        %add3A_1141 = arith.constant 1 : i32
        %add3A_1142 = arith.addi %mul3A_398, %add3A_1141 : i32
        %add3A_1143 = arith.constant 18 : i32
        %add3A_1144 = arith.addi %add3A_1142, %add3A_1143 : i32
        %add3A_1145 = vector.broadcast %add3A_1144 : i32 to vector<16xi32>
        %add3A_1146 = arith.addi %mul3A_1140, %add3A_1145 : vector<16xi32>
        tpu.vector_store_idx %arg14[%add3A_1146], %add3A_1137 : memref<5376xf32, #tpu.memory_space<vmem>>[vector<16xi32>], vector<16xf32>,
        %mul3A_1147 = arith.constant 20 : i32
        %mul3A_1148 = arith.muli %scan3A_235, %mul3A_1147 : i32
        %add3A_1149 = arith.constant 19 : i32
        %add3A_1150 = arith.addi %mul3A_1148, %add3A_1149 : i32
        %get3A_1151 = arith.constant 1 : i32
        %get3A_1152 = arith.index_cast %get3A_1151 : i32 to index
        %get3A_1153 = arith.index_cast %add3A_1150 : i32 to index
        %get3A_1154 = arith.constant 0 : index
        %get3A_1155 = tpu.vector_load %arg13[%get3A_1152, %get3A_1153, %get3A_1154] {strides = array<i32>} : memref<2x320x64xbf16, #tpu.memory_space<vmem>>, vector<32xbf16>,
        %mul3A_1156 = arith.constant 20 : i32
        %mul3A_1157 = arith.muli %scan3A_235, %mul3A_1156 : i32
        %add3A_1158 = arith.constant 19 : i32
        %add3A_1159 = arith.addi %mul3A_1157, %add3A_1158 : i32
        %get3A_1160 = arith.constant 1 : i32
        %get3A_1161 = arith.index_cast %get3A_1160 : i32 to index
        %get3A_1162 = arith.index_cast %add3A_1159 : i32 to index
        %get3A_1163 = arith.constant 32 : index
        %get3A_1164 = tpu.vector_load %arg13[%get3A_1161, %get3A_1162, %get3A_1163] {strides = array<i32>} : memref<2x320x64xbf16, #tpu.memory_space<vmem>>, vector<32xbf16>,
        %unpack3A_1165 = tpu.unpack_subelements %get3A_1155, 0 {pack_format = #tpu.pack_format<interleaved>} : vector<32xbf16> -> vector<16xf32>
        %unpack3A_1166 = tpu.unpack_subelements %get3A_1155, 1 {pack_format = #tpu.pack_format<interleaved>} : vector<32xbf16> -> vector<16xf32>
        %unpack3A_1167 = tpu.unpack_subelements %get3A_1164, 0 {pack_format = #tpu.pack_format<interleaved>} : vector<32xbf16> -> vector<16xf32>
        %unpack3A_1168 = tpu.unpack_subelements %get3A_1164, 1 {pack_format = #tpu.pack_format<interleaved>} : vector<32xbf16> -> vector<16xf32>
        %mul3A_1169 = arith.mulf %unpack3A_1165, %unpack3A : vector<16xf32>
        %mul3A_1170 = arith.mulf %unpack3A_1166, %unpack3A_315 : vector<16xf32>
        %add3A_1171 = arith.addf %mul3A_1169, %mul3A_1170 : vector<16xf32>
        %mul3A_1172 = arith.mulf %unpack3A_1167, %unpack3A_395 : vector<16xf32>
        %add3A_1173 = arith.addf %add3A_1171, %mul3A_1172 : vector<16xf32>
        %mul3A_1174 = arith.mulf %unpack3A_1168, %unpack3A_396 : vector<16xf32>
        %add3A_1175 = arith.addf %add3A_1173, %mul3A_1174 : vector<16xf32>
        %mul3A_1176 = arith.constant 336 : i32
        %mul3A_1177 = vector.broadcast %mul3A_1176 : i32 to vector<16xi32>
        %mul3A_1178 = arith.muli %iota3A, %mul3A_1177 : vector<16xi32>
        %add3A_1179 = arith.constant 1 : i32
        %add3A_1180 = arith.addi %mul3A_398, %add3A_1179 : i32
        %add3A_1181 = arith.constant 19 : i32
        %add3A_1182 = arith.addi %add3A_1180, %add3A_1181 : i32
        %add3A_1183 = vector.broadcast %add3A_1182 : i32 to vector<16xi32>
        %add3A_1184 = arith.addi %mul3A_1178, %add3A_1183 : vector<16xi32>
        tpu.vector_store_idx %arg14[%add3A_1184], %add3A_1175 : memref<5376xf32, #tpu.memory_space<vmem>>[vector<16xi32>], vector<16xf32>,
        %scan3A_1185 = arith.constant 0 : i32
        scf.yield %scan3A_1185 : i32
      }
      %scan3A_226 = arith.constant 16 : i32
      %scan3A_227 = arith.constant 0 : i32
      %scan3A_228 = arith.constant 0 : i32
      %scan3A_229 = arith.constant 21 : i32
      %scan3A_230 = arith.addi %scan3A_228, %scan3A_229 : i32
      %scan3A_231 = arith.constant 1 : i32
      %scan3A_232 = scf.for %scan3A_235 = %scan3A_228 to %scan3A_230 step %scan3A_231 iter_args(%scan3A_236 = %scan3A_227) -> (i32)  : i32 {
        %mul3A_237 = arith.constant 16 : i32
        %mul3A_238 = arith.muli %scan3A_235, %mul3A_237 : i32
        %get3A = arith.index_cast %mul3A_238 : i32 to index
        %get3A_239 = tpu.vector_load %arg14[%get3A] {strides = array<i32>} : memref<5376xf32, #tpu.memory_space<vmem>>, vector<16xf32>,
        %mul3A_240 = arith.constant 16 : i32
        %mul3A_241 = arith.muli %scan3A_235, %mul3A_240 : i32
        %add3A_242 = arith.constant 336 : i32
        %add3A_243 = arith.addi %add3A_242, %mul3A_241 : i32
        %get3A_244 = arith.index_cast %add3A_243 : i32 to index
        %get3A_245 = tpu.vector_load %arg14[%get3A_244] {strides = array<i32>} : memref<5376xf32, #tpu.memory_space<vmem>>, vector<16xf32>,
        %add3A_246 = arith.addf %get3A_239, %get3A_245 : vector<16xf32>
        %mul3A_247 = arith.constant 16 : i32
        %mul3A_248 = arith.muli %scan3A_235, %mul3A_247 : i32
        %add3A_249 = arith.constant 672 : i32
        %add3A_250 = arith.addi %add3A_249, %mul3A_248 : i32
        %get3A_251 = arith.index_cast %add3A_250 : i32 to index
        %get3A_252 = tpu.vector_load %arg14[%get3A_251] {strides = array<i32>} : memref<5376xf32, #tpu.memory_space<vmem>>, vector<16xf32>,
        %add3A_253 = arith.addf %add3A_246, %get3A_252 : vector<16xf32>
        %mul3A_254 = arith.constant 16 : i32
        %mul3A_255 = arith.muli %scan3A_235, %mul3A_254 : i32
        %add3A_256 = arith.constant 1008 : i32
        %add3A_257 = arith.addi %add3A_256, %mul3A_255 : i32
        %get3A_258 = arith.index_cast %add3A_257 : i32 to index
        %get3A_259 = tpu.vector_load %arg14[%get3A_258] {strides = array<i32>} : memref<5376xf32, #tpu.memory_space<vmem>>, vector<16xf32>,
        %add3A_260 = arith.addf %add3A_253, %get3A_259 : vector<16xf32>
        %mul3A_261 = arith.constant 16 : i32
        %mul3A_262 = arith.muli %scan3A_235, %mul3A_261 : i32
        %add3A_263 = arith.constant 1344 : i32
        %add3A_264 = arith.addi %add3A_263, %mul3A_262 : i32
        %get3A_265 = arith.index_cast %add3A_264 : i32 to index
        %get3A_266 = tpu.vector_load %arg14[%get3A_265] {strides = array<i32>} : memref<5376xf32, #tpu.memory_space<vmem>>, vector<16xf32>,
        %add3A_267 = arith.addf %add3A_260, %get3A_266 : vector<16xf32>
        %mul3A_268 = arith.constant 16 : i32
        %mul3A_269 = arith.muli %scan3A_235, %mul3A_268 : i32
        %add3A_270 = arith.constant 1680 : i32
        %add3A_271 = arith.addi %add3A_270, %mul3A_269 : i32
        %get3A_272 = arith.index_cast %add3A_271 : i32 to index
        %get3A_273 = tpu.vector_load %arg14[%get3A_272] {strides = array<i32>} : memref<5376xf32, #tpu.memory_space<vmem>>, vector<16xf32>,
        %add3A_274 = arith.addf %add3A_267, %get3A_273 : vector<16xf32>
        %mul3A_275 = arith.constant 16 : i32
        %mul3A_276 = arith.muli %scan3A_235, %mul3A_275 : i32
        %add3A_277 = arith.constant 2016 : i32
        %add3A_278 = arith.addi %add3A_277, %mul3A_276 : i32
        %get3A_279 = arith.index_cast %add3A_278 : i32 to index
        %get3A_280 = tpu.vector_load %arg14[%get3A_279] {strides = array<i32>} : memref<5376xf32, #tpu.memory_space<vmem>>, vector<16xf32>,
        %add3A_281 = arith.addf %add3A_274, %get3A_280 : vector<16xf32>
        %mul3A_282 = arith.constant 16 : i32
        %mul3A_283 = arith.muli %scan3A_235, %mul3A_282 : i32
        %add3A_284 = arith.constant 2352 : i32
        %add3A_285 = arith.addi %add3A_284, %mul3A_283 : i32
        %get3A_286 = arith.index_cast %add3A_285 : i32 to index
        %get3A_287 = tpu.vector_load %arg14[%get3A_286] {strides = array<i32>} : memref<5376xf32, #tpu.memory_space<vmem>>, vector<16xf32>,
        %add3A_288 = arith.addf %add3A_281, %get3A_287 : vector<16xf32>
        %mul3A_289 = arith.constant 16 : i32
        %mul3A_290 = arith.muli %scan3A_235, %mul3A_289 : i32
        %add3A_291 = arith.constant 2688 : i32
        %add3A_292 = arith.addi %add3A_291, %mul3A_290 : i32
        %get3A_293 = arith.index_cast %add3A_292 : i32 to index
        %get3A_294 = tpu.vector_load %arg14[%get3A_293] {strides = array<i32>} : memref<5376xf32, #tpu.memory_space<vmem>>, vector<16xf32>,
        %add3A_295 = arith.addf %add3A_288, %get3A_294 : vector<16xf32>
        %mul3A_296 = arith.constant 16 : i32
        %mul3A_297 = arith.muli %scan3A_235, %mul3A_296 : i32
        %add3A_298 = arith.constant 3024 : i32
        %add3A_299 = arith.addi %add3A_298, %mul3A_297 : i32
        %get3A_300 = arith.index_cast %add3A_299 : i32 to index
        %get3A_301 = tpu.vector_load %arg14[%get3A_300] {strides = array<i32>} : memref<5376xf32, #tpu.memory_space<vmem>>, vector<16xf32>,
        %add3A_302 = arith.addf %add3A_295, %get3A_301 : vector<16xf32>
        %mul3A_303 = arith.constant 16 : i32
        %mul3A_304 = arith.muli %scan3A_235, %mul3A_303 : i32
        %add3A_305 = arith.constant 3360 : i32
        %add3A_306 = arith.addi %add3A_305, %mul3A_304 : i32
        %get3A_307 = arith.index_cast %add3A_306 : i32 to index
        %get3A_308 = tpu.vector_load %arg14[%get3A_307] {strides = array<i32>} : memref<5376xf32, #tpu.memory_space<vmem>>, vector<16xf32>,
        %add3A_309 = arith.addf %add3A_302, %get3A_308 : vector<16xf32>
        %mul3A_310 = arith.constant 16 : i32
        %mul3A_311 = arith.muli %scan3A_235, %mul3A_310 : i32
        %add3A_312 = arith.constant 3696 : i32
        %add3A_313 = arith.addi %add3A_312, %mul3A_311 : i32
        %get3A_314 = arith.index_cast %add3A_313 : i32 to index
        %get3A_315 = tpu.vector_load %arg14[%get3A_314] {strides = array<i32>} : memref<5376xf32, #tpu.memory_space<vmem>>, vector<16xf32>,
        %add3A_316 = arith.addf %add3A_309, %get3A_315 : vector<16xf32>
        %mul3A_317 = arith.constant 16 : i32
        %mul3A_318 = arith.muli %scan3A_235, %mul3A_317 : i32
        %add3A_319 = arith.constant 4032 : i32
        %add3A_320 = arith.addi %add3A_319, %mul3A_318 : i32
        %get3A_321 = arith.index_cast %add3A_320 : i32 to index
        %get3A_322 = tpu.vector_load %arg14[%get3A_321] {strides = array<i32>} : memref<5376xf32, #tpu.memory_space<vmem>>, vector<16xf32>,
        %add3A_323 = arith.addf %add3A_316, %get3A_322 : vector<16xf32>
        %mul3A_324 = arith.constant 16 : i32
        %mul3A_325 = arith.muli %scan3A_235, %mul3A_324 : i32
        %add3A_326 = arith.constant 4368 : i32
        %add3A_327 = arith.addi %add3A_326, %mul3A_325 : i32
        %get3A_328 = arith.index_cast %add3A_327 : i32 to index
        %get3A_329 = tpu.vector_load %arg14[%get3A_328] {strides = array<i32>} : memref<5376xf32, #tpu.memory_space<vmem>>, vector<16xf32>,
        %add3A_330 = arith.addf %add3A_323, %get3A_329 : vector<16xf32>
        %mul3A_331 = arith.constant 16 : i32
        %mul3A_332 = arith.muli %scan3A_235, %mul3A_331 : i32
        %add3A_333 = arith.constant 4704 : i32
        %add3A_334 = arith.addi %add3A_333, %mul3A_332 : i32
        %get3A_335 = arith.index_cast %add3A_334 : i32 to index
        %get3A_336 = tpu.vector_load %arg14[%get3A_335] {strides = array<i32>} : memref<5376xf32, #tpu.memory_space<vmem>>, vector<16xf32>,
        %add3A_337 = arith.addf %add3A_330, %get3A_336 : vector<16xf32>
        %mul3A_338 = arith.constant 16 : i32
        %mul3A_339 = arith.muli %scan3A_235, %mul3A_338 : i32
        %add3A_340 = arith.constant 5040 : i32
        %add3A_341 = arith.addi %add3A_340, %mul3A_339 : i32
        %get3A_342 = arith.index_cast %add3A_341 : i32 to index
        %get3A_343 = tpu.vector_load %arg14[%get3A_342] {strides = array<i32>} : memref<5376xf32, #tpu.memory_space<vmem>>, vector<16xf32>,
        %add3A_344 = arith.addf %add3A_337, %get3A_343 : vector<16xf32>
        %mul3A_345 = arith.constant 336 : i32
        %mul3A_346 = arith.muli %add3A_219, %mul3A_345 : i32
        %mul3A_347 = arith.constant 16 : i32
        %mul3A_348 = arith.muli %scan3A_235, %mul3A_347 : i32
        %add3A_349 = arith.addi %mul3A_346, %mul3A_348 : i32
        %swap3A = arith.index_cast %add3A_349 : i32 to index
        %swap3A_350 = tpu.vector_load %arg15[%swap3A] {strides = array<i32>} : memref<10752xf32, #tpu.memory_space<vmem>>, vector<16xf32>,
        tpu.vector_store %arg15[%swap3A], %add3A_344 {strides = array<i32>} : memref<10752xf32, #tpu.memory_space<vmem>>, vector<16xf32>,
        %scan3A_351 = arith.constant 0 : i32
        scf.yield %scan3A_351 : i32
      }
      %scan3A_233 = arith.constant 21 : i32
      %scan3A_234 = arith.constant 0 : i32
      scf.yield %scan3A_234 : i32
    }
    %scan3A_57 = arith.constant 16 : i32
    %mul3A_58 = arith.constant 512 : i32
    %mul3A_59 = arith.muli %add3A, %mul3A_58 : i32
    %mul3A_60 = arith.constant 21 : i32
    %mul3A_61 = arith.muli %mul3A_59, %mul3A_60 : i32
    "tpu.region"() ({
      %run_scoped3A = tpu.sem_alloc : memref<!tpu.dma_semaphore, #tpu.memory_space<semaphore_mem>>
      %dma_start3A_62 = tpu.memref_slice %arg7[%mul3A_61] : memref<344064xf32, #tpu.memory_space<hbm>> -> memref<10752xf32, #tpu.memory_space<hbm>>
      %dma_start3A_63 = tpu.memref_slice %arg7[%mul3A_61] : memref<344064xf32, #tpu.memory_space<hbm>> -> memref<10752xf32, #tpu.memory_space<hbm>>
      tpu.enqueue_dma source(%arg15 : memref<10752xf32, #tpu.memory_space<vmem>>) target(%dma_start3A_63 : memref<10752xf32, #tpu.memory_space<hbm>>) target_semaphore(%run_scoped3A : memref<!tpu.dma_semaphore, #tpu.memory_space<semaphore_mem>>)
      %dma_wait3A = tpu.memref_slice %arg7[%mul3A_61] : memref<344064xf32, #tpu.memory_space<hbm>> -> memref<10752xf32, #tpu.memory_space<hbm>>
      %dma_wait3A_64 = tpu.memref_slice %arg7[%mul3A_61] : memref<344064xf32, #tpu.memory_space<hbm>> -> memref<10752xf32, #tpu.memory_space<hbm>>
      tpu.wait_dma2 semaphore(%run_scoped3A : memref<!tpu.dma_semaphore, #tpu.memory_space<semaphore_mem>>) src(%arg15 : memref<10752xf32, #tpu.memory_space<vmem>>) dst(%dma_wait3A_64 : memref<10752xf32, #tpu.memory_space<hbm>>)
      tpu.yield
    }) : () -> ()
    return
  }
}

module attributes {stable_mosaic.version = 14 : i64} {
  func.func @_tc_prior_body(%arg0: i32, %arg1: memref<64x8192xf32, #tpu.memory_space<vmem>>, %arg2: memref<64x8192xf32, #tpu.memory_space<vmem>>, %arg3: memref<1x1xf32, #tpu.memory_space<smem>>, %arg4: memref<1xf32, #tpu.memory_space<smem>>) attributes {dimension_semantics = [#tpu.dimension_semantics<arbitrary>], iteration_bounds = array<i64: 13>, scalar_prefetch = 0 : i64, scratch_operands = 1 : i64, tpu.core_type = #tpu.core_type<tc>, window_params = [{transform_indices = @transform_0, window_bounds = array<i64: 64, 8192>}, {transform_indices = @transform_1, window_bounds = array<i64: 64, 8192>}, {transform_indices = @transform_2, window_bounds = array<i64: 1, 1>}]} {
    %eq3A = arith.constant 0 : i32
    %eq3A_0 = arith.cmpi eq, %arg0, %eq3A : i32
    %convert_element_type3A = arith.extui %eq3A_0 : i1 to i32
    %cond3A = arith.constant 0 : i32
    %cond3A_1 = arith.cmpi ne, %convert_element_type3A, %cond3A : i32
    scf.if %cond3A_1 {
      %swap3A_35 = arith.constant 0.000000e+00 : f32
      %swap3A_36 = arith.constant 0 : index
      %swap3A_37 = memref.load %arg4[%swap3A_36] : memref<1xf32, #tpu.memory_space<smem>>
      memref.store %swap3A_35, %arg4[%swap3A_36] : memref<1xf32, #tpu.memory_space<smem>>
    } else {
    }
    %mul3A = arith.constant 8192 : i32
    %mul3A_2 = arith.muli %arg0, %mul3A : i32
    %iota3A = tpu.iota {dimensions = array<i32: 1>} : vector<64x8192xi32>
    %add3A = vector.broadcast %mul3A_2 : i32 to vector<64x8192xi32>
    %add3A_3 = arith.addi %add3A, %iota3A : vector<64x8192xi32>
    %lt3A = arith.constant 100000 : i32
    %lt3A_4 = vector.broadcast %lt3A : i32 to vector<64x8192xi32>
    %lt3A_5 = arith.cmpi slt, %add3A_3, %lt3A_4 : vector<64x8192xi32>
    %get3A = arith.constant 0 : index
    %get3A_6 = arith.constant 0 : index
    %get3A_7 = vector.load %arg1[%get3A, %get3A_6] : memref<64x8192xf32, #tpu.memory_space<vmem>>, vector<64x8192xf32>
    %jit3A = arith.constant 0.000000e+00 : f32
    %broadcast_in_dim3A = vector.broadcast %jit3A : f32 to vector<64x8192xf32>
    %select_n3A = arith.select %lt3A_5, %get3A_7, %broadcast_in_dim3A : vector<64x8192xi1>, vector<64x8192xf32>
    %get3A_8 = arith.constant 0 : index
    %get3A_9 = arith.constant 0 : index
    %get3A_10 = vector.load %arg2[%get3A_8, %get3A_9] : memref<64x8192xf32, #tpu.memory_space<vmem>>, vector<64x8192xf32>
    %jit3A_11 = arith.constant 0.000000e+00 : f32
    %broadcast_in_dim3A_12 = vector.broadcast %jit3A_11 : f32 to vector<64x8192xf32>
    %select_n3A_13 = arith.select %lt3A_5, %get3A_10, %broadcast_in_dim3A_12 : vector<64x8192xi1>, vector<64x8192xf32>
    %get3A_14 = arith.constant 0 : index
    %get3A_15 = memref.load %arg4[%get3A_14] : memref<1xf32, #tpu.memory_space<smem>>
    %mul3A_16 = arith.mulf %select_n3A, %select_n3A : vector<64x8192xf32>
    %reduce_sum3A = vector.shape_cast %mul3A_16 : vector<64x8192xf32> to vector<1x64x8192xf32>
    %reduce_sum3A_17 = arith.constant dense<0.000000e+00> : vector<1xf32>
    %reduce_sum3A_18 = vector.multi_reduction <add>, %reduce_sum3A, %reduce_sum3A_17 [1, 2] : vector<1x64x8192xf32> to vector<1xf32>
    %reduce_sum3A_19 = vector.shape_cast %reduce_sum3A_18 : vector<1xf32> to vector<1x1x1xf32>
    %reduce_sum3A_20 = vector.extract %reduce_sum3A_19[0, 0, 0] : f32 from vector<1x1x1xf32>
    %mul3A_21 = arith.mulf %select_n3A_13, %select_n3A_13 : vector<64x8192xf32>
    %reduce_sum3A_22 = vector.shape_cast %mul3A_21 : vector<64x8192xf32> to vector<1x64x8192xf32>
    %reduce_sum3A_23 = arith.constant dense<0.000000e+00> : vector<1xf32>
    %reduce_sum3A_24 = vector.multi_reduction <add>, %reduce_sum3A_22, %reduce_sum3A_23 [1, 2] : vector<1x64x8192xf32> to vector<1xf32>
    %reduce_sum3A_25 = vector.shape_cast %reduce_sum3A_24 : vector<1xf32> to vector<1x1x1xf32>
    %reduce_sum3A_26 = vector.extract %reduce_sum3A_25[0, 0, 0] : f32 from vector<1x1x1xf32>
    %add3A_27 = arith.addf %reduce_sum3A_20, %reduce_sum3A_26 : f32
    %add3A_28 = arith.addf %get3A_15, %add3A_27 : f32
    %swap3A = arith.constant 0 : index
    %swap3A_29 = memref.load %arg4[%swap3A] : memref<1xf32, #tpu.memory_space<smem>>
    memref.store %add3A_28, %arg4[%swap3A] : memref<1xf32, #tpu.memory_space<smem>>
    %eq3A_30 = arith.constant 12 : i32
    %eq3A_31 = arith.cmpi eq, %arg0, %eq3A_30 : i32
    %convert_element_type3A_32 = arith.extui %eq3A_31 : i1 to i32
    %cond3A_33 = arith.constant 0 : i32
    %cond3A_34 = arith.cmpi ne, %convert_element_type3A_32, %cond3A_33 : i32
    scf.if %cond3A_34 {
      %get3A_35 = arith.constant 0 : index
      %get3A_36 = memref.load %arg4[%get3A_35] : memref<1xf32, #tpu.memory_space<smem>>
      %swap3A_37 = arith.constant 0 : index
      %swap3A_38 = arith.constant 0 : index
      %swap3A_39 = memref.load %arg3[%swap3A_37, %swap3A_38] : memref<1x1xf32, #tpu.memory_space<smem>>
      memref.store %get3A_36, %arg3[%swap3A_37, %swap3A_38] : memref<1x1xf32, #tpu.memory_space<smem>>
    } else {
    }
    return
  }
  func.func @transform_0(%arg0: i32) -> (i32, i32) {
    %c0_i32 = arith.constant 0 : i32
    %c0_i32_0 = arith.constant 0 : i32
    return %c0_i32, %arg0 : i32, i32
  }
  func.func @transform_1(%arg0: i32) -> (i32, i32) {
    %c0_i32 = arith.constant 0 : i32
    %c0_i32_0 = arith.constant 0 : i32
    return %c0_i32, %arg0 : i32, i32
  }
  func.func @transform_2(%arg0: i32) -> (i32, i32) {
    %c0_i32 = arith.constant 0 : i32
    %c0_i32_0 = arith.constant 0 : i32
    %c0_i32_1 = arith.constant 0 : i32
    return %c0_i32, %c0_i32_0 : i32, i32
  }
}

module attributes {stable_mosaic.version = 14 : i64} {
  func.func @_tc_logsig_body(%arg0: memref<336x1024xf32, #tpu.memory_space<vmem>>, %arg1: memref<1x1xf32, #tpu.memory_space<smem>>) attributes {dimension_semantics = [], scalar_prefetch = 0 : i64, scratch_operands = 0 : i64, tpu.core_type = #tpu.core_type<tc>} {
    %get3A = arith.constant 0 : index
    %get3A_0 = arith.constant 0 : index
    %get3A_1 = vector.load %arg0[%get3A, %get3A_0] : memref<336x1024xf32, #tpu.memory_space<vmem>>, vector<336x1024xf32>
    %iota3A = tpu.iota {dimensions = array<i32: 0>} : vector<336x1024xi32>
    %iota3A_2 = tpu.iota {dimensions = array<i32: 1>} : vector<336x1024xi32>
    %mul3A = arith.constant 1024 : i32
    %mul3A_3 = vector.broadcast %mul3A : i32 to vector<336x1024xi32>
    %mul3A_4 = arith.muli %iota3A, %mul3A_3 : vector<336x1024xi32>
    %add3A = arith.addi %mul3A_4, %iota3A_2 : vector<336x1024xi32>
    %jit3A = arith.constant 21 : i32
    %eq3A = arith.constant 0 : i32
    %eq3A_5 = arith.cmpi eq, %jit3A, %eq3A : i32
    %jit3A_6 = arith.constant 1 : i32
    %select_n3A = arith.select %eq3A_5, %jit3A_6, %jit3A : i32
    %rem3A = vector.broadcast %select_n3A : i32 to vector<336x1024xi32>
    %rem3A_7 = arith.remsi %add3A, %rem3A : vector<336x1024xi32>
    %ne3A = arith.constant 0 : i32
    %ne3A_8 = vector.broadcast %ne3A : i32 to vector<336x1024xi32>
    %ne3A_9 = arith.cmpi ne, %rem3A_7, %ne3A_8 : vector<336x1024xi32>
    %lt3A = arith.constant 0 : i32
    %lt3A_10 = vector.broadcast %lt3A : i32 to vector<336x1024xi32>
    %lt3A_11 = arith.cmpi slt, %rem3A_7, %lt3A_10 : vector<336x1024xi32>
    %lt3A_12 = arith.constant 0 : i32
    %lt3A_13 = arith.cmpi slt, %select_n3A, %lt3A_12 : i32
    %ne3A_14 = vector.broadcast %lt3A_13 : i1 to vector<336x1024xi1>
    %ne3A_15 = vector.broadcast %ne3A_14 : vector<336x1024xi1> to vector<336x1024xi1>
    %ne3A_16 = arith.xori %lt3A_11, %ne3A_15 : vector<336x1024xi1>
    %and3A = arith.andi %ne3A_16, %ne3A_9 : vector<336x1024xi1>
    %add3A_17 = vector.broadcast %select_n3A : i32 to vector<336x1024xi32>
    %add3A_18 = arith.addi %rem3A_7, %add3A_17 : vector<336x1024xi32>
    %select_n3A_19 = arith.select %and3A, %add3A_18, %rem3A_7 : vector<336x1024xi1>, vector<336x1024xi32>
    %eq3A_20 = arith.constant 0 : i32
    %eq3A_21 = vector.broadcast %eq3A_20 : i32 to vector<336x1024xi32>
    %eq3A_22 = arith.cmpi eq, %select_n3A_19, %eq3A_21 : vector<336x1024xi32>
    %neg3A = arith.constant 0.000000e+00 : f32
    %neg3A_23 = vector.broadcast %neg3A : f32 to vector<336x1024xf32>
    %neg3A_24 = arith.subf %neg3A_23, %get3A_1 : vector<336x1024xf32>
    %select_n3A_25 = arith.select %eq3A_22, %get3A_1, %neg3A_24 : vector<336x1024xi1>, vector<336x1024xf32>
    %neg3A_26 = arith.constant 0.000000e+00 : f32
    %neg3A_27 = vector.broadcast %neg3A_26 : f32 to vector<336x1024xf32>
    %neg3A_28 = arith.subf %neg3A_27, %select_n3A_25 : vector<336x1024xf32>
    %custom_jvp_call3A = arith.constant 0.000000e+00 : f32
    %max3A = vector.broadcast %custom_jvp_call3A : f32 to vector<336x1024xf32>
    %max3A_29 = arith.maximumf %neg3A_28, %max3A : vector<336x1024xf32>
    %sub3A = vector.broadcast %custom_jvp_call3A : f32 to vector<336x1024xf32>
    %sub3A_30 = arith.subf %neg3A_28, %sub3A : vector<336x1024xf32>
    %ne3A_31 = arith.cmpf one, %sub3A_30, %sub3A_30 : vector<336x1024xf32>
    %add3A_32 = vector.broadcast %custom_jvp_call3A : f32 to vector<336x1024xf32>
    %add3A_33 = arith.addf %neg3A_28, %add3A_32 : vector<336x1024xf32>
    %abs3A = math.absf %sub3A_30 : vector<336x1024xf32>
    %neg3A_34 = arith.constant 0.000000e+00 : f32
    %neg3A_35 = vector.broadcast %neg3A_34 : f32 to vector<336x1024xf32>
    %neg3A_36 = arith.subf %neg3A_35, %abs3A : vector<336x1024xf32>
    %exp3A = math.exp %neg3A_36 : vector<336x1024xf32>
    %log1p3A = math.log1p %exp3A : vector<336x1024xf32>
    %add3A_37 = arith.addf %max3A_29, %log1p3A : vector<336x1024xf32>
    %select_n3A_38 = arith.select %ne3A_31, %add3A_33, %add3A_37 : vector<336x1024xi1>, vector<336x1024xf32>
    %neg3A_39 = arith.constant 0.000000e+00 : f32
    %neg3A_40 = vector.broadcast %neg3A_39 : f32 to vector<336x1024xf32>
    %neg3A_41 = arith.subf %neg3A_40, %select_n3A_38 : vector<336x1024xf32>
    %reduce_sum3A = vector.shape_cast %neg3A_41 : vector<336x1024xf32> to vector<1x336x1024xf32>
    %reduce_sum3A_42 = arith.constant dense<0.000000e+00> : vector<1xf32>
    %reduce_sum3A_43 = vector.multi_reduction <add>, %reduce_sum3A, %reduce_sum3A_42 [1, 2] : vector<1x336x1024xf32> to vector<1xf32>
    %reduce_sum3A_44 = vector.shape_cast %reduce_sum3A_43 : vector<1xf32> to vector<1x1x1xf32>
    %reduce_sum3A_45 = vector.extract %reduce_sum3A_44[0, 0, 0] : f32 from vector<1x1x1xf32>
    %swap3A = arith.constant 0 : index
    %swap3A_46 = arith.constant 0 : index
    %swap3A_47 = memref.load %arg1[%swap3A, %swap3A_46] : memref<1x1xf32, #tpu.memory_space<smem>>
    memref.store %reduce_sum3A_45, %arg1[%swap3A, %swap3A_46] : memref<1x1xf32, #tpu.memory_space<smem>>
    return
  }
}

</mosaic_0001>

<sc_bundles>
// kernel: kernel.5.cloned.1.call-start
scs
__scs_entry_jumppad:
0x0: {  	(pc) =	sbr.rel $0x88, $3  }
0x1: {  	(tag) =	ssettag $0x0;
	lr =	simm.s32 $0x1  }
0x2: {  	[smem:$0x3F9C] =	sst lr;
	_ =	strace $0xD0000000  }
0x3: {  	_ = 	snop  }
0x4: {  	_ = 	snop  }
0x5: {  	_ = 	snop  }
0x6: {  	_ = 	snop  }
0x7: {  	_ = 	snop  }
__scs_overlays_trampoline_lowered:
0x8: {  	[smem:$0x3FAB] =	sst s0  }
0x9: {  	[smem:$0x3FAC] =	sst s1  }
0xa: {  	[smem:$0x3FAD] =	sst s2  }
0xb: {  	[smem:$0x3FAE] =	sst s3  }
0xc: {  	[smem:$0x3FAF] =	sst s4  }
0xd: {  	[smem:$0x3FB0] =	sst s5  }
0xe: {  	[smem:$0x3FB1] =	sst s6  }
0xf: {  	[smem:$0x3FB2] =	sst s7  }
0x10: {  	[smem:$0x3FB3] =	sst s8  }
0x11: {  	[smem:$0x3FB4] =	sst s9;
	s0 =	simm.s32 @!p0 $0x0  }
0x12: {  	s1 =	sld [smem:$0x3F9A];
	s0 =	simm.s32 @p0 $0x1  }
0x13: {  	[smem:$0x3FB5] =	sst s0;
	s0 =	simm.s32 @!p1 $0x0  }
0x14: {  	s2 =	sld [smem:$0x3F99];
	s0 =	simm.s32 @p1 $0x1  }
0x15: {  	[smem:$0x3FB6] =	sst s0;
	s0 =	simm.s32 @!p2 $0x0  }
0x16: {  	s3 =	sld [smem:$0x3FDB];
	s0 =	simm.s32 @p2 $0x1  }
0x17: {  	s4 =	simm.s32 $0x1BF5;
	[smem:$0x3FB8] =	sst s0  }
0x18: {  	s0 =	sld [smem:$0x3F9B];
	_ =	swait.ge [sflag:s4], $0x0  }
0x19: {  	s7 =	sld [smem:$0x3F9C]  }
0x1a: {  	s8 =	sadd.s32 $0xFFFFE003, lr  }
0x1b: {  	s9 =	sadd.s32 $0xFFFFFEF7, lr;
	s5 =	simm.s32 $0xFFFFFFFF;
	p2 =	slt.u32 s8, $0xFFFFF086  }
0x1c: {  	p1 =	slt.u32 s9, $0xF7A;
	s5 =	simm.s32 @!p2 $0x0  }
0x1d: {  	s5 =	simm.s32 @p1 $0x1;
	p0 =	seq.s32 s7, s2  }
0x1e: {  	s7 =	smul.u32 @!p0 $0xF7A, s2;
	p2 =	seq.s32 @!p0 s5, $0x0  }
0x1f: {  	s9 =	smul.u32 $0xF7A, s1;
	s8 =	simm.s32 @!p0 $0x1BF5;
	p2 =	por !p2, p0  }
0x20: {  	[sflag:s8] =	ssyncset.s32 @!p0 $0xFFFFF086;
	s6 =	sadd.s32 @!p0 s3, s7;
	s7 =	simm.s32 @!p0 $0x108  }
0x21: {  	s3 =	sadd.s32 s3, s9;
	s6 =	sadd.s32 @!p0 $0x88, s6;
	s7 =	simm.s32 @p2 $0x1082  }
0x22: {  	[simem:s7], [sflag:s8] =	dma.local @!p0 [hbm:s6], $0xF7A  }
0x23: {  	s9 =	sor.u32 $0xD0000000, s2;
	s6 =	simm.s32 $0x108;
	_ =	swait.ge @!p0 [sflag:s8], $0x0  }
0x24: {  	s3 =	sadd.s32 $0x88, s3;
	s6 =	simm.s32 @!p1 $0x1082;
	[sflag:s4] =	ssyncset.s32 $0xFFFFF086  }
0x25: {  	[simem:s6], [sflag:s4] =	dma.local [hbm:s3], $0xF7A  }
0x26: {  	[smem:$0x3F9C] =	sst s1;
	(tag) =	ssettag s2;
	_ =	strace s9  }
0x27: {  	s1 =	sld [smem:$0x3FAC]  }
0x28: {  	s2 =	sld [smem:$0x3FAD]  }
0x29: {  	s4 =	sld [smem:$0x3FAF]  }
0x2a: {  	p0 =	seq.s32 s5, $0x0;
	s5 =	sld [smem:$0x3FB0]  }
0x2b: {  	s6 =	sld [smem:$0x3FB1]  }
0x2c: {  	s7 =	sld [smem:$0x3FB2]  }
0x2d: {  	s3 =	simm.s32 $0x108;
	s8 =	sld [smem:$0x3FB3]  }
0x2e: {  	s3 =	simm.s32 @!p0 $0x1082;
	s9 =	sld [smem:$0x3FB4]  }
0x2f: {  	lr =	sadd.s32 s0, s3;
	s0 =	sld [smem:$0x3FAB]  }
0x30: {  	s3 =	sld [smem:$0x3FAE]  }
0x31: {  	[smem:$0x3FB7] =	sst s10  }
0x32: {  	s10 =	sld [smem:$0x3FB5];
	_ =	sdelay $0x3  }
0x33: {  	p0 =	seq.s32 s10, $0x1;
	s10 =	sld [smem:$0x3FB7];
	_ =	sdelay $0x3  }
0x34: {  	[smem:$0x3FB7] =	sst s10  }
0x35: {  	s10 =	sld [smem:$0x3FB6];
	_ =	sdelay $0x3  }
0x36: {  	p1 =	seq.s32 s10, $0x1;
	s10 =	sld [smem:$0x3FB7];
	_ =	sdelay $0x3  }
0x37: {  	[smem:$0x3FB7] =	sst s10  }
0x38: {  	s10 =	sld [smem:$0x3FB8]  }
0x39: {  	_ = 	snop;
	(pc) =	sbr.ind lr, $3  }
0x3a: {  	_ = 	snop  }
0x3b: {  	_ = 	snop  }
0x3c: {  	p2 =	seq.s32 s10, $0x1;
	s10 =	sld [smem:$0x3FB7]  }
0x3d: {  	_ =	shalt  }
0x3e: {  	_ =	shalt  }
0x3f: {  	_ =	shalt  }
0x40: {  	_ =	shalt  }
0x41: {  	_ =	shalt  }
0x42: {  	_ =	shalt  }
0x43: {  	_ =	shalt  }
0x44: {  	_ =	shalt  }
0x45: {  	_ =	shalt  }
0x46: {  	_ =	shalt  }
0x47: {  	_ =	shalt  }
0x48: {  	_ =	shalt  }
0x49: {  	_ =	shalt  }
0x4a: {  	_ =	shalt  }
0x4b: {  	_ =	shalt  }
0x4c: {  	_ =	shalt  }
0x4d: {  	_ =	shalt  }
0x4e: {  	_ =	shalt  }
0x4f: {  	_ =	shalt  }
0x50: {  	_ =	shalt  }
0x51: {  	_ =	shalt  }
0x52: {  	_ =	shalt  }
0x53: {  	_ =	shalt  }
0x54: {  	_ =	shalt  }
0x55: {  	_ =	shalt  }
0x56: {  	_ =	shalt  }
0x57: {  	_ =	shalt  }
0x58: {  	_ =	shalt  }
0x59: {  	_ =	shalt  }
0x5a: {  	_ =	shalt  }
0x5b: {  	_ =	shalt  }
0x5c: {  	_ =	shalt  }
0x5d: {  	_ =	shalt  }
0x5e: {  	_ =	shalt  }
0x5f: {  	_ =	shalt  }
0x60: {  	_ =	shalt  }
0x61: {  	_ =	shalt  }
0x62: {  	_ =	shalt  }
0x63: {  	_ =	shalt  }
0x64: {  	_ =	shalt  }
0x65: {  	_ =	shalt  }
0x66: {  	_ =	shalt  }
0x67: {  	_ =	shalt  }
0x68: {  	_ =	shalt  }
0x69: {  	_ =	shalt  }
0x6a: {  	_ =	shalt  }
0x6b: {  	_ =	shalt  }
0x6c: {  	_ =	shalt  }
0x6d: {  	_ =	shalt  }
0x6e: {  	_ =	shalt  }
0x6f: {  	_ =	shalt  }
0x70: {  	_ =	shalt  }
0x71: {  	_ =	shalt  }
0x72: {  	_ =	shalt  }
0x73: {  	_ =	shalt  }
0x74: {  	_ =	shalt  }
0x75: {  	_ =	shalt  }
0x76: {  	_ =	shalt  }
0x77: {  	_ =	shalt  }
0x78: {  	_ =	shalt  }
0x79: {  	_ =	shalt  }
0x7a: {  	_ =	shalt  }
0x7b: {  	_ =	shalt  }
0x7c: {  	_ =	shalt  }
0x7d: {  	_ =	shalt  }
0x7e: {  	_ =	shalt  }
0x7f: {  	_ =	shalt  }
0x80: {  	_ =	shalt  }
0x81: {  	_ =	shalt  }
0x82: {  	_ =	shalt  }
0x83: {  	_ =	shalt  }
0x84: {  	_ =	shalt  }
0x85: {  	_ =	shalt  }
0x86: {  	_ =	shalt  }
0x87: {  	_ =	shalt  }
.Lfunc_end0:
.L_simem_size_0:
called_computation_lowered:
.L_overlay_start_0:
0x88: {  	s2 =	sld [smem:$0x3FD9]  }
0x89: {  	s3 =	sld [smem:$0x3FFE];
	_ =	sdelay $0x1  }
0x8a: {  	s1 =	srdreg.scid  }
0x8b: {  	s0 =	sand.u32 $0x1, s1  }
0x8c: {  	s17 =	sshll.u32 s0, $0xA;
	s2 =	sadd.s32 s3, s2  }
0x8d: {  	s2 =	sadd.s32 s2, s17  }
0x8e: {  	[smem:$0x3FC3] =	sst s2  }
0x8f: {  	_ = 	snop  }
0x90: {  	s2 =	sld [smem:$0x3FC9];
	(tm) =	ssettm $0x1  }
0x91: {  	s18 =	sld [smem:$0x3FFB];
	_ =	sdelay $0x3  }
0x92: {  	_ =	strace s18  }
0x93: {  	s3 =	sld [smem:$0x3FFC];
	_ =	sdelay $0x3  }
0x94: {  	_ =	strace s3  }
0x95: {  	s3 =	sld [smem:$0x3FFD];
	_ =	sdelay $0x3  }
0x96: {  	_ =	strace s3  }
0x97: {  	_ =	strace $0x8FFFFFFF  }
0x98: {  	s19 =	sld [smem:$0x3FDB];
	_ =	sdelay $0x1  }
0x99: {  	s4 =	simm.s32 $_scs_section_size  }
0x9a: {  	s5 =	simm.s32 $_size__tile_overlayer_lowered;
	s6 =	simm.s32 $_tile_overlayer_lowered  }
0x9b: {  	s22 =	simm.s32 $0x1BFF;
	s21 =	sshll.u32 s6, $0x1;
	s3 =	sadd.s32 s4, s19  }
0x9c: {  	s7 =	simm.s32 $0x0;
	s20 =	sshll.u32 s5, $0x1;
	s5 =	sadd.s32 s21, s3  }
0x9d: {  	[timem:s7], [sflag:s22] =	dma.local [hbm:s5], s20  }
0x9e: {  	_ =	swait.ge [sflag:s22], s20  }
0x9f: {  	s4 =	ssub.s32 $0x0, s20;
	[sflag:s22] =	ssyncset.done $0x0  }
0xa0: {  	[sflag:s22] =	ssyncadd.s32 s4;
	_ =	sdelay $0x1  }
0xa1: {  	s23 =	simm.s32 $0x1B8B  }
0xa2: {  	_ =	swait.ge [sflag:s23], $0x1  }
0xa3: {  	[sflag:s23] =	ssyncset.done $0x0  }
0xa4: {  	s25 =	simm.s32 $0x1B8E;
	s24 =	sld [smem:$0x3FFE];
	[sflag:s23] =	ssyncadd.s32 $0xFFFFFFFF  }
0xa5: {  	s26 =	simm.s32 $execute0_lowered;
	[smem:$0x3FD2] =	sst s25  }
0xa6: {  	s5 =	sshll.u32 s26, $0x1;
	_ =	strace $0x80000046;
	[dreg:$0x1] =	wrdreg $0xFFFFFFFF  }
0xa7: {  	s28 =	simm.s32 $_size_execute0_lowered;
	s3 =	sadd.s32 s3, s5;
	[dreg:$0x0] =	wrdreg $0x0  }
0xa8: {  	s5 =	sshll.u32 s28, $0x1;
	[dreg:$0x2] =	wrdreg s3  }
0xa9: {  	[dreg:$0x3] =	wrdreg s5  }
0xaa: {  	[dreg:$0x4] =	wrdreg $0xC0  }
0xab: {  	_ =	task [dreg:s7], $0x5FFFF  }
0xac: {  	[dreg:$0x1] =	wrdreg $0xFFFFFFFF  }
0xad: {  	[dreg:$0x0] =	wrdreg $0x60  }
0xae: {  	[dreg:$0x2] =	wrdreg s2  }
0xaf: {  	[dreg:$0x3] =	wrdreg s24  }
0xb0: {  	[dreg:$0x4] =	wrdreg $0x9  }
0xb1: {  	_ =	task.clear_ibuf [dreg:s7], $0x5FFFF;
	_ =	strace $0x90000046  }
0xb2: {  	s29 =	simm.s32 $0x9;
	_ =	strace $0x80000048  }
0xb3: {  	_ =	swait.ge [sflag:s29], $0x1  }
0xb4: {  	[sflag:s29] =	ssyncadd.s32 $0xFFFFFFFF  }
0xb5: {  	_ =	strace $0x90000048  }
0xb6: {  	_ =	sfence  }
0xb7: {  	s30 =	sld [smem:$0x0];
	_ =	sdelay $0x2  }
0xb8: {  	s31 =	sshll.u32 s1, $0xD;
	s1 =	sshrl.u32 s1, $0x2  }
0xb9: {  	s3 =	sand.u32 $0x4000, s31;
	s1 =	sadd.s32 s1, s30  }
0xba: {  	s0 =	sor.u32 s3, s0;
	s1 =	sshll.u32 s1, $0x11  }
0xbb: {  	s0 =	sor.u32 s1, s0  }
0xbc: {  	s0 =	sadd.s32 $0x8F2B, s0  }
0xbd: {  	[sflag:s0] =	ssyncadd.remote.s32 $0x1  }
0xbe: {  	_ =	sfence.sel $0xFFFF  }
0xbf: {  	[dreg:$0x0] =	wrdreg $0xFFFFFFFF;
	(pc) =	sbr.abs _section_cstart, $3  }
0xc0: {  	[dreg:$0x1] =	wrdreg $0xFFFFFFFF  }
0xc1: {  	_ =	task.clear_ibuf [dreg:s7], $0x2FFFF;
	_ =	strace $0x9FFFFFFF  }
0xc2: {  	(tm) =	ssettm $0x7FFFFFFF  }
0xc3: {  	_ =	shalt  }
tec
execute0_lowered:
.L_overlay_start_1:
0x0: {  	(tag) =	ssettag $0x1  }
0x1: {  	s0 =	rddreg [dreg:$0x0];
	s1 =	srdreg.scid  }
0x2: {  	s2 =	stileid.u32;
	s5 =	rddreg [dreg:$0x1];
	s10 =	simm.s32 $0x7  }
0x3: {  	s13 =	simm.s32 $0x80;
	s15 =	simm.s32 $0x10;
	s17 =	simm.s32 $0x140  }
0x4: {  	s19 =	simm.s32 $0x4E00;
	s20 =	simm.s32 $0x3C00;
	s21 =	simm.s32 $0x8600  }
0x5: {  	s22 =	simm.s32 $0x1;
	s23 =	simm.s32 $0x2;
	s24 =	simm.s32 $0x3  }
0x6: {  	s25 =	simm.s32 $0xAE00;
	s28 =	simm.s32 $0x5;
	s29 =	simm.s32 $0x6  }
0x7: {  	s1 =	sand.u32 $0x1, s1;
	s3 =	sshll.u32 s2, $0x1;
	s2 =	simm.s32 $0x0  }
0x8: {  	s31 =	simm.s32 $0x0;
	s6 =	sor.u32 s1, s3;
	[smem:$0x7FF] =	sst s2  }
0x9: {  	s1 =	ssub.s32 $0x2, s1;
	s3 =	smul.u32 $0x500, s6;
	_ =	strace $0x80000047  }
0xa: {  	s4 =	sshll.u32 s6, $0x9;
	s9 =	smul.u32 $0x540, s6;
	s26 =	sshrl.u32 s1, $0x1  }
0xb: {  	s6 =	sshll.u32 s6, $0x6;
	s7 =	sadd.s32 s4, s5;
	s4 =	sadd.s32 $0x2400, s5  }
0xc: {  	s1 =	ssub.s32 s1, s26;
	s0 =	sadd.s32 s0, s6;
	s26 =	simm.s32 $0x4  }
0xd: {  	s8 =	sadd.s32 s3, s5;
	s3 =	sadd.s32 $0x64000, s5;
	s5 =	sadd.s32 s9, s5  }
0xe: {  	v0 =	vlaneseq.u32;
	[dreg:$0x3] =	wrdreg s0;
	s30 =	sadd.s32 $0xCFC00, s7;
	s9 =	smax.u32 s1, $0x1  }
0xf: {  	v0 =	vmul.u32 $0x150, v0;
	[dreg:$0x4] =	wrdreg s30;
	s7 =	sadd.s32 $0xC5C00, s8;
	s8 =	sadd.s32 $0xD3C00, s5  }
.LBB2_1:
0x10: {  	s0 =	rddreg [dreg:$0x3]  }
0x11: {  	[tilespmem:s2], [sflag:$0x7] =	stream.linear.gather [hbm4b:s0+s2], $0x200, $0x38;
	[tilespmem:$0xED00] =	vst v63  }
0x12: {  	_ =	swait.ge [sflag:s10], $0x200  }
0x13: {  	[sflag:s10] =	ssyncset.done $0x0  }
0x14: {  	s1 =	simm.s32 $0x200;
	s14 =	rddreg [dreg:$0x4];
	[sflag:s10] =	ssyncadd.s32 $0xFFFFFE00  }
0x15: {  	[tilespmem:s1], [sflag:$0x7] =	stream.linear.gather [hbm4b:s14+s2], $0x1000, $0x38;
	[tilespmem:$0xED00] =	vst v63  }
0x16: {  	_ =	swait.ge [sflag:s10], $0x1000  }
0x17: {  	[sflag:s10] =	ssyncset.done $0x0  }
0x18: {  	s16 =	simm.s32 $0x1200;
	[sflag:s10] =	ssyncadd.s32 $0xFFFFF000  }
0x19: {  	[tilespmem:s16], [sflag:$0x7] =	stream.linear.gather [hbm4b:s7+s2], $0x2800, $0x38;
	[tilespmem:$0xED00] =	vst v63  }
0x1a: {  	_ =	swait.ge [sflag:s10], $0x2800  }
0x1b: {  	[sflag:s10] =	ssyncset.done $0x0  }
0x1c: {  	s5 =	simm.s32 $0x3E00;
	[sflag:s10] =	ssyncadd.s32 $0xFFFFD800  }
0x1d: {  	[tilespmem:s5], [sflag:$0x1] =	stream.indirect.gather [hbm4b:s4+s13], $0x20, s1, s13, $0xb8;
	[tilespmem:$0xED00] =	vst v63  }
0x1e: {  	s18 =	simm.s32 $0x3A00;
	s30 =	simm.s32 $0x5E00  }
0x1f: {  	[tilespmem:s18], [sflag:$0x2] =	stream.indirect.gather [hbm4b:s3+s15], $0x20, s2, s15, $0xb8;
	[tilespmem:$0xED00] =	vst v63  }
0x20: {  	s0 =	simm.s32 $0xC300;
	s14 =	simm.s32 $0x0;
	s1 =	simm.s32 $0xC450  }
0x21: {  	[tilespmem:s30], [sflag:$0x3] =	stream.indirect.gather [hbm4b:s3+s17], $0x20, s16, s17, $0xb8;
	[tilespmem:$0xED00] =	vst v63  }
.LBB2_2:
0x22: {  	s5 =	sshllo.u32 s14, $0x1  }
0x23: {  	s11 =	sshll.u32 s5, $0x7  }
0x24: {  	s11 =	sand.u32 $0x3FFFFF80, s11  }
0x25: {  	s6 =	sshll.u32 s5, $0x4;
	s5 =	smul.u32 $0x500, s5;
	s11 =	sadd.s32 $0x200, s11  }
0x26: {  	[tilespmem:s19], [sflag:$0x4] =	stream.indirect.gather [hbm4b:s4+s13], $0x20, s11, s13, $0xb8;
	[tilespmem:$0xED00] =	vst v63  }
0x27: {  	s5 =	sshra.s32 s5, $0x2;
	s11 =	sand.u32 $0x3FFFFFF0, s6  }
0x28: {  	[tilespmem:s20], [sflag:$0x5] =	stream.indirect.gather [hbm4b:s3+s15], $0x20, s11, s15, $0xb8;
	[tilespmem:$0xED00] =	vst v63  }
0x29: {  	s5 =	sadd.s32 $0x1200, s5  }
0x2a: {  	[tilespmem:s21], [sflag:$0x6] =	stream.indirect.gather [hbm4b:s3+s17], $0x20, s5, s17, $0xb8;
	[tilespmem:$0xED00] =	vst v63  }
0x2b: {  	_ =	swait.ge [sflag:s22], $0x1000  }
0x2c: {  	[sflag:s22] =	ssyncset.done $0x0  }
0x2d: {  	[sflag:s22] =	ssyncadd.s32 $0xFFFFF000  }
0x2e: {  	_ =	swait.ge [sflag:s23], $0x200  }
0x2f: {  	[sflag:s23] =	ssyncset.done $0x0  }
0x30: {  	[sflag:s23] =	ssyncadd.s32 $0xFFFFFE00  }
0x31: {  	_ =	swait.ge [sflag:s24], $0x2800  }
0x32: {  	[sflag:s24] =	ssyncset.done $0x0  }
0x33: {  	s16 =	simm.s32 $0x3E80;
	[sflag:s24] =	ssyncadd.s32 $0xFFFFD800  }
0x34: {  	v1 =	vld [tilespmem:s16+$0xFFFFFFB0]  }
0x35: {  	v2 =	vld [tilespmem:s16+$0xFFFFFF80]  }
0x36: {  	v3 =	vld [tilespmem:s16+$0xFFFFFFA0]  }
0x37: {  	v4 =	vld [tilespmem:s16+$0xFFFFFF90]  }
0x38: {  	v5 =	vld [tilespmem:s16+$0xFFFFFFC0]  }
0x39: {  	v6 =	vld [tilespmem:s16+$0xFFFFFFD0]  }
0x3a: {  	v7 =	vld [tilespmem:s16+$0xFFFFFFE0]  }
0x3b: {  	v8 =	vld [tilespmem:s16+$0x0];
	v2 =	vadd.bf16 v3, v2  }
0x3c: {  	v3 =	vld [tilespmem:s16+$0xFFFFFFF0]  }
0x3d: {  	v59 =	vld [tilespmem:s16+$0x10];
	v1 =	vadd.bf16 v1, v4;
	v2 =	vadd.bf16 v5, v2  }
0x3e: {  	v60 =	vld [tilespmem:s16+$0x20]  }
0x3f: {  	v61 =	vld [tilespmem:s16+$0x30];
	v1 =	vadd.bf16 v6, v1;
	v2 =	vadd.bf16 v7, v2  }
0x40: {  	v62 =	vld [tilespmem:s16+$0x40]  }
0x41: {  	v63 =	vld [tilespmem:s16+$0x60];
	v1 =	vadd.bf16 v3, v1;
	v2 =	vadd.bf16 v8, v2  }
0x42: {  	s18 =	simm.s32 $0x3A10;
	v3 =	vld [tilespmem:s16+$0x50]  }
0x43: {  	v12 =	vld [tilespmem:s18+$0xFFFFFFF0];
	v1 =	vadd.bf16 v59, v1;
	v2 =	vadd.bf16 v60, v2  }
0x44: {  	v13 =	vld [tilespmem:s16+$0x70]  }
0x45: {  	v1 =	vadd.bf16 v61, v1;
	v2 =	vadd.bf16 v62, v2  }
0x46: {  	v14 =	vld [tilespmem:s18+$0x0]  }
0x47: {  	v3 =	vadd.bf16 v3, v1;
	v2 =	vadd.bf16 v63, v2  }
0x48: {  	v15 =	vunpack.i.u.bf16.f32 v12;
	v4 =	vunpack.i.l.bf16.f32 v12  }
0x49: {  	v5 =	vadd.bf16 v13, v3;
	v1 =	vunpack.i.u.bf16.f32 v2;
	v2 =	vunpack.i.l.bf16.f32 v2  }
0x4a: {  	v4 =	vmul.f32 v4, v2;
	v7 =	vmul.f32 v15, v1  }
0x4b: {  	v16 =	vunpack.i.l.bf16.f32 v14;
	v3 =	vunpack.i.l.bf16.f32 v5  }
0x4c: {  	s11 =	simm.s32 $0x0;
	v8 =	vmul.f32 v16, v3;
	v7 =	vadd.f32 v4, v7  }
0x4d: {  	v18 =	vadd.s32 s11, v0;
	v17 =	vunpack.i.u.bf16.f32 v14;
	v4 =	vunpack.i.u.bf16.f32 v5  }
0x4e: {  	v5 =	vmul.f32 v17, v4;
	v7 =	vadd.f32 v8, v7;
	_ =	sdelay $0x1  }
0x4f: {  	v5 =	vadd.f32 v7, v5;
	_ =	sdelay $0x1  }
0x50: {  	s30 =	simm.s32 $0x5F40;
	[tilespmem:v18+s25+$0x0] =	vst.idx.msk $0xffff, v5  }
0x51: {  	v5 =	vld [tilespmem:s30+$0xFFFFFEC0];
	_ =	sdelay $0x1  }
0x52: {  	v6 =	vld [tilespmem:s30+$0xFFFFFED0];
	_ =	sdelay $0x2  }
0x53: {  	v19 =	vunpack.i.u.bf16.f32 v5;
	v5 =	vunpack.i.l.bf16.f32 v5  }
0x54: {  	v5 =	vmul.f32 v5, v2;
	v7 =	vmul.f32 v19, v1  }
0x55: {  	v20 =	vunpack.i.l.bf16.f32 v6  }
0x56: {  	s12 =	simm.s32 $0x1;
	v21 =	vmul.f32 v20, v3;
	v5 =	vadd.f32 v5, v7  }
0x57: {  	v22 =	vadd.s32 s12, v0;
	v6 =	vunpack.i.u.bf16.f32 v6  }
0x58: {  	v6 =	vmul.f32 v6, v4;
	v5 =	vadd.f32 v21, v5;
	_ =	sdelay $0x1  }
0x59: {  	v5 =	vadd.f32 v5, v6;
	_ =	sdelay $0x1  }
0x5a: {  	[tilespmem:v22+s25+$0x0] =	vst.idx.msk $0xffff, v5  }
0x5b: {  	v5 =	vld [tilespmem:s30+$0xFFFFFEE0];
	_ =	sdelay $0x1  }
0x5c: {  	v23 =	vld [tilespmem:s30+$0xFFFFFEF0];
	_ =	sdelay $0x2  }
0x5d: {  	v24 =	vunpack.i.u.bf16.f32 v5;
	v5 =	vunpack.i.l.bf16.f32 v5  }
0x5e: {  	v5 =	vmul.f32 v5, v2;
	v7 =	vmul.f32 v24, v1  }
0x5f: {  	v25 =	vunpack.i.l.bf16.f32 v23  }
0x60: {  	s6 =	simm.s32 $0x2;
	v26 =	vmul.f32 v25, v3;
	v5 =	vadd.f32 v5, v7  }
0x61: {  	v27 =	vadd.s32 s6, v0;
	v6 =	vunpack.i.u.bf16.f32 v23  }
0x62: {  	v6 =	vmul.f32 v6, v4;
	v5 =	vadd.f32 v26, v5;
	_ =	sdelay $0x1  }
0x63: {  	v5 =	vadd.f32 v5, v6;
	_ =	sdelay $0x1  }
0x64: {  	[tilespmem:v27+s25+$0x0] =	vst.idx.msk $0xffff, v5  }
0x65: {  	v5 =	vld [tilespmem:s30+$0xFFFFFF00];
	_ =	sdelay $0x1  }
0x66: {  	v28 =	vld [tilespmem:s30+$0xFFFFFF10];
	_ =	sdelay $0x2  }
0x67: {  	v29 =	vunpack.i.u.bf16.f32 v5;
	v5 =	vunpack.i.l.bf16.f32 v5  }
0x68: {  	v5 =	vmul.f32 v5, v2;
	v7 =	vmul.f32 v29, v1  }
0x69: {  	v30 =	vunpack.i.l.bf16.f32 v28  }
0x6a: {  	s11 =	simm.s32 $0x3;
	v31 =	vmul.f32 v30, v3;
	v5 =	vadd.f32 v5, v7  }
0x6b: {  	v32 =	vadd.s32 s11, v0;
	v6 =	vunpack.i.u.bf16.f32 v28  }
0x6c: {  	v6 =	vmul.f32 v6, v4;
	v5 =	vadd.f32 v31, v5;
	_ =	sdelay $0x1  }
0x6d: {  	v5 =	vadd.f32 v5, v6;
	_ =	sdelay $0x1  }
0x6e: {  	[tilespmem:v32+s25+$0x0] =	vst.idx.msk $0xffff, v5  }
0x6f: {  	v5 =	vld [tilespmem:s30+$0xFFFFFF20];
	_ =	sdelay $0x1  }
0x70: {  	v33 =	vld [tilespmem:s30+$0xFFFFFF30];
	_ =	sdelay $0x2  }
0x71: {  	v34 =	vunpack.i.u.bf16.f32 v5;
	v5 =	vunpack.i.l.bf16.f32 v5  }
0x72: {  	v5 =	vmul.f32 v5, v2;
	v7 =	vmul.f32 v34, v1  }
0x73: {  	v35 =	vunpack.i.l.bf16.f32 v33  }
0x74: {  	s12 =	simm.s32 $0x4;
	v36 =	vmul.f32 v35, v3;
	v5 =	vadd.f32 v5, v7  }
0x75: {  	v37 =	vadd.s32 s12, v0;
	v6 =	vunpack.i.u.bf16.f32 v33  }
0x76: {  	v6 =	vmul.f32 v6, v4;
	v5 =	vadd.f32 v36, v5;
	_ =	sdelay $0x1  }
0x77: {  	v5 =	vadd.f32 v5, v6;
	_ =	sdelay $0x1  }
0x78: {  	[tilespmem:v37+s25+$0x0] =	vst.idx.msk $0xffff, v5  }
0x79: {  	v5 =	vld [tilespmem:s30+$0xFFFFFF40];
	_ =	sdelay $0x1  }
0x7a: {  	v38 =	vld [tilespmem:s30+$0xFFFFFF50];
	_ =	sdelay $0x2  }
0x7b: {  	v39 =	vunpack.i.u.bf16.f32 v5;
	v5 =	vunpack.i.l.bf16.f32 v5  }
0x7c: {  	v5 =	vmul.f32 v5, v2;
	v7 =	vmul.f32 v39, v1  }
0x7d: {  	v40 =	vunpack.i.l.bf16.f32 v38  }
0x7e: {  	s6 =	simm.s32 $0x5;
	v41 =	vmul.f32 v40, v3;
	v5 =	vadd.f32 v5, v7  }
0x7f: {  	v42 =	vadd.s32 s6, v0;
	v6 =	vunpack.i.u.bf16.f32 v38  }
0x80: {  	v6 =	vmul.f32 v6, v4;
	v5 =	vadd.f32 v41, v5;
	_ =	sdelay $0x1  }
0x81: {  	v5 =	vadd.f32 v5, v6;
	_ =	sdelay $0x1  }
0x82: {  	[tilespmem:v42+s25+$0x0] =	vst.idx.msk $0xffff, v5  }
0x83: {  	v5 =	vld [tilespmem:s30+$0xFFFFFF60];
	_ =	sdelay $0x1  }
0x84: {  	v43 =	vld [tilespmem:s30+$0xFFFFFF70];
	_ =	sdelay $0x2  }
0x85: {  	v44 =	vunpack.i.u.bf16.f32 v5;
	v5 =	vunpack.i.l.bf16.f32 v5  }
0x86: {  	v5 =	vmul.f32 v5, v2;
	v7 =	vmul.f32 v44, v1  }
0x87: {  	v45 =	vunpack.i.l.bf16.f32 v43  }
0x88: {  	s11 =	simm.s32 $0x6;
	v46 =	vmul.f32 v45, v3;
	v5 =	vadd.f32 v5, v7  }
0x89: {  	v47 =	vadd.s32 s11, v0;
	v6 =	vunpack.i.u.bf16.f32 v43  }
0x8a: {  	v6 =	vmul.f32 v6, v4;
	v5 =	vadd.f32 v46, v5;
	_ =	sdelay $0x1  }
0x8b: {  	v5 =	vadd.f32 v5, v6;
	_ =	sdelay $0x1  }
0x8c: {  	[tilespmem:v47+s25+$0x0] =	vst.idx.msk $0xffff, v5  }
0x8d: {  	v5 =	vld [tilespmem:s30+$0xFFFFFF80];
	_ =	sdelay $0x1  }
0x8e: {  	v48 =	vld [tilespmem:s30+$0xFFFFFF90];
	_ =	sdelay $0x2  }
0x8f: {  	v49 =	vunpack.i.u.bf16.f32 v5;
	v5 =	vunpack.i.l.bf16.f32 v5  }
0x90: {  	v5 =	vmul.f32 v5, v2;
	v7 =	vmul.f32 v49, v1  }
0x91: {  	v50 =	vunpack.i.l.bf16.f32 v48  }
0x92: {  	s12 =	simm.s32 $0x7;
	v51 =	vmul.f32 v50, v3;
	v5 =	vadd.f32 v5, v7  }
0x93: {  	v52 =	vadd.s32 s12, v0;
	v6 =	vunpack.i.u.bf16.f32 v48  }
0x94: {  	v6 =	vmul.f32 v6, v4;
	v5 =	vadd.f32 v51, v5;
	_ =	sdelay $0x1  }
0x95: {  	v5 =	vadd.f32 v5, v6;
	_ =	sdelay $0x1  }
0x96: {  	[tilespmem:v52+s25+$0x0] =	vst.idx.msk $0xffff, v5  }
0x97: {  	v5 =	vld [tilespmem:s30+$0xFFFFFFA0];
	_ =	sdelay $0x1  }
0x98: {  	v53 =	vld [tilespmem:s30+$0xFFFFFFB0];
	_ =	sdelay $0x2  }
0x99: {  	v54 =	vunpack.i.u.bf16.f32 v5;
	v5 =	vunpack.i.l.bf16.f32 v5  }
0x9a: {  	v5 =	vmul.f32 v5, v2;
	v7 =	vmul.f32 v54, v1  }
0x9b: {  	v55 =	vunpack.i.l.bf16.f32 v53  }
0x9c: {  	s6 =	simm.s32 $0x8;
	v56 =	vmul.f32 v55, v3;
	v5 =	vadd.f32 v5, v7  }
0x9d: {  	v57 =	vadd.s32 s6, v0;
	v6 =	vunpack.i.u.bf16.f32 v53  }
0x9e: {  	v6 =	vmul.f32 v6, v4;
	v5 =	vadd.f32 v56, v5;
	_ =	sdelay $0x1  }
0x9f: {  	v5 =	vadd.f32 v5, v6;
	_ =	sdelay $0x1  }
0xa0: {  	[tilespmem:v57+s25+$0x0] =	vst.idx.msk $0xffff, v5  }
0xa1: {  	v5 =	vld [tilespmem:s30+$0xFFFFFFC0];
	_ =	sdelay $0x1  }
0xa2: {  	v58 =	vld [tilespmem:s30+$0xFFFFFFD0];
	_ =	sdelay $0x2  }
0xa3: {  	v59 =	vunpack.i.u.bf16.f32 v5;
	v5 =	vunpack.i.l.bf16.f32 v5  }
0xa4: {  	v5 =	vmul.f32 v5, v2;
	v7 =	vmul.f32 v59, v1  }
0xa5: {  	v60 =	vunpack.i.l.bf16.f32 v58  }
0xa6: {  	s11 =	simm.s32 $0x9;
	v61 =	vmul.f32 v60, v3;
	v5 =	vadd.f32 v5, v7  }
0xa7: {  	v62 =	vadd.s32 s11, v0;
	v6 =	vunpack.i.u.bf16.f32 v58  }
0xa8: {  	v6 =	vmul.f32 v6, v4;
	v5 =	vadd.f32 v61, v5;
	_ =	sdelay $0x1  }
0xa9: {  	v5 =	vadd.f32 v5, v6;
	_ =	sdelay $0x1  }
0xaa: {  	[tilespmem:v62+s25+$0x0] =	vst.idx.msk $0xffff, v5  }
0xab: {  	v5 =	vld [tilespmem:s30+$0xFFFFFFE0];
	_ =	sdelay $0x1  }
0xac: {  	v63 =	vld [tilespmem:s30+$0xFFFFFFF0];
	_ =	sdelay $0x2  }
0xad: {  	v12 =	vunpack.i.u.bf16.f32 v5;
	v5 =	vunpack.i.l.bf16.f32 v5  }
0xae: {  	v5 =	vmul.f32 v5, v2;
	v7 =	vmul.f32 v12, v1  }
0xaf: {  	v13 =	vunpack.i.l.bf16.f32 v63  }
0xb0: {  	s12 =	simm.s32 $0xA;
	v14 =	vmul.f32 v13, v3;
	v5 =	vadd.f32 v5, v7  }
0xb1: {  	v15 =	vadd.s32 s12, v0;
	v6 =	vunpack.i.u.bf16.f32 v63  }
0xb2: {  	v6 =	vmul.f32 v6, v4;
	v5 =	vadd.f32 v14, v5;
	_ =	sdelay $0x1  }
0xb3: {  	v5 =	vadd.f32 v5, v6;
	_ =	sdelay $0x1  }
0xb4: {  	[tilespmem:v15+s25+$0x0] =	vst.idx.msk $0xffff, v5  }
0xb5: {  	v5 =	vld [tilespmem:s30+$0x0];
	_ =	sdelay $0x1  }
0xb6: {  	v16 =	vld [tilespmem:s30+$0x10];
	_ =	sdelay $0x2  }
0xb7: {  	v17 =	vunpack.i.u.bf16.f32 v5;
	v5 =	vunpack.i.l.bf16.f32 v5  }
0xb8: {  	v5 =	vmul.f32 v5, v2;
	v7 =	vmul.f32 v17, v1  }
0xb9: {  	v18 =	vunpack.i.l.bf16.f32 v16  }
0xba: {  	s6 =	simm.s32 $0xB;
	v19 =	vmul.f32 v18, v3;
	v5 =	vadd.f32 v5, v7  }
0xbb: {  	v20 =	vadd.s32 s6, v0;
	v6 =	vunpack.i.u.bf16.f32 v16  }
0xbc: {  	v6 =	vmul.f32 v6, v4;
	v5 =	vadd.f32 v19, v5;
	_ =	sdelay $0x1  }
0xbd: {  	v5 =	vadd.f32 v5, v6;
	_ =	sdelay $0x1  }
0xbe: {  	[tilespmem:v20+s25+$0x0] =	vst.idx.msk $0xffff, v5  }
0xbf: {  	v5 =	vld [tilespmem:s30+$0x20];
	_ =	sdelay $0x1  }
0xc0: {  	v21 =	vld [tilespmem:s30+$0x30];
	_ =	sdelay $0x2  }
0xc1: {  	v22 =	vunpack.i.u.bf16.f32 v5;
	v5 =	vunpack.i.l.bf16.f32 v5  }
0xc2: {  	v5 =	vmul.f32 v5, v2;
	v7 =	vmul.f32 v22, v1  }
0xc3: {  	v23 =	vunpack.i.l.bf16.f32 v21  }
0xc4: {  	s11 =	simm.s32 $0xC;
	v24 =	vmul.f32 v23, v3;
	v5 =	vadd.f32 v5, v7  }
0xc5: {  	v25 =	vadd.s32 s11, v0;
	v6 =	vunpack.i.u.bf16.f32 v21  }
0xc6: {  	v6 =	vmul.f32 v6, v4;
	v5 =	vadd.f32 v24, v5;
	_ =	sdelay $0x1  }
0xc7: {  	v5 =	vadd.f32 v5, v6;
	_ =	sdelay $0x1  }
0xc8: {  	[tilespmem:v25+s25+$0x0] =	vst.idx.msk $0xffff, v5  }
0xc9: {  	v5 =	vld [tilespmem:s30+$0x40];
	_ =	sdelay $0x1  }
0xca: {  	v26 =	vld [tilespmem:s30+$0x50];
	_ =	sdelay $0x2  }
0xcb: {  	v27 =	vunpack.i.u.bf16.f32 v5;
	v5 =	vunpack.i.l.bf16.f32 v5  }
0xcc: {  	v5 =	vmul.f32 v5, v2;
	v7 =	vmul.f32 v27, v1  }
0xcd: {  	v28 =	vunpack.i.l.bf16.f32 v26  }
0xce: {  	s12 =	simm.s32 $0xD;
	v29 =	vmul.f32 v28, v3;
	v5 =	vadd.f32 v5, v7  }
0xcf: {  	v30 =	vadd.s32 s12, v0;
	v6 =	vunpack.i.u.bf16.f32 v26  }
0xd0: {  	v6 =	vmul.f32 v6, v4;
	v5 =	vadd.f32 v29, v5;
	_ =	sdelay $0x1  }
0xd1: {  	v5 =	vadd.f32 v5, v6;
	_ =	sdelay $0x1  }
0xd2: {  	[tilespmem:v30+s25+$0x0] =	vst.idx.msk $0xffff, v5  }
0xd3: {  	v5 =	vld [tilespmem:s30+$0x60];
	_ =	sdelay $0x1  }
0xd4: {  	v31 =	vld [tilespmem:s30+$0x70];
	_ =	sdelay $0x2  }
0xd5: {  	v32 =	vunpack.i.u.bf16.f32 v5;
	v5 =	vunpack.i.l.bf16.f32 v5  }
0xd6: {  	v5 =	vmul.f32 v5, v2;
	v7 =	vmul.f32 v32, v1  }
0xd7: {  	v33 =	vunpack.i.l.bf16.f32 v31  }
0xd8: {  	s6 =	simm.s32 $0xE;
	v34 =	vmul.f32 v33, v3;
	v5 =	vadd.f32 v5, v7  }
0xd9: {  	v35 =	vadd.s32 s6, v0;
	v6 =	vunpack.i.u.bf16.f32 v31  }
0xda: {  	v6 =	vmul.f32 v6, v4;
	v5 =	vadd.f32 v34, v5;
	_ =	sdelay $0x1  }
0xdb: {  	v5 =	vadd.f32 v5, v6;
	_ =	sdelay $0x1  }
0xdc: {  	[tilespmem:v35+s25+$0x0] =	vst.idx.msk $0xffff, v5  }
0xdd: {  	v5 =	vld [tilespmem:s30+$0x80];
	_ =	sdelay $0x1  }
0xde: {  	v36 =	vld [tilespmem:s30+$0x90];
	_ =	sdelay $0x2  }
0xdf: {  	v37 =	vunpack.i.u.bf16.f32 v5;
	v5 =	vunpack.i.l.bf16.f32 v5  }
0xe0: {  	v5 =	vmul.f32 v5, v2;
	v7 =	vmul.f32 v37, v1  }
0xe1: {  	v38 =	vunpack.i.l.bf16.f32 v36  }
0xe2: {  	s11 =	simm.s32 $0xF;
	v39 =	vmul.f32 v38, v3;
	v5 =	vadd.f32 v5, v7  }
0xe3: {  	v40 =	vadd.s32 s11, v0;
	v6 =	vunpack.i.u.bf16.f32 v36  }
0xe4: {  	v6 =	vmul.f32 v6, v4;
	v5 =	vadd.f32 v39, v5;
	_ =	sdelay $0x1  }
0xe5: {  	v5 =	vadd.f32 v5, v6;
	_ =	sdelay $0x1  }
0xe6: {  	[tilespmem:v40+s25+$0x0] =	vst.idx.msk $0xffff, v5  }
0xe7: {  	v5 =	vld [tilespmem:s30+$0xA0];
	_ =	sdelay $0x1  }
0xe8: {  	v41 =	vld [tilespmem:s30+$0xB0];
	_ =	sdelay $0x2  }
0xe9: {  	v42 =	vunpack.i.u.bf16.f32 v5;
	v5 =	vunpack.i.l.bf16.f32 v5  }
0xea: {  	v5 =	vmul.f32 v5, v2;
	v7 =	vmul.f32 v42, v1  }
0xeb: {  	v43 =	vunpack.i.l.bf16.f32 v41  }
0xec: {  	s12 =	simm.s32 $0x10;
	v44 =	vmul.f32 v43, v3;
	v5 =	vadd.f32 v5, v7  }
0xed: {  	v45 =	vadd.s32 s12, v0;
	v6 =	vunpack.i.u.bf16.f32 v41  }
0xee: {  	v6 =	vmul.f32 v6, v4;
	v5 =	vadd.f32 v44, v5;
	_ =	sdelay $0x1  }
0xef: {  	v5 =	vadd.f32 v5, v6;
	_ =	sdelay $0x1  }
0xf0: {  	[tilespmem:v45+s25+$0x0] =	vst.idx.msk $0xffff, v5  }
0xf1: {  	v5 =	vld [tilespmem:s30+$0xC0];
	_ =	sdelay $0x1  }
0xf2: {  	v46 =	vld [tilespmem:s30+$0xD0];
	_ =	sdelay $0x2  }
0xf3: {  	v47 =	vunpack.i.u.bf16.f32 v5;
	v5 =	vunpack.i.l.bf16.f32 v5  }
0xf4: {  	v5 =	vmul.f32 v5, v2;
	v7 =	vmul.f32 v47, v1  }
0xf5: {  	v48 =	vunpack.i.l.bf16.f32 v46  }
0xf6: {  	s6 =	simm.s32 $0x11;
	v49 =	vmul.f32 v48, v3;
	v5 =	vadd.f32 v5, v7  }
0xf7: {  	v50 =	vadd.s32 s6, v0;
	v6 =	vunpack.i.u.bf16.f32 v46  }
0xf8: {  	v6 =	vmul.f32 v6, v4;
	v5 =	vadd.f32 v49, v5;
	_ =	sdelay $0x1  }
0xf9: {  	v5 =	vadd.f32 v5, v6;
	_ =	sdelay $0x1  }
0xfa: {  	[tilespmem:v50+s25+$0x0] =	vst.idx.msk $0xffff, v5  }
0xfb: {  	v5 =	vld [tilespmem:s30+$0xE0];
	_ =	sdelay $0x1  }
0xfc: {  	v51 =	vld [tilespmem:s30+$0xF0];
	_ =	sdelay $0x2  }
0xfd: {  	v52 =	vunpack.i.u.bf16.f32 v5;
	v5 =	vunpack.i.l.bf16.f32 v5  }
0xfe: {  	v5 =	vmul.f32 v5, v2;
	v7 =	vmul.f32 v52, v1  }
0xff: {  	v53 =	vunpack.i.l.bf16.f32 v51  }
0x100: {  	s11 =	simm.s32 $0x12;
	v54 =	vmul.f32 v53, v3;
	v5 =	vadd.f32 v5, v7  }
0x101: {  	v55 =	vadd.s32 s11, v0;
	v6 =	vunpack.i.u.bf16.f32 v51  }
0x102: {  	v6 =	vmul.f32 v6, v4;
	v5 =	vadd.f32 v54, v5;
	_ =	sdelay $0x1  }
0x103: {  	v5 =	vadd.f32 v5, v6;
	_ =	sdelay $0x1  }
0x104: {  	[tilespmem:v55+s25+$0x0] =	vst.idx.msk $0xffff, v5  }
0x105: {  	v5 =	vld [tilespmem:s30+$0x100];
	_ =	sdelay $0x1  }
0x106: {  	v56 =	vld [tilespmem:s30+$0x110];
	_ =	sdelay $0x2  }
0x107: {  	v57 =	vunpack.i.u.bf16.f32 v5;
	v5 =	vunpack.i.l.bf16.f32 v5  }
0x108: {  	v5 =	vmul.f32 v5, v2;
	v7 =	vmul.f32 v57, v1  }
0x109: {  	v58 =	vunpack.i.l.bf16.f32 v56  }
0x10a: {  	s12 =	simm.s32 $0x13;
	v59 =	vmul.f32 v58, v3;
	v5 =	vadd.f32 v5, v7  }
0x10b: {  	v60 =	vadd.s32 s12, v0;
	v6 =	vunpack.i.u.bf16.f32 v56  }
0x10c: {  	v6 =	vmul.f32 v6, v4;
	v5 =	vadd.f32 v59, v5;
	_ =	sdelay $0x1  }
0x10d: {  	v5 =	vadd.f32 v5, v6;
	_ =	sdelay $0x1  }
0x10e: {  	[tilespmem:v60+s25+$0x0] =	vst.idx.msk $0xffff, v5  }
0x10f: {  	v5 =	vld [tilespmem:s30+$0x120];
	_ =	sdelay $0x1  }
0x110: {  	v61 =	vld [tilespmem:s30+$0x130];
	_ =	sdelay $0x2  }
0x111: {  	v62 =	vunpack.i.u.bf16.f32 v5;
	v5 =	vunpack.i.l.bf16.f32 v5  }
0x112: {  	v2 =	vmul.f32 v5, v2;
	v1 =	vmul.f32 v62, v1  }
0x113: {  	v63 =	vunpack.i.l.bf16.f32 v61  }
0x114: {  	v1 =	vadd.f32 v2, v1;
	v2 =	vmul.f32 v63, v3  }
0x115: {  	s6 =	simm.s32 $0x14  }
0x116: {  	v3 =	vunpack.i.u.bf16.f32 v61;
	v2 =	vadd.f32 v2, v1;
	v1 =	vadd.s32 s6, v0  }
0x117: {  	v3 =	vmul.f32 v3, v4;
	_ =	sdelay $0x1  }
0x118: {  	s11 =	sshll.u32 s14, $0x1;
	s12 =	simm.s32 $0x29;
	v2 =	vadd.f32 v2, v3  }
.LBB2_3:
0x119: {  	_ = 	snop  }
0x11a: {  	s30 =	sadd.s32 $0x280, s30;
	s18 =	sadd.s32 $0x20, s18;
	s16 =	sadd.s32 $0x100, s16;
	[tilespmem:v1+s25+$0x0] =	vst.idx.msk $0xffff, v2  }
0x11b: {  	p0 =	sne.s32 s12, $0x14F;
	s5 =	smov.u32 s12;
	s12 =	sadd.s32 $0x15, s12;
	v1 =	vld [tilespmem:s16+$0xFFFFFFB0]  }
0x11c: {  	v2 =	vld [tilespmem:s16+$0xFFFFFF80]  }
0x11d: {  	v3 =	vld [tilespmem:s16+$0xFFFFFFA0]  }
0x11e: {  	v4 =	vld [tilespmem:s16+$0xFFFFFF90]  }
0x11f: {  	v5 =	vld [tilespmem:s16+$0xFFFFFFC0]  }
0x120: {  	v6 =	vld [tilespmem:s16+$0xFFFFFFD0]  }
0x121: {  	v7 =	vld [tilespmem:s16+$0xFFFFFFE0]  }
0x122: {  	v2 =	vadd.bf16 v3, v2;
	v3 =	vld [tilespmem:s16+$0xFFFFFFF0]  }
0x123: {  	v8 =	vld [tilespmem:s16+$0x0];
	v1 =	vadd.bf16 v1, v4  }
0x124: {  	v2 =	vadd.bf16 v5, v2;
	v4 =	vld [tilespmem:s16+$0x10]  }
0x125: {  	v5 =	vld [tilespmem:s16+$0x20];
	v1 =	vadd.bf16 v6, v1  }
0x126: {  	v2 =	vadd.bf16 v7, v2;
	v6 =	vld [tilespmem:s16+$0x30]  }
0x127: {  	v7 =	vld [tilespmem:s16+$0x40];
	v1 =	vadd.bf16 v3, v1  }
0x128: {  	v2 =	vadd.bf16 v8, v2;
	v3 =	vld [tilespmem:s16+$0x50]  }
0x129: {  	v8 =	vld [tilespmem:s16+$0x60];
	v1 =	vadd.bf16 v4, v1  }
0x12a: {  	v2 =	vadd.bf16 v5, v2;
	v4 =	vld [tilespmem:s18+$0xFFFFFFF0]  }
0x12b: {  	v1 =	vadd.bf16 v6, v1;
	v5 =	vld [tilespmem:s16+$0x70]  }
0x12c: {  	v2 =	vadd.bf16 v7, v2  }
0x12d: {  	v6 =	vld [tilespmem:s18+$0x0]  }
0x12e: {  	v3 =	vadd.bf16 v3, v1;
	v2 =	vadd.bf16 v8, v2  }
0x12f: {  	v7 =	vunpack.i.u.bf16.f32 v4;
	v4 =	vunpack.i.l.bf16.f32 v4  }
0x130: {  	v1 =	vunpack.i.u.bf16.f32 v2;
	v2 =	vunpack.i.l.bf16.f32 v2;
	v5 =	vadd.bf16 v5, v3  }
0x131: {  	v4 =	vmul.f32 v4, v2;
	v7 =	vmul.f32 v7, v1  }
0x132: {  	v3 =	vunpack.i.l.bf16.f32 v5;
	v8 =	vunpack.i.l.bf16.f32 v6  }
0x133: {  	s6 =	sadd.s32 $0xFFFFFFEC, s5;
	v7 =	vadd.f32 v4, v7;
	v8 =	vmul.f32 v8, v3  }
0x134: {  	v4 =	vunpack.i.u.bf16.f32 v5;
	v5 =	vunpack.i.u.bf16.f32 v6;
	v6 =	vadd.s32 s6, v0  }
0x135: {  	v5 =	vmul.f32 v5, v4;
	v7 =	vadd.f32 v8, v7;
	_ =	sdelay $0x1  }
0x136: {  	v5 =	vadd.f32 v7, v5;
	_ =	sdelay $0x1  }
0x137: {  	[tilespmem:v6+s25+$0x0] =	vst.idx.msk $0xffff, v5  }
0x138: {  	v5 =	vld [tilespmem:s30+$0xFFFFFEC0];
	_ =	sdelay $0x1  }
0x139: {  	v6 =	vld [tilespmem:s30+$0xFFFFFED0];
	_ =	sdelay $0x2  }
0x13a: {  	v7 =	vunpack.i.u.bf16.f32 v5;
	v5 =	vunpack.i.l.bf16.f32 v5  }
0x13b: {  	v5 =	vmul.f32 v5, v2;
	v7 =	vmul.f32 v7, v1  }
0x13c: {  	v8 =	vunpack.i.l.bf16.f32 v6  }
0x13d: {  	s6 =	sadd.s32 $0xFFFFFFED, s5;
	v5 =	vadd.f32 v5, v7;
	v7 =	vmul.f32 v8, v3  }
0x13e: {  	v6 =	vunpack.i.u.bf16.f32 v6;
	v8 =	vadd.s32 s6, v0  }
0x13f: {  	v6 =	vmul.f32 v6, v4;
	v5 =	vadd.f32 v7, v5;
	_ =	sdelay $0x1  }
0x140: {  	v5 =	vadd.f32 v5, v6;
	_ =	sdelay $0x1  }
0x141: {  	[tilespmem:v8+s25+$0x0] =	vst.idx.msk $0xffff, v5  }
0x142: {  	v5 =	vld [tilespmem:s30+$0xFFFFFEE0];
	_ =	sdelay $0x1  }
0x143: {  	v6 =	vld [tilespmem:s30+$0xFFFFFEF0];
	_ =	sdelay $0x2  }
0x144: {  	v7 =	vunpack.i.u.bf16.f32 v5;
	v5 =	vunpack.i.l.bf16.f32 v5  }
0x145: {  	v5 =	vmul.f32 v5, v2;
	v7 =	vmul.f32 v7, v1  }
0x146: {  	v8 =	vunpack.i.l.bf16.f32 v6  }
0x147: {  	s6 =	sadd.s32 $0xFFFFFFEE, s5;
	v5 =	vadd.f32 v5, v7;
	v7 =	vmul.f32 v8, v3  }
0x148: {  	v6 =	vunpack.i.u.bf16.f32 v6;
	v8 =	vadd.s32 s6, v0  }
0x149: {  	v6 =	vmul.f32 v6, v4;
	v5 =	vadd.f32 v7, v5;
	_ =	sdelay $0x1  }
0x14a: {  	v5 =	vadd.f32 v5, v6;
	_ =	sdelay $0x1  }
0x14b: {  	[tilespmem:v8+s25+$0x0] =	vst.idx.msk $0xffff, v5  }
0x14c: {  	v5 =	vld [tilespmem:s30+$0xFFFFFF00];
	_ =	sdelay $0x1  }
0x14d: {  	v6 =	vld [tilespmem:s30+$0xFFFFFF10];
	_ =	sdelay $0x2  }
0x14e: {  	v7 =	vunpack.i.u.bf16.f32 v5;
	v5 =	vunpack.i.l.bf16.f32 v5  }
0x14f: {  	v5 =	vmul.f32 v5, v2;
	v7 =	vmul.f32 v7, v1  }
0x150: {  	v8 =	vunpack.i.l.bf16.f32 v6  }
0x151: {  	s6 =	sadd.s32 $0xFFFFFFEF, s5;
	v5 =	vadd.f32 v5, v7;
	v7 =	vmul.f32 v8, v3  }
0x152: {  	v6 =	vunpack.i.u.bf16.f32 v6;
	v8 =	vadd.s32 s6, v0  }
0x153: {  	v6 =	vmul.f32 v6, v4;
	v5 =	vadd.f32 v7, v5;
	_ =	sdelay $0x1  }
0x154: {  	v5 =	vadd.f32 v5, v6;
	_ =	sdelay $0x1  }
0x155: {  	[tilespmem:v8+s25+$0x0] =	vst.idx.msk $0xffff, v5  }
0x156: {  	v5 =	vld [tilespmem:s30+$0xFFFFFF20];
	_ =	sdelay $0x1  }
0x157: {  	v6 =	vld [tilespmem:s30+$0xFFFFFF30];
	_ =	sdelay $0x2  }
0x158: {  	v7 =	vunpack.i.u.bf16.f32 v5;
	v5 =	vunpack.i.l.bf16.f32 v5  }
0x159: {  	v5 =	vmul.f32 v5, v2;
	v7 =	vmul.f32 v7, v1  }
0x15a: {  	v8 =	vunpack.i.u.bf16.f32 v6;
	v6 =	vunpack.i.l.bf16.f32 v6  }
0x15b: {  	s6 =	sadd.s32 $0xFFFFFFF0, s5;
	v5 =	vadd.f32 v5, v7;
	v6 =	vmul.f32 v6, v3  }
0x15c: {  	v7 =	vadd.s32 s6, v0  }
0x15d: {  	v5 =	vadd.f32 v6, v5;
	v6 =	vmul.f32 v8, v4;
	_ =	sdelay $0x1  }
0x15e: {  	v5 =	vadd.f32 v5, v6;
	_ =	sdelay $0x1  }
0x15f: {  	[tilespmem:v7+s25+$0x0] =	vst.idx.msk $0xffff, v5  }
0x160: {  	v5 =	vld [tilespmem:s30+$0xFFFFFF40];
	_ =	sdelay $0x1  }
0x161: {  	v6 =	vld [tilespmem:s30+$0xFFFFFF50];
	_ =	sdelay $0x2  }
0x162: {  	v7 =	vunpack.i.u.bf16.f32 v5;
	v5 =	vunpack.i.l.bf16.f32 v5  }
0x163: {  	v5 =	vmul.f32 v5, v2;
	v7 =	vmul.f32 v7, v1  }
0x164: {  	v8 =	vunpack.i.u.bf16.f32 v6;
	v6 =	vunpack.i.l.bf16.f32 v6  }
0x165: {  	s6 =	sadd.s32 $0xFFFFFFF1, s5;
	v5 =	vadd.f32 v5, v7;
	v6 =	vmul.f32 v6, v3  }
0x166: {  	v7 =	vadd.s32 s6, v0  }
0x167: {  	v5 =	vadd.f32 v6, v5;
	v6 =	vmul.f32 v8, v4;
	_ =	sdelay $0x1  }
0x168: {  	v5 =	vadd.f32 v5, v6;
	_ =	sdelay $0x1  }
0x169: {  	[tilespmem:v7+s25+$0x0] =	vst.idx.msk $0xffff, v5  }
0x16a: {  	v5 =	vld [tilespmem:s30+$0xFFFFFF60];
	_ =	sdelay $0x1  }
0x16b: {  	v6 =	vld [tilespmem:s30+$0xFFFFFF70];
	_ =	sdelay $0x2  }
0x16c: {  	v7 =	vunpack.i.u.bf16.f32 v5;
	v5 =	vunpack.i.l.bf16.f32 v5  }
0x16d: {  	v5 =	vmul.f32 v5, v2;
	v7 =	vmul.f32 v7, v1  }
0x16e: {  	v8 =	vunpack.i.u.bf16.f32 v6;
	v6 =	vunpack.i.l.bf16.f32 v6  }
0x16f: {  	s6 =	sadd.s32 $0xFFFFFFF2, s5;
	v5 =	vadd.f32 v5, v7;
	v6 =	vmul.f32 v6, v3  }
0x170: {  	v7 =	vadd.s32 s6, v0  }
0x171: {  	v5 =	vadd.f32 v6, v5;
	v6 =	vmul.f32 v8, v4;
	_ =	sdelay $0x1  }
0x172: {  	v5 =	vadd.f32 v5, v6;
	_ =	sdelay $0x1  }
0x173: {  	[tilespmem:v7+s25+$0x0] =	vst.idx.msk $0xffff, v5  }
0x174: {  	v5 =	vld [tilespmem:s30+$0xFFFFFF80];
	_ =	sdelay $0x1  }
0x175: {  	v6 =	vld [tilespmem:s30+$0xFFFFFF90];
	_ =	sdelay $0x2  }
0x176: {  	v7 =	vunpack.i.u.bf16.f32 v5;
	v5 =	vunpack.i.l.bf16.f32 v5  }
0x177: {  	v5 =	vmul.f32 v5, v2;
	v7 =	vmul.f32 v7, v1  }
0x178: {  	v8 =	vunpack.i.u.bf16.f32 v6;
	v6 =	vunpack.i.l.bf16.f32 v6  }
0x179: {  	s6 =	sadd.s32 $0xFFFFFFF3, s5;
	v5 =	vadd.f32 v5, v7;
	v6 =	vmul.f32 v6, v3  }
0x17a: {  	v7 =	vadd.s32 s6, v0  }
0x17b: {  	v5 =	vadd.f32 v6, v5;
	v6 =	vmul.f32 v8, v4;
	_ =	sdelay $0x1  }
0x17c: {  	v5 =	vadd.f32 v5, v6;
	_ =	sdelay $0x1  }
0x17d: {  	[tilespmem:v7+s25+$0x0] =	vst.idx.msk $0xffff, v5  }
0x17e: {  	v5 =	vld [tilespmem:s30+$0xFFFFFFA0];
	_ =	sdelay $0x1  }
0x17f: {  	v6 =	vld [tilespmem:s30+$0xFFFFFFB0];
	_ =	sdelay $0x2  }
0x180: {  	v7 =	vunpack.i.u.bf16.f32 v5;
	v5 =	vunpack.i.l.bf16.f32 v5  }
0x181: {  	v5 =	vmul.f32 v5, v2;
	v7 =	vmul.f32 v7, v1  }
0x182: {  	v8 =	vunpack.i.l.bf16.f32 v6  }
0x183: {  	s6 =	sadd.s32 $0xFFFFFFF4, s5;
	v5 =	vadd.f32 v5, v7;
	v7 =	vmul.f32 v8, v3  }
0x184: {  	v6 =	vunpack.i.u.bf16.f32 v6;
	v8 =	vadd.s32 s6, v0  }
0x185: {  	v6 =	vmul.f32 v6, v4;
	v5 =	vadd.f32 v7, v5;
	_ =	sdelay $0x1  }
0x186: {  	v5 =	vadd.f32 v5, v6;
	_ =	sdelay $0x1  }
0x187: {  	[tilespmem:v8+s25+$0x0] =	vst.idx.msk $0xffff, v5  }
0x188: {  	v5 =	vld [tilespmem:s30+$0xFFFFFFC0];
	_ =	sdelay $0x1  }
0x189: {  	v6 =	vld [tilespmem:s30+$0xFFFFFFD0];
	_ =	sdelay $0x2  }
0x18a: {  	v7 =	vunpack.i.u.bf16.f32 v5;
	v5 =	vunpack.i.l.bf16.f32 v5  }
0x18b: {  	v5 =	vmul.f32 v5, v2;
	v7 =	vmul.f32 v7, v1  }
0x18c: {  	v8 =	vunpack.i.l.bf16.f32 v6  }
0x18d: {  	s6 =	sadd.s32 $0xFFFFFFF5, s5;
	v5 =	vadd.f32 v5, v7;
	v7 =	vmul.f32 v8, v3  }
0x18e: {  	v6 =	vunpack.i.u.bf16.f32 v6;
	v8 =	vadd.s32 s6, v0  }
0x18f: {  	v6 =	vmul.f32 v6, v4;
	v5 =	vadd.f32 v7, v5;
	_ =	sdelay $0x1  }
0x190: {  	v5 =	vadd.f32 v5, v6;
	_ =	sdelay $0x1  }
0x191: {  	[tilespmem:v8+s25+$0x0] =	vst.idx.msk $0xffff, v5  }
0x192: {  	v5 =	vld [tilespmem:s30+$0xFFFFFFE0];
	_ =	sdelay $0x1  }
0x193: {  	v6 =	vld [tilespmem:s30+$0xFFFFFFF0];
	_ =	sdelay $0x2  }
0x194: {  	v7 =	vunpack.i.u.bf16.f32 v5;
	v5 =	vunpack.i.l.bf16.f32 v5  }
0x195: {  	v5 =	vmul.f32 v5, v2;
	v7 =	vmul.f32 v7, v1  }
0x196: {  	v8 =	vunpack.i.l.bf16.f32 v6  }
0x197: {  	s6 =	sadd.s32 $0xFFFFFFF6, s5;
	v5 =	vadd.f32 v5, v7;
	v7 =	vmul.f32 v8, v3  }
0x198: {  	v6 =	vunpack.i.u.bf16.f32 v6;
	v8 =	vadd.s32 s6, v0  }
0x199: {  	v6 =	vmul.f32 v6, v4;
	v5 =	vadd.f32 v7, v5;
	_ =	sdelay $0x1  }
0x19a: {  	v5 =	vadd.f32 v5, v6;
	_ =	sdelay $0x1  }
0x19b: {  	[tilespmem:v8+s25+$0x0] =	vst.idx.msk $0xffff, v5  }
0x19c: {  	v5 =	vld [tilespmem:s30+$0x0]  }
0x19d: {  	v6 =	vld [tilespmem:s30+$0x10];
	_ =	sdelay $0x3  }
0x19e: {  	v7 =	vunpack.i.u.bf16.f32 v5;
	v5 =	vunpack.i.l.bf16.f32 v5  }
0x19f: {  	v8 =	vunpack.i.l.bf16.f32 v6;
	v5 =	vmul.f32 v5, v2;
	v7 =	vmul.f32 v7, v1  }
0x1a0: {  	v6 =	vunpack.i.u.bf16.f32 v6  }
0x1a1: {  	s6 =	sadd.s32 $0xFFFFFFF7, s5;
	v5 =	vadd.f32 v5, v7;
	v7 =	vmul.f32 v8, v3  }
0x1a2: {  	v8 =	vadd.s32 s6, v0  }
0x1a3: {  	v6 =	vmul.f32 v6, v4;
	v5 =	vadd.f32 v7, v5;
	_ =	sdelay $0x1  }
0x1a4: {  	v5 =	vadd.f32 v5, v6;
	_ =	sdelay $0x1  }
0x1a5: {  	[tilespmem:v8+s25+$0x0] =	vst.idx.msk $0xffff, v5  }
0x1a6: {  	v5 =	vld [tilespmem:s30+$0x20]  }
0x1a7: {  	v6 =	vld [tilespmem:s30+$0x30];
	_ =	sdelay $0x3  }
0x1a8: {  	v7 =	vunpack.i.u.bf16.f32 v5;
	v5 =	vunpack.i.l.bf16.f32 v5  }
0x1a9: {  	v8 =	vunpack.i.l.bf16.f32 v6;
	v5 =	vmul.f32 v5, v2;
	v7 =	vmul.f32 v7, v1;
	_ =	sdelay $0x1  }
0x1aa: {  	s6 =	sadd.s32 $0xFFFFFFF8, s5;
	v5 =	vadd.f32 v5, v7;
	v7 =	vmul.f32 v8, v3  }
0x1ab: {  	v6 =	vunpack.i.u.bf16.f32 v6;
	v8 =	vadd.s32 s6, v0  }
0x1ac: {  	v6 =	vmul.f32 v6, v4;
	v5 =	vadd.f32 v7, v5;
	_ =	sdelay $0x1  }
0x1ad: {  	v5 =	vadd.f32 v5, v6;
	_ =	sdelay $0x1  }
0x1ae: {  	[tilespmem:v8+s25+$0x0] =	vst.idx.msk $0xffff, v5  }
0x1af: {  	v5 =	vld [tilespmem:s30+$0x40]  }
0x1b0: {  	v6 =	vld [tilespmem:s30+$0x50];
	_ =	sdelay $0x3  }
0x1b1: {  	v7 =	vunpack.i.u.bf16.f32 v5;
	v5 =	vunpack.i.l.bf16.f32 v5  }
0x1b2: {  	v8 =	vunpack.i.l.bf16.f32 v6;
	v5 =	vmul.f32 v5, v2;
	v7 =	vmul.f32 v7, v1  }
0x1b3: {  	v6 =	vunpack.i.u.bf16.f32 v6  }
0x1b4: {  	s6 =	sadd.s32 $0xFFFFFFF9, s5;
	v5 =	vadd.f32 v5, v7;
	v7 =	vmul.f32 v8, v3  }
0x1b5: {  	v8 =	vadd.s32 s6, v0  }
0x1b6: {  	v6 =	vmul.f32 v6, v4;
	v5 =	vadd.f32 v7, v5;
	_ =	sdelay $0x1  }
0x1b7: {  	v5 =	vadd.f32 v5, v6;
	_ =	sdelay $0x1  }
0x1b8: {  	[tilespmem:v8+s25+$0x0] =	vst.idx.msk $0xffff, v5  }
0x1b9: {  	v5 =	vld [tilespmem:s30+$0x60]  }
0x1ba: {  	v6 =	vld [tilespmem:s30+$0x70];
	_ =	sdelay $0x3  }
0x1bb: {  	v7 =	vunpack.i.u.bf16.f32 v5;
	v5 =	vunpack.i.l.bf16.f32 v5  }
0x1bc: {  	v8 =	vunpack.i.l.bf16.f32 v6;
	v5 =	vmul.f32 v5, v2;
	v7 =	vmul.f32 v7, v1  }
0x1bd: {  	v6 =	vunpack.i.u.bf16.f32 v6  }
0x1be: {  	s6 =	sadd.s32 $0xFFFFFFFA, s5;
	v6 =	vmul.f32 v6, v4;
	v5 =	vadd.f32 v5, v7;
	v7 =	vmul.f32 v8, v3  }
0x1bf: {  	v8 =	vadd.s32 s6, v0  }
0x1c0: {  	v5 =	vadd.f32 v7, v5;
	_ =	sdelay $0x1  }
0x1c1: {  	v5 =	vadd.f32 v5, v6;
	_ =	sdelay $0x1  }
0x1c2: {  	[tilespmem:v8+s25+$0x0] =	vst.idx.msk $0xffff, v5  }
0x1c3: {  	v5 =	vld [tilespmem:s30+$0x80]  }
0x1c4: {  	v6 =	vld [tilespmem:s30+$0x90];
	_ =	sdelay $0x3  }
0x1c5: {  	v7 =	vunpack.i.u.bf16.f32 v5;
	v5 =	vunpack.i.l.bf16.f32 v5  }
0x1c6: {  	v8 =	vunpack.i.l.bf16.f32 v6;
	v5 =	vmul.f32 v5, v2;
	v7 =	vmul.f32 v7, v1  }
0x1c7: {  	v6 =	vunpack.i.u.bf16.f32 v6  }
0x1c8: {  	s6 =	sadd.s32 $0xFFFFFFFB, s5;
	v5 =	vadd.f32 v5, v7;
	v7 =	vmul.f32 v8, v3  }
0x1c9: {  	v8 =	vadd.s32 s6, v0  }
0x1ca: {  	v6 =	vmul.f32 v6, v4;
	v5 =	vadd.f32 v7, v5;
	_ =	sdelay $0x1  }
0x1cb: {  	v5 =	vadd.f32 v5, v6;
	_ =	sdelay $0x1  }
0x1cc: {  	[tilespmem:v8+s25+$0x0] =	vst.idx.msk $0xffff, v5  }
0x1cd: {  	v5 =	vld [tilespmem:s30+$0xA0]  }
0x1ce: {  	v6 =	vld [tilespmem:s30+$0xB0];
	_ =	sdelay $0x3  }
0x1cf: {  	v7 =	vunpack.i.u.bf16.f32 v5;
	v5 =	vunpack.i.l.bf16.f32 v5  }
0x1d0: {  	v8 =	vunpack.i.u.bf16.f32 v6;
	v5 =	vmul.f32 v5, v2;
	v7 =	vmul.f32 v7, v1  }
0x1d1: {  	v6 =	vunpack.i.l.bf16.f32 v6  }
0x1d2: {  	s6 =	sadd.s32 $0xFFFFFFFC, s5;
	v6 =	vmul.f32 v6, v3;
	v5 =	vadd.f32 v5, v7  }
0x1d3: {  	v7 =	vadd.s32 s6, v0  }
0x1d4: {  	v5 =	vadd.f32 v6, v5;
	v6 =	vmul.f32 v8, v4;
	_ =	sdelay $0x1  }
0x1d5: {  	v5 =	vadd.f32 v5, v6;
	_ =	sdelay $0x1  }
0x1d6: {  	[tilespmem:v7+s25+$0x0] =	vst.idx.msk $0xffff, v5  }
0x1d7: {  	v5 =	vld [tilespmem:s30+$0xC0]  }
0x1d8: {  	v6 =	vld [tilespmem:s30+$0xD0];
	_ =	sdelay $0x3  }
0x1d9: {  	v7 =	vunpack.i.u.bf16.f32 v5;
	v5 =	vunpack.i.l.bf16.f32 v5  }
0x1da: {  	v8 =	vunpack.i.l.bf16.f32 v6;
	v5 =	vmul.f32 v5, v2;
	v7 =	vmul.f32 v7, v1  }
0x1db: {  	v6 =	vunpack.i.u.bf16.f32 v6  }
0x1dc: {  	s6 =	sadd.s32 $0xFFFFFFFD, s5;
	v5 =	vadd.f32 v5, v7;
	v7 =	vmul.f32 v8, v3  }
0x1dd: {  	v8 =	vadd.s32 s6, v0  }
0x1de: {  	v6 =	vmul.f32 v6, v4;
	v5 =	vadd.f32 v7, v5;
	_ =	sdelay $0x1  }
0x1df: {  	v5 =	vadd.f32 v5, v6;
	_ =	sdelay $0x1  }
0x1e0: {  	[tilespmem:v8+s25+$0x0] =	vst.idx.msk $0xffff, v5  }
0x1e1: {  	v5 =	vld [tilespmem:s30+$0xE0]  }
0x1e2: {  	v6 =	vld [tilespmem:s30+$0xF0];
	_ =	sdelay $0x3  }
0x1e3: {  	v7 =	vunpack.i.u.bf16.f32 v5;
	v5 =	vunpack.i.l.bf16.f32 v5  }
0x1e4: {  	v8 =	vunpack.i.l.bf16.f32 v6;
	v5 =	vmul.f32 v5, v2;
	v7 =	vmul.f32 v7, v1;
	_ =	sdelay $0x1  }
0x1e5: {  	s6 =	sadd.s32 $0xFFFFFFFE, s5;
	v5 =	vadd.f32 v5, v7;
	v7 =	vmul.f32 v8, v3  }
0x1e6: {  	v6 =	vunpack.i.u.bf16.f32 v6;
	v8 =	vadd.s32 s6, v0  }
0x1e7: {  	v6 =	vmul.f32 v6, v4;
	v5 =	vadd.f32 v7, v5;
	_ =	sdelay $0x1  }
0x1e8: {  	v5 =	vadd.f32 v5, v6;
	_ =	sdelay $0x1  }
0x1e9: {  	[tilespmem:v8+s25+$0x0] =	vst.idx.msk $0xffff, v5  }
0x1ea: {  	v5 =	vld [tilespmem:s30+$0x100]  }
0x1eb: {  	v6 =	vld [tilespmem:s30+$0x110];
	_ =	sdelay $0x3  }
0x1ec: {  	v7 =	vunpack.i.u.bf16.f32 v5;
	v5 =	vunpack.i.l.bf16.f32 v5  }
0x1ed: {  	v8 =	vunpack.i.l.bf16.f32 v6;
	v5 =	vmul.f32 v5, v2;
	v7 =	vmul.f32 v7, v1  }
0x1ee: {  	v6 =	vunpack.i.u.bf16.f32 v6  }
0x1ef: {  	s6 =	sadd.s32 $0xFFFFFFFF, s5;
	v6 =	vmul.f32 v6, v4;
	v5 =	vadd.f32 v5, v7;
	v7 =	vmul.f32 v8, v3  }
0x1f0: {  	v8 =	vadd.s32 s6, v0  }
0x1f1: {  	v5 =	vadd.f32 v7, v5;
	_ =	sdelay $0x1  }
0x1f2: {  	v5 =	vadd.f32 v5, v6;
	_ =	sdelay $0x1  }
0x1f3: {  	[tilespmem:v8+s25+$0x0] =	vst.idx.msk $0xffff, v5  }
0x1f4: {  	v5 =	vld [tilespmem:s30+$0x120]  }
0x1f5: {  	v6 =	vld [tilespmem:s30+$0x130];
	_ =	sdelay $0x3  }
0x1f6: {  	v7 =	vunpack.i.u.bf16.f32 v5;
	v5 =	vunpack.i.l.bf16.f32 v5  }
0x1f7: {  	v8 =	vunpack.i.l.bf16.f32 v6;
	v2 =	vmul.f32 v5, v2;
	v1 =	vmul.f32 v7, v1  }
0x1f8: {  	v5 =	vunpack.i.u.bf16.f32 v6  }
.Ltmp0:
0x1f9: {  	v3 =	vmul.f32 v8, v3;
	v4 =	vmul.f32 v5, v4;
	v2 =	vadd.f32 v2, v1;
	(pc) =	sbr.rel @p0 .LBB2_3-.Ltmp0, $3  }
0x1fa: {  	v1 =	vadd.s32 s5, v0  }
0x1fb: {  	v2 =	vadd.f32 v3, v2;
	_ =	sdelay $0x1  }
0x1fc: {  	v2 =	vadd.f32 v2, v4  }
0x1fd: {  	_ =	sdelay $0x3  }
0x1fe: {  	s5 =	simm.s32 $0x0;
	[tilespmem:v1+s25+$0x0] =	vst.idx.msk $0xffff, v2  }
0x1ff: {  	s12 =	simm.s32 $0x40;
	v1 =	vmov s0;
	v2 =	vld [tilespmem:s5+$0xAF50]  }
.LBB2_5:
0x200: {  	p0 =	sne.s32 s12, $0x500;
	v3 =	vld [tilespmem:s5+$0xAE00];
	_ =	sdelay $0x1  }
0x201: {  	v4 =	vld [tilespmem:s5+$0xB0A0];
	_ =	sdelay $0x1  }
0x202: {  	v5 =	vld [tilespmem:s5+$0xB1F0]  }
0x203: {  	v2 =	vadd.f32 v2, v3  }
0x204: {  	v3 =	vld [tilespmem:s5+$0xB340]  }
0x205: {  	v2 =	vadd.f32 v4, v2  }
0x206: {  	v4 =	vld [tilespmem:s5+$0xB490]  }
0x207: {  	v2 =	vadd.f32 v5, v2  }
0x208: {  	v5 =	vld [tilespmem:s5+$0xB5E0]  }
0x209: {  	v2 =	vadd.f32 v3, v2  }
0x20a: {  	v3 =	vld [tilespmem:s5+$0xB730]  }
0x20b: {  	v2 =	vadd.f32 v4, v2  }
0x20c: {  	v4 =	vld [tilespmem:s5+$0xB880]  }
0x20d: {  	v2 =	vadd.f32 v5, v2  }
0x20e: {  	v5 =	vld [tilespmem:s5+$0xB9D0]  }
0x20f: {  	v2 =	vadd.f32 v3, v2  }
0x210: {  	v3 =	vld [tilespmem:s5+$0xBB20]  }
0x211: {  	v2 =	vadd.f32 v4, v2  }
0x212: {  	v4 =	vld [tilespmem:s5+$0xBC70]  }
0x213: {  	v2 =	vadd.f32 v5, v2  }
0x214: {  	v5 =	vld [tilespmem:s5+$0xBDC0]  }
0x215: {  	v2 =	vadd.f32 v3, v2  }
0x216: {  	v3 =	vld [tilespmem:s5+$0xBF10]  }
0x217: {  	v2 =	vadd.f32 v4, v2  }
0x218: {  	v4 =	vld [tilespmem:s5+$0xC060]  }
0x219: {  	v2 =	vadd.f32 v5, v2  }
0x21a: {  	v5 =	vld [tilespmem:s5+$0xC1B0]  }
0x21b: {  	v2 =	vadd.f32 v3, v2;
	_ =	sdelay $0x1  }
0x21c: {  	v2 =	vadd.f32 v4, v2  }
.Ltmp1:
0x21d: {  	(pc) =	sbr.rel @p0 .LBB2_5-.Ltmp1, $3  }
0x21e: {  	v2 =	vadd.f32 v5, v2;
	_ =	sdelay $0x1  }
0x21f: {  	[tilespmem:v1+s5+$0x0 ss:$0x1] =	vst.idx.msk $0xffff, v2;
	s5 =	sshra.s32 s12, $0x2  }
0x220: {  	s12 =	sadd.s32 $0x40, s12;
	v2 =	vld [tilespmem:s5+$0xAF50]  }
0x221: {  	v3 =	vld [tilespmem:s5+$0xAE00];
	_ =	sdelay $0x1  }
0x222: {  	v4 =	vld [tilespmem:s5+$0xB0A0];
	_ =	sdelay $0x1  }
0x223: {  	v5 =	vld [tilespmem:s5+$0xB1F0]  }
0x224: {  	v2 =	vadd.f32 v2, v3  }
0x225: {  	v3 =	vld [tilespmem:s5+$0xB340]  }
0x226: {  	v2 =	vadd.f32 v4, v2  }
0x227: {  	v49 =	vld [tilespmem:s5+$0xB490]  }
0x228: {  	v2 =	vadd.f32 v5, v2  }
0x229: {  	v50 =	vld [tilespmem:s5+$0xB5E0]  }
0x22a: {  	v2 =	vadd.f32 v3, v2  }
0x22b: {  	v3 =	vld [tilespmem:s5+$0xB730]  }
0x22c: {  	v2 =	vadd.f32 v49, v2  }
0x22d: {  	v51 =	vld [tilespmem:s5+$0xB880]  }
0x22e: {  	v2 =	vadd.f32 v50, v2  }
0x22f: {  	v52 =	vld [tilespmem:s5+$0xB9D0]  }
0x230: {  	v2 =	vadd.f32 v3, v2  }
0x231: {  	v3 =	vld [tilespmem:s5+$0xBB20]  }
0x232: {  	v2 =	vadd.f32 v51, v2  }
0x233: {  	v53 =	vld [tilespmem:s5+$0xBC70]  }
0x234: {  	v2 =	vadd.f32 v52, v2  }
0x235: {  	v54 =	vld [tilespmem:s5+$0xBDC0]  }
0x236: {  	v2 =	vadd.f32 v3, v2  }
0x237: {  	v3 =	vld [tilespmem:s5+$0xBF10]  }
0x238: {  	v2 =	vadd.f32 v53, v2  }
0x239: {  	v55 =	vld [tilespmem:s5+$0xC060]  }
0x23a: {  	v2 =	vadd.f32 v54, v2  }
0x23b: {  	v56 =	vld [tilespmem:s5+$0xC1B0]  }
0x23c: {  	v2 =	vadd.f32 v3, v2;
	_ =	sdelay $0x1  }
0x23d: {  	p0 =	seq.s32 s14, $0xF;
	v2 =	vadd.f32 v55, v2  }
0x23e: {  	s6 =	sadd.s32 @!p0 $0x2, s11  }
0x23f: {  	s11 =	sshll.u32 @!p0 s6, $0x7;
	v2 =	vadd.f32 v56, v2  }
0x240: {  	s11 =	sand.u32 @!p0 $0x3FFFFF80, s11  }
0x241: {  	s12 =	simm.s32 @!p0 $0x3E00;
	[tilespmem:v1+s5+$0x0 ss:$0x1] =	vst.idx.msk $0xffff, v2;
	s5 =	sadd.s32 @!p0 $0x200, s11;
	s11 =	simm.s32 @!p0 $0x80  }
0x242: {  	[tilespmem:s12], [sflag:$0x1] =	stream.indirect.gather @!p0 [hbm4b:s4+s11], $0x20, s5, s11, $0xb8;
	[tilespmem:$0xED00] =	vst v63  }
0x243: {  	s5 =	sshll.u32 @!p0 s6, $0x4;
	s11 =	simm.s32 @!p0 $0x10  }
0x244: {  	s12 =	simm.s32 @!p0 $0x3A00;
	s6 =	smul.u32 @!p0 $0x500, s6;
	s5 =	sand.u32 @!p0 $0x3FFFFFF0, s5  }
0x245: {  	[tilespmem:s12], [sflag:$0x2] =	stream.indirect.gather @!p0 [hbm4b:s3+s11], $0x20, s5, s11, $0xb8;
	[tilespmem:$0xED00] =	vst v63  }
0x246: {  	s5 =	sshra.s32 @!p0 s6, $0x2  }
0x247: {  	s6 =	simm.s32 @!p0 $0x140;
	s11 =	simm.s32 @!p0 $0x5E00;
	s5 =	sadd.s32 @!p0 $0x1200, s5  }
0x248: {  	[tilespmem:s11], [sflag:$0x3] =	stream.indirect.gather @!p0 [hbm4b:s3+s6], $0x20, s5, s6, $0xb8;
	[tilespmem:$0xED00] =	vst v63  }
0x249: {  	_ =	swait.ge [sflag:s26], $0x1000  }
0x24a: {  	[sflag:s26] =	ssyncset.done $0x0  }
0x24b: {  	[sflag:s26] =	ssyncadd.s32 $0xFFFFF000  }
0x24c: {  	_ =	swait.ge [sflag:s28], $0x200  }
0x24d: {  	[sflag:s28] =	ssyncset.done $0x0  }
0x24e: {  	[sflag:s28] =	ssyncadd.s32 $0xFFFFFE00  }
0x24f: {  	_ =	swait.ge [sflag:s29], $0x2800  }
0x250: {  	[sflag:s29] =	ssyncset.done $0x0  }
0x251: {  	s16 =	simm.s32 $0x4EF0;
	[sflag:s29] =	ssyncadd.s32 $0xFFFFD800  }
0x252: {  	v1 =	vld [tilespmem:s16+$0xFFFFFF40]  }
0x253: {  	v2 =	vld [tilespmem:s16+$0xFFFFFF10]  }
0x254: {  	v3 =	vld [tilespmem:s16+$0xFFFFFF30]  }
0x255: {  	v57 =	vld [tilespmem:s16+$0xFFFFFF20]  }
0x256: {  	v58 =	vld [tilespmem:s16+$0xFFFFFF50]  }
0x257: {  	v6 =	vld [tilespmem:s16+$0xFFFFFF60]  }
0x258: {  	v7 =	vld [tilespmem:s16+$0xFFFFFF70]  }
0x259: {  	v8 =	vld [tilespmem:s16+$0xFFFFFF90];
	v2 =	vadd.bf16 v3, v2  }
0x25a: {  	v3 =	vld [tilespmem:s16+$0xFFFFFF80]  }
0x25b: {  	v59 =	vld [tilespmem:s16+$0xFFFFFFA0];
	v1 =	vadd.bf16 v1, v57;
	v2 =	vadd.bf16 v58, v2  }
0x25c: {  	v60 =	vld [tilespmem:s16+$0xFFFFFFB0]  }
0x25d: {  	v61 =	vld [tilespmem:s16+$0xFFFFFFC0];
	v1 =	vadd.bf16 v6, v1;
	v2 =	vadd.bf16 v7, v2  }
0x25e: {  	v62 =	vld [tilespmem:s16+$0xFFFFFFD0]  }
0x25f: {  	v63 =	vld [tilespmem:s16+$0xFFFFFFF0];
	v1 =	vadd.bf16 v3, v1;
	v2 =	vadd.bf16 v8, v2  }
0x260: {  	s18 =	simm.s32 $0x3C10;
	v3 =	vld [tilespmem:s16+$0xFFFFFFE0]  }
0x261: {  	v12 =	vld [tilespmem:s18+$0xFFFFFFF0];
	v1 =	vadd.bf16 v59, v1;
	v2 =	vadd.bf16 v60, v2  }
0x262: {  	v13 =	vld [tilespmem:s16+$0x0]  }
0x263: {  	v1 =	vadd.bf16 v61, v1;
	v2 =	vadd.bf16 v62, v2  }
0x264: {  	v14 =	vld [tilespmem:s18+$0x0]  }
0x265: {  	v3 =	vadd.bf16 v3, v1;
	v2 =	vadd.bf16 v63, v2  }
0x266: {  	v15 =	vunpack.i.u.bf16.f32 v12;
	v4 =	vunpack.i.l.bf16.f32 v12  }
0x267: {  	v5 =	vadd.bf16 v13, v3;
	v1 =	vunpack.i.u.bf16.f32 v2;
	v2 =	vunpack.i.l.bf16.f32 v2  }
0x268: {  	v4 =	vmul.f32 v4, v2;
	v7 =	vmul.f32 v15, v1  }
0x269: {  	v16 =	vunpack.i.l.bf16.f32 v14;
	v3 =	vunpack.i.l.bf16.f32 v5  }
0x26a: {  	s6 =	simm.s32 $0x0;
	v8 =	vmul.f32 v16, v3;
	v7 =	vadd.f32 v4, v7  }
0x26b: {  	v18 =	vadd.s32 s6, v0;
	v17 =	vunpack.i.u.bf16.f32 v14;
	v4 =	vunpack.i.u.bf16.f32 v5  }
0x26c: {  	v5 =	vmul.f32 v17, v4;
	v7 =	vadd.f32 v8, v7;
	_ =	sdelay $0x1  }
0x26d: {  	v5 =	vadd.f32 v7, v5;
	_ =	sdelay $0x1  }
0x26e: {  	s30 =	simm.s32 $0x8870;
	[tilespmem:v18+s25+$0x0] =	vst.idx.msk $0xffff, v5  }
0x26f: {  	v5 =	vld [tilespmem:s30+$0xFFFFFD90];
	_ =	sdelay $0x1  }
0x270: {  	v6 =	vld [tilespmem:s30+$0xFFFFFDA0];
	_ =	sdelay $0x2  }
0x271: {  	v19 =	vunpack.i.u.bf16.f32 v5;
	v5 =	vunpack.i.l.bf16.f32 v5  }
0x272: {  	v5 =	vmul.f32 v5, v2;
	v7 =	vmul.f32 v19, v1  }
0x273: {  	v20 =	vunpack.i.l.bf16.f32 v6  }
0x274: {  	s11 =	simm.s32 $0x1;
	v21 =	vmul.f32 v20, v3;
	v5 =	vadd.f32 v5, v7  }
0x275: {  	v22 =	vadd.s32 s11, v0;
	v6 =	vunpack.i.u.bf16.f32 v6  }
0x276: {  	v6 =	vmul.f32 v6, v4;
	v5 =	vadd.f32 v21, v5;
	_ =	sdelay $0x1  }
0x277: {  	v5 =	vadd.f32 v5, v6;
	_ =	sdelay $0x1  }
0x278: {  	[tilespmem:v22+s25+$0x0] =	vst.idx.msk $0xffff, v5  }
0x279: {  	v5 =	vld [tilespmem:s30+$0xFFFFFDB0];
	_ =	sdelay $0x1  }
0x27a: {  	v23 =	vld [tilespmem:s30+$0xFFFFFDC0];
	_ =	sdelay $0x2  }
0x27b: {  	v24 =	vunpack.i.u.bf16.f32 v5;
	v5 =	vunpack.i.l.bf16.f32 v5  }
0x27c: {  	v5 =	vmul.f32 v5, v2;
	v7 =	vmul.f32 v24, v1  }
0x27d: {  	v25 =	vunpack.i.l.bf16.f32 v23  }
0x27e: {  	s12 =	simm.s32 $0x2;
	v26 =	vmul.f32 v25, v3;
	v5 =	vadd.f32 v5, v7  }
0x27f: {  	v27 =	vadd.s32 s12, v0;
	v6 =	vunpack.i.u.bf16.f32 v23  }
0x280: {  	v6 =	vmul.f32 v6, v4;
	v5 =	vadd.f32 v26, v5;
	_ =	sdelay $0x1  }
0x281: {  	v5 =	vadd.f32 v5, v6;
	_ =	sdelay $0x1  }
0x282: {  	[tilespmem:v27+s25+$0x0] =	vst.idx.msk $0xffff, v5  }
0x283: {  	v5 =	vld [tilespmem:s30+$0xFFFFFDD0];
	_ =	sdelay $0x1  }
0x284: {  	v28 =	vld [tilespmem:s30+$0xFFFFFDE0];
	_ =	sdelay $0x2  }
0x285: {  	v29 =	vunpack.i.u.bf16.f32 v5;
	v5 =	vunpack.i.l.bf16.f32 v5  }
0x286: {  	v5 =	vmul.f32 v5, v2;
	v7 =	vmul.f32 v29, v1  }
0x287: {  	v30 =	vunpack.i.l.bf16.f32 v28  }
0x288: {  	s6 =	simm.s32 $0x3;
	v31 =	vmul.f32 v30, v3;
	v5 =	vadd.f32 v5, v7  }
0x289: {  	v32 =	vadd.s32 s6, v0;
	v6 =	vunpack.i.u.bf16.f32 v28  }
0x28a: {  	v6 =	vmul.f32 v6, v4;
	v5 =	vadd.f32 v31, v5;
	_ =	sdelay $0x1  }
0x28b: {  	v5 =	vadd.f32 v5, v6;
	_ =	sdelay $0x1  }
0x28c: {  	[tilespmem:v32+s25+$0x0] =	vst.idx.msk $0xffff, v5  }
0x28d: {  	v5 =	vld [tilespmem:s30+$0xFFFFFDF0];
	_ =	sdelay $0x1  }
0x28e: {  	v33 =	vld [tilespmem:s30+$0xFFFFFE00];
	_ =	sdelay $0x2  }
0x28f: {  	v34 =	vunpack.i.u.bf16.f32 v5;
	v5 =	vunpack.i.l.bf16.f32 v5  }
0x290: {  	v5 =	vmul.f32 v5, v2;
	v7 =	vmul.f32 v34, v1  }
0x291: {  	v35 =	vunpack.i.l.bf16.f32 v33  }
0x292: {  	s11 =	simm.s32 $0x4;
	v36 =	vmul.f32 v35, v3;
	v5 =	vadd.f32 v5, v7  }
0x293: {  	v37 =	vadd.s32 s11, v0;
	v6 =	vunpack.i.u.bf16.f32 v33  }
0x294: {  	v6 =	vmul.f32 v6, v4;
	v5 =	vadd.f32 v36, v5;
	_ =	sdelay $0x1  }
0x295: {  	v5 =	vadd.f32 v5, v6;
	_ =	sdelay $0x1  }
0x296: {  	[tilespmem:v37+s25+$0x0] =	vst.idx.msk $0xffff, v5  }
0x297: {  	v5 =	vld [tilespmem:s30+$0xFFFFFE10];
	_ =	sdelay $0x1  }
0x298: {  	v38 =	vld [tilespmem:s30+$0xFFFFFE20];
	_ =	sdelay $0x2  }
0x299: {  	v39 =	vunpack.i.u.bf16.f32 v5;
	v5 =	vunpack.i.l.bf16.f32 v5  }
0x29a: {  	v5 =	vmul.f32 v5, v2;
	v7 =	vmul.f32 v39, v1  }
0x29b: {  	v40 =	vunpack.i.l.bf16.f32 v38  }
0x29c: {  	s12 =	simm.s32 $0x5;
	v41 =	vmul.f32 v40, v3;
	v5 =	vadd.f32 v5, v7  }
0x29d: {  	v42 =	vadd.s32 s12, v0;
	v6 =	vunpack.i.u.bf16.f32 v38  }
0x29e: {  	v6 =	vmul.f32 v6, v4;
	v5 =	vadd.f32 v41, v5;
	_ =	sdelay $0x1  }
0x29f: {  	v5 =	vadd.f32 v5, v6;
	_ =	sdelay $0x1  }
0x2a0: {  	[tilespmem:v42+s25+$0x0] =	vst.idx.msk $0xffff, v5  }
0x2a1: {  	v5 =	vld [tilespmem:s30+$0xFFFFFE30];
	_ =	sdelay $0x1  }
0x2a2: {  	v43 =	vld [tilespmem:s30+$0xFFFFFE40];
	_ =	sdelay $0x2  }
0x2a3: {  	v44 =	vunpack.i.u.bf16.f32 v5;
	v5 =	vunpack.i.l.bf16.f32 v5  }
0x2a4: {  	v5 =	vmul.f32 v5, v2;
	v7 =	vmul.f32 v44, v1  }
0x2a5: {  	v45 =	vunpack.i.l.bf16.f32 v43  }
0x2a6: {  	s6 =	simm.s32 $0x6;
	v46 =	vmul.f32 v45, v3;
	v5 =	vadd.f32 v5, v7  }
0x2a7: {  	v47 =	vadd.s32 s6, v0;
	v6 =	vunpack.i.u.bf16.f32 v43  }
0x2a8: {  	v6 =	vmul.f32 v6, v4;
	v5 =	vadd.f32 v46, v5;
	_ =	sdelay $0x1  }
0x2a9: {  	v5 =	vadd.f32 v5, v6;
	_ =	sdelay $0x1  }
0x2aa: {  	[tilespmem:v47+s25+$0x0] =	vst.idx.msk $0xffff, v5  }
0x2ab: {  	v5 =	vld [tilespmem:s30+$0xFFFFFE50];
	_ =	sdelay $0x1  }
0x2ac: {  	v48 =	vld [tilespmem:s30+$0xFFFFFE60];
	_ =	sdelay $0x2  }
0x2ad: {  	v49 =	vunpack.i.u.bf16.f32 v5;
	v5 =	vunpack.i.l.bf16.f32 v5  }
0x2ae: {  	v5 =	vmul.f32 v5, v2;
	v7 =	vmul.f32 v49, v1  }
0x2af: {  	v50 =	vunpack.i.l.bf16.f32 v48  }
0x2b0: {  	s11 =	simm.s32 $0x7;
	v51 =	vmul.f32 v50, v3;
	v5 =	vadd.f32 v5, v7  }
0x2b1: {  	v52 =	vadd.s32 s11, v0;
	v6 =	vunpack.i.u.bf16.f32 v48  }
0x2b2: {  	v6 =	vmul.f32 v6, v4;
	v5 =	vadd.f32 v51, v5;
	_ =	sdelay $0x1  }
0x2b3: {  	v5 =	vadd.f32 v5, v6;
	_ =	sdelay $0x1  }
0x2b4: {  	[tilespmem:v52+s25+$0x0] =	vst.idx.msk $0xffff, v5  }
0x2b5: {  	v5 =	vld [tilespmem:s30+$0xFFFFFE70];
	_ =	sdelay $0x1  }
0x2b6: {  	v53 =	vld [tilespmem:s30+$0xFFFFFE80];
	_ =	sdelay $0x2  }
0x2b7: {  	v54 =	vunpack.i.u.bf16.f32 v5;
	v5 =	vunpack.i.l.bf16.f32 v5  }
0x2b8: {  	v5 =	vmul.f32 v5, v2;
	v7 =	vmul.f32 v54, v1  }
0x2b9: {  	v55 =	vunpack.i.l.bf16.f32 v53  }
0x2ba: {  	s12 =	simm.s32 $0x8;
	v56 =	vmul.f32 v55, v3;
	v5 =	vadd.f32 v5, v7  }
0x2bb: {  	v57 =	vadd.s32 s12, v0;
	v6 =	vunpack.i.u.bf16.f32 v53  }
0x2bc: {  	v6 =	vmul.f32 v6, v4;
	v5 =	vadd.f32 v56, v5;
	_ =	sdelay $0x1  }
0x2bd: {  	v5 =	vadd.f32 v5, v6;
	_ =	sdelay $0x1  }
0x2be: {  	[tilespmem:v57+s25+$0x0] =	vst.idx.msk $0xffff, v5  }
0x2bf: {  	v5 =	vld [tilespmem:s30+$0xFFFFFE90];
	_ =	sdelay $0x1  }
0x2c0: {  	v58 =	vld [tilespmem:s30+$0xFFFFFEA0];
	_ =	sdelay $0x2  }
0x2c1: {  	v59 =	vunpack.i.u.bf16.f32 v5;
	v5 =	vunpack.i.l.bf16.f32 v5  }
0x2c2: {  	v5 =	vmul.f32 v5, v2;
	v7 =	vmul.f32 v59, v1  }
0x2c3: {  	v60 =	vunpack.i.l.bf16.f32 v58  }
0x2c4: {  	s6 =	simm.s32 $0x9;
	v61 =	vmul.f32 v60, v3;
	v5 =	vadd.f32 v5, v7  }
0x2c5: {  	v62 =	vadd.s32 s6, v0;
	v6 =	vunpack.i.u.bf16.f32 v58  }
0x2c6: {  	v6 =	vmul.f32 v6, v4;
	v5 =	vadd.f32 v61, v5;
	_ =	sdelay $0x1  }
0x2c7: {  	v5 =	vadd.f32 v5, v6;
	_ =	sdelay $0x1  }
0x2c8: {  	[tilespmem:v62+s25+$0x0] =	vst.idx.msk $0xffff, v5  }
0x2c9: {  	v5 =	vld [tilespmem:s30+$0xFFFFFEB0];
	_ =	sdelay $0x1  }
0x2ca: {  	v63 =	vld [tilespmem:s30+$0xFFFFFEC0];
	_ =	sdelay $0x2  }
0x2cb: {  	v12 =	vunpack.i.u.bf16.f32 v5;
	v5 =	vunpack.i.l.bf16.f32 v5  }
0x2cc: {  	v5 =	vmul.f32 v5, v2;
	v7 =	vmul.f32 v12, v1  }
0x2cd: {  	v13 =	vunpack.i.l.bf16.f32 v63  }
0x2ce: {  	s11 =	simm.s32 $0xA;
	v14 =	vmul.f32 v13, v3;
	v5 =	vadd.f32 v5, v7  }
0x2cf: {  	v15 =	vadd.s32 s11, v0;
	v6 =	vunpack.i.u.bf16.f32 v63  }
0x2d0: {  	v6 =	vmul.f32 v6, v4;
	v5 =	vadd.f32 v14, v5;
	_ =	sdelay $0x1  }
0x2d1: {  	v5 =	vadd.f32 v5, v6;
	_ =	sdelay $0x1  }
0x2d2: {  	[tilespmem:v15+s25+$0x0] =	vst.idx.msk $0xffff, v5  }
0x2d3: {  	v5 =	vld [tilespmem:s30+$0xFFFFFED0];
	_ =	sdelay $0x1  }
0x2d4: {  	v16 =	vld [tilespmem:s30+$0xFFFFFEE0];
	_ =	sdelay $0x2  }
0x2d5: {  	v17 =	vunpack.i.u.bf16.f32 v5;
	v5 =	vunpack.i.l.bf16.f32 v5  }
0x2d6: {  	v5 =	vmul.f32 v5, v2;
	v7 =	vmul.f32 v17, v1  }
0x2d7: {  	v18 =	vunpack.i.l.bf16.f32 v16  }
0x2d8: {  	s12 =	simm.s32 $0xB;
	v19 =	vmul.f32 v18, v3;
	v5 =	vadd.f32 v5, v7  }
0x2d9: {  	v20 =	vadd.s32 s12, v0;
	v6 =	vunpack.i.u.bf16.f32 v16  }
0x2da: {  	v6 =	vmul.f32 v6, v4;
	v5 =	vadd.f32 v19, v5;
	_ =	sdelay $0x1  }
0x2db: {  	v5 =	vadd.f32 v5, v6;
	_ =	sdelay $0x1  }
0x2dc: {  	[tilespmem:v20+s25+$0x0] =	vst.idx.msk $0xffff, v5  }
0x2dd: {  	v5 =	vld [tilespmem:s30+$0xFFFFFEF0];
	_ =	sdelay $0x1  }
0x2de: {  	v21 =	vld [tilespmem:s30+$0xFFFFFF00];
	_ =	sdelay $0x2  }
0x2df: {  	v22 =	vunpack.i.u.bf16.f32 v5;
	v5 =	vunpack.i.l.bf16.f32 v5  }
0x2e0: {  	v5 =	vmul.f32 v5, v2;
	v7 =	vmul.f32 v22, v1  }
0x2e1: {  	v23 =	vunpack.i.l.bf16.f32 v21  }
0x2e2: {  	s6 =	simm.s32 $0xC;
	v24 =	vmul.f32 v23, v3;
	v5 =	vadd.f32 v5, v7  }
0x2e3: {  	v25 =	vadd.s32 s6, v0;
	v6 =	vunpack.i.u.bf16.f32 v21  }
0x2e4: {  	v6 =	vmul.f32 v6, v4;
	v5 =	vadd.f32 v24, v5;
	_ =	sdelay $0x1  }
0x2e5: {  	v5 =	vadd.f32 v5, v6;
	_ =	sdelay $0x1  }
0x2e6: {  	[tilespmem:v25+s25+$0x0] =	vst.idx.msk $0xffff, v5  }
0x2e7: {  	v5 =	vld [tilespmem:s30+$0xFFFFFF10];
	_ =	sdelay $0x1  }
0x2e8: {  	v26 =	vld [tilespmem:s30+$0xFFFFFF20];
	_ =	sdelay $0x2  }
0x2e9: {  	v27 =	vunpack.i.u.bf16.f32 v5;
	v5 =	vunpack.i.l.bf16.f32 v5  }
0x2ea: {  	v5 =	vmul.f32 v5, v2;
	v7 =	vmul.f32 v27, v1  }
0x2eb: {  	v28 =	vunpack.i.l.bf16.f32 v26  }
0x2ec: {  	s11 =	simm.s32 $0xD;
	v29 =	vmul.f32 v28, v3;
	v5 =	vadd.f32 v5, v7  }
0x2ed: {  	v30 =	vadd.s32 s11, v0;
	v6 =	vunpack.i.u.bf16.f32 v26  }
0x2ee: {  	v6 =	vmul.f32 v6, v4;
	v5 =	vadd.f32 v29, v5;
	_ =	sdelay $0x1  }
0x2ef: {  	v5 =	vadd.f32 v5, v6;
	_ =	sdelay $0x1  }
0x2f0: {  	[tilespmem:v30+s25+$0x0] =	vst.idx.msk $0xffff, v5  }
0x2f1: {  	v5 =	vld [tilespmem:s30+$0xFFFFFF30];
	_ =	sdelay $0x1  }
0x2f2: {  	v31 =	vld [tilespmem:s30+$0xFFFFFF40];
	_ =	sdelay $0x2  }
0x2f3: {  	v32 =	vunpack.i.u.bf16.f32 v5;
	v5 =	vunpack.i.l.bf16.f32 v5  }
0x2f4: {  	v5 =	vmul.f32 v5, v2;
	v7 =	vmul.f32 v32, v1  }
0x2f5: {  	v33 =	vunpack.i.l.bf16.f32 v31  }
0x2f6: {  	s12 =	simm.s32 $0xE;
	v34 =	vmul.f32 v33, v3;
	v5 =	vadd.f32 v5, v7  }
0x2f7: {  	v35 =	vadd.s32 s12, v0;
	v6 =	vunpack.i.u.bf16.f32 v31  }
0x2f8: {  	v6 =	vmul.f32 v6, v4;
	v5 =	vadd.f32 v34, v5;
	_ =	sdelay $0x1  }
0x2f9: {  	v5 =	vadd.f32 v5, v6;
	_ =	sdelay $0x1  }
0x2fa: {  	[tilespmem:v35+s25+$0x0] =	vst.idx.msk $0xffff, v5  }
0x2fb: {  	v5 =	vld [tilespmem:s30+$0xFFFFFF50];
	_ =	sdelay $0x1  }
0x2fc: {  	v36 =	vld [tilespmem:s30+$0xFFFFFF60];
	_ =	sdelay $0x2  }
0x2fd: {  	v37 =	vunpack.i.u.bf16.f32 v5;
	v5 =	vunpack.i.l.bf16.f32 v5  }
0x2fe: {  	v5 =	vmul.f32 v5, v2;
	v7 =	vmul.f32 v37, v1  }
0x2ff: {  	v38 =	vunpack.i.l.bf16.f32 v36  }
0x300: {  	s6 =	simm.s32 $0xF;
	v39 =	vmul.f32 v38, v3;
	v5 =	vadd.f32 v5, v7  }
0x301: {  	v40 =	vadd.s32 s6, v0;
	v6 =	vunpack.i.u.bf16.f32 v36  }
0x302: {  	v6 =	vmul.f32 v6, v4;
	v5 =	vadd.f32 v39, v5;
	_ =	sdelay $0x1  }
0x303: {  	v5 =	vadd.f32 v5, v6;
	_ =	sdelay $0x1  }
0x304: {  	[tilespmem:v40+s25+$0x0] =	vst.idx.msk $0xffff, v5  }
0x305: {  	v5 =	vld [tilespmem:s30+$0xFFFFFF70];
	_ =	sdelay $0x1  }
0x306: {  	v41 =	vld [tilespmem:s30+$0xFFFFFF80];
	_ =	sdelay $0x2  }
0x307: {  	v42 =	vunpack.i.u.bf16.f32 v5;
	v5 =	vunpack.i.l.bf16.f32 v5  }
0x308: {  	v5 =	vmul.f32 v5, v2;
	v7 =	vmul.f32 v42, v1  }
0x309: {  	v43 =	vunpack.i.l.bf16.f32 v41  }
0x30a: {  	s11 =	simm.s32 $0x10;
	v44 =	vmul.f32 v43, v3;
	v5 =	vadd.f32 v5, v7  }
0x30b: {  	v45 =	vadd.s32 s11, v0;
	v6 =	vunpack.i.u.bf16.f32 v41  }
0x30c: {  	v6 =	vmul.f32 v6, v4;
	v5 =	vadd.f32 v44, v5;
	_ =	sdelay $0x1  }
0x30d: {  	v5 =	vadd.f32 v5, v6;
	_ =	sdelay $0x1  }
0x30e: {  	[tilespmem:v45+s25+$0x0] =	vst.idx.msk $0xffff, v5  }
0x30f: {  	v5 =	vld [tilespmem:s30+$0xFFFFFF90];
	_ =	sdelay $0x1  }
0x310: {  	v46 =	vld [tilespmem:s30+$0xFFFFFFA0];
	_ =	sdelay $0x2  }
0x311: {  	v47 =	vunpack.i.u.bf16.f32 v5;
	v5 =	vunpack.i.l.bf16.f32 v5  }
0x312: {  	v5 =	vmul.f32 v5, v2;
	v7 =	vmul.f32 v47, v1  }
0x313: {  	v48 =	vunpack.i.l.bf16.f32 v46  }
0x314: {  	s12 =	simm.s32 $0x11;
	v49 =	vmul.f32 v48, v3;
	v5 =	vadd.f32 v5, v7  }
0x315: {  	v50 =	vadd.s32 s12, v0;
	v6 =	vunpack.i.u.bf16.f32 v46  }
0x316: {  	v6 =	vmul.f32 v6, v4;
	v5 =	vadd.f32 v49, v5;
	_ =	sdelay $0x1  }
0x317: {  	v5 =	vadd.f32 v5, v6;
	_ =	sdelay $0x1  }
0x318: {  	[tilespmem:v50+s25+$0x0] =	vst.idx.msk $0xffff, v5  }
0x319: {  	v5 =	vld [tilespmem:s30+$0xFFFFFFB0];
	_ =	sdelay $0x1  }
0x31a: {  	v51 =	vld [tilespmem:s30+$0xFFFFFFC0];
	_ =	sdelay $0x2  }
0x31b: {  	v52 =	vunpack.i.u.bf16.f32 v5;
	v5 =	vunpack.i.l.bf16.f32 v5  }
0x31c: {  	v5 =	vmul.f32 v5, v2;
	v7 =	vmul.f32 v52, v1  }
0x31d: {  	v53 =	vunpack.i.l.bf16.f32 v51  }
0x31e: {  	s6 =	simm.s32 $0x12;
	v54 =	vmul.f32 v53, v3;
	v5 =	vadd.f32 v5, v7  }
0x31f: {  	v55 =	vadd.s32 s6, v0;
	v6 =	vunpack.i.u.bf16.f32 v51  }
0x320: {  	v6 =	vmul.f32 v6, v4;
	v5 =	vadd.f32 v54, v5;
	_ =	sdelay $0x1  }
0x321: {  	v5 =	vadd.f32 v5, v6;
	_ =	sdelay $0x1  }
0x322: {  	[tilespmem:v55+s25+$0x0] =	vst.idx.msk $0xffff, v5  }
0x323: {  	v5 =	vld [tilespmem:s30+$0xFFFFFFD0];
	_ =	sdelay $0x1  }
0x324: {  	v56 =	vld [tilespmem:s30+$0xFFFFFFE0];
	_ =	sdelay $0x2  }
0x325: {  	v57 =	vunpack.i.u.bf16.f32 v5;
	v5 =	vunpack.i.l.bf16.f32 v5  }
0x326: {  	v5 =	vmul.f32 v5, v2;
	v7 =	vmul.f32 v57, v1  }
0x327: {  	v58 =	vunpack.i.l.bf16.f32 v56  }
0x328: {  	s11 =	simm.s32 $0x13;
	v59 =	vmul.f32 v58, v3;
	v5 =	vadd.f32 v5, v7  }
0x329: {  	v60 =	vadd.s32 s11, v0;
	v6 =	vunpack.i.u.bf16.f32 v56  }
0x32a: {  	v6 =	vmul.f32 v6, v4;
	v5 =	vadd.f32 v59, v5;
	_ =	sdelay $0x1  }
0x32b: {  	v5 =	vadd.f32 v5, v6;
	_ =	sdelay $0x1  }
0x32c: {  	[tilespmem:v60+s25+$0x0] =	vst.idx.msk $0xffff, v5  }
0x32d: {  	v5 =	vld [tilespmem:s30+$0xFFFFFFF0];
	_ =	sdelay $0x1  }
0x32e: {  	v61 =	vld [tilespmem:s30+$0x0];
	_ =	sdelay $0x2  }
0x32f: {  	v62 =	vunpack.i.u.bf16.f32 v5;
	v5 =	vunpack.i.l.bf16.f32 v5  }
0x330: {  	v2 =	vmul.f32 v5, v2;
	v1 =	vmul.f32 v62, v1  }
0x331: {  	v63 =	vunpack.i.l.bf16.f32 v61  }
0x332: {  	v1 =	vadd.f32 v2, v1;
	v2 =	vmul.f32 v63, v3  }
0x333: {  	s12 =	simm.s32 $0x14  }
0x334: {  	v3 =	vunpack.i.u.bf16.f32 v61;
	v2 =	vadd.f32 v2, v1;
	v1 =	vadd.s32 s12, v0  }
0x335: {  	v3 =	vmul.f32 v3, v4;
	_ =	sdelay $0x1  }
0x336: {  	s11 =	simm.s32 $0x29;
	v2 =	vadd.f32 v2, v3  }
.LBB2_7:
0x337: {  	_ = 	snop  }
0x338: {  	s30 =	sadd.s32 $0x280, s30;
	s18 =	sadd.s32 $0x20, s18;
	s16 =	sadd.s32 $0x100, s16;
	[tilespmem:v1+s25+$0x0] =	vst.idx.msk $0xffff, v2  }
0x339: {  	p0 =	sne.s32 s11, $0x14F;
	s5 =	smov.u32 s11;
	s11 =	sadd.s32 $0x15, s11;
	v1 =	vld [tilespmem:s16+$0xFFFFFF40]  }
0x33a: {  	v2 =	vld [tilespmem:s16+$0xFFFFFF10]  }
0x33b: {  	v3 =	vld [tilespmem:s16+$0xFFFFFF30]  }
0x33c: {  	v4 =	vld [tilespmem:s16+$0xFFFFFF20]  }
0x33d: {  	v5 =	vld [tilespmem:s16+$0xFFFFFF50]  }
0x33e: {  	v6 =	vld [tilespmem:s16+$0xFFFFFF60]  }
0x33f: {  	v7 =	vld [tilespmem:s16+$0xFFFFFF70]  }
0x340: {  	v2 =	vadd.bf16 v3, v2;
	v3 =	vld [tilespmem:s16+$0xFFFFFF80]  }
0x341: {  	v8 =	vld [tilespmem:s16+$0xFFFFFF90];
	v1 =	vadd.bf16 v1, v4  }
0x342: {  	v2 =	vadd.bf16 v5, v2;
	v4 =	vld [tilespmem:s16+$0xFFFFFFA0]  }
0x343: {  	v5 =	vld [tilespmem:s16+$0xFFFFFFB0];
	v1 =	vadd.bf16 v6, v1  }
0x344: {  	v2 =	vadd.bf16 v7, v2;
	v6 =	vld [tilespmem:s16+$0xFFFFFFC0]  }
0x345: {  	v7 =	vld [tilespmem:s16+$0xFFFFFFD0];
	v1 =	vadd.bf16 v3, v1  }
0x346: {  	v2 =	vadd.bf16 v8, v2;
	v3 =	vld [tilespmem:s16+$0xFFFFFFE0]  }
0x347: {  	v8 =	vld [tilespmem:s16+$0xFFFFFFF0];
	v1 =	vadd.bf16 v4, v1  }
0x348: {  	v2 =	vadd.bf16 v5, v2;
	v4 =	vld [tilespmem:s18+$0xFFFFFFF0]  }
0x349: {  	v1 =	vadd.bf16 v6, v1;
	v5 =	vld [tilespmem:s16+$0x0]  }
0x34a: {  	v2 =	vadd.bf16 v7, v2  }
0x34b: {  	v6 =	vld [tilespmem:s18+$0x0]  }
0x34c: {  	v3 =	vadd.bf16 v3, v1;
	v2 =	vadd.bf16 v8, v2  }
0x34d: {  	v7 =	vunpack.i.u.bf16.f32 v4;
	v4 =	vunpack.i.l.bf16.f32 v4  }
0x34e: {  	v1 =	vunpack.i.u.bf16.f32 v2;
	v2 =	vunpack.i.l.bf16.f32 v2;
	v5 =	vadd.bf16 v5, v3  }
0x34f: {  	v4 =	vmul.f32 v4, v2;
	v7 =	vmul.f32 v7, v1  }
0x350: {  	v3 =	vunpack.i.l.bf16.f32 v5;
	v8 =	vunpack.i.l.bf16.f32 v6  }
0x351: {  	s6 =	sadd.s32 $0xFFFFFFEC, s5;
	v7 =	vadd.f32 v4, v7;
	v8 =	vmul.f32 v8, v3  }
0x352: {  	v4 =	vunpack.i.u.bf16.f32 v5;
	v5 =	vunpack.i.u.bf16.f32 v6;
	v6 =	vadd.s32 s6, v0  }
0x353: {  	v5 =	vmul.f32 v5, v4;
	v7 =	vadd.f32 v8, v7;
	_ =	sdelay $0x1  }
0x354: {  	v5 =	vadd.f32 v7, v5;
	_ =	sdelay $0x1  }
0x355: {  	[tilespmem:v6+s25+$0x0] =	vst.idx.msk $0xffff, v5  }
0x356: {  	v5 =	vld [tilespmem:s30+$0xFFFFFD90];
	_ =	sdelay $0x1  }
0x357: {  	v6 =	vld [tilespmem:s30+$0xFFFFFDA0];
	_ =	sdelay $0x2  }
0x358: {  	v7 =	vunpack.i.u.bf16.f32 v5;
	v5 =	vunpack.i.l.bf16.f32 v5  }
0x359: {  	v5 =	vmul.f32 v5, v2;
	v7 =	vmul.f32 v7, v1  }
0x35a: {  	v8 =	vunpack.i.l.bf16.f32 v6  }
0x35b: {  	s6 =	sadd.s32 $0xFFFFFFED, s5;
	v5 =	vadd.f32 v5, v7;
	v7 =	vmul.f32 v8, v3  }
0x35c: {  	v6 =	vunpack.i.u.bf16.f32 v6;
	v8 =	vadd.s32 s6, v0  }
0x35d: {  	v6 =	vmul.f32 v6, v4;
	v5 =	vadd.f32 v7, v5;
	_ =	sdelay $0x1  }
0x35e: {  	v5 =	vadd.f32 v5, v6;
	_ =	sdelay $0x1  }
0x35f: {  	[tilespmem:v8+s25+$0x0] =	vst.idx.msk $0xffff, v5  }
0x360: {  	v5 =	vld [tilespmem:s30+$0xFFFFFDB0];
	_ =	sdelay $0x1  }
0x361: {  	v6 =	vld [tilespmem:s30+$0xFFFFFDC0];
	_ =	sdelay $0x2  }
0x362: {  	v7 =	vunpack.i.u.bf16.f32 v5;
	v5 =	vunpack.i.l.bf16.f32 v5  }
0x363: {  	v5 =	vmul.f32 v5, v2;
	v7 =	vmul.f32 v7, v1  }
0x364: {  	v8 =	vunpack.i.l.bf16.f32 v6  }
0x365: {  	s6 =	sadd.s32 $0xFFFFFFEE, s5;
	v5 =	vadd.f32 v5, v7;
	v7 =	vmul.f32 v8, v3  }
0x366: {  	v6 =	vunpack.i.u.bf16.f32 v6;
	v8 =	vadd.s32 s6, v0  }
0x367: {  	v6 =	vmul.f32 v6, v4;
	v5 =	vadd.f32 v7, v5;
	_ =	sdelay $0x1  }
0x368: {  	v5 =	vadd.f32 v5, v6;
	_ =	sdelay $0x1  }
0x369: {  	[tilespmem:v8+s25+$0x0] =	vst.idx.msk $0xffff, v5  }
0x36a: {  	v5 =	vld [tilespmem:s30+$0xFFFFFDD0];
	_ =	sdelay $0x1  }
0x36b: {  	v6 =	vld [tilespmem:s30+$0xFFFFFDE0];
	_ =	sdelay $0x2  }
0x36c: {  	v7 =	vunpack.i.u.bf16.f32 v5;
	v5 =	vunpack.i.l.bf16.f32 v5  }
0x36d: {  	v5 =	vmul.f32 v5, v2;
	v7 =	vmul.f32 v7, v1  }
0x36e: {  	v8 =	vunpack.i.l.bf16.f32 v6  }
0x36f: {  	s6 =	sadd.s32 $0xFFFFFFEF, s5;
	v5 =	vadd.f32 v5, v7;
	v7 =	vmul.f32 v8, v3  }
0x370: {  	v6 =	vunpack.i.u.bf16.f32 v6;
	v8 =	vadd.s32 s6, v0  }
0x371: {  	v6 =	vmul.f32 v6, v4;
	v5 =	vadd.f32 v7, v5;
	_ =	sdelay $0x1  }
0x372: {  	v5 =	vadd.f32 v5, v6;
	_ =	sdelay $0x1  }
0x373: {  	[tilespmem:v8+s25+$0x0] =	vst.idx.msk $0xffff, v5  }
0x374: {  	v5 =	vld [tilespmem:s30+$0xFFFFFDF0];
	_ =	sdelay $0x1  }
0x375: {  	v6 =	vld [tilespmem:s30+$0xFFFFFE00];
	_ =	sdelay $0x2  }
0x376: {  	v7 =	vunpack.i.u.bf16.f32 v5;
	v5 =	vunpack.i.l.bf16.f32 v5  }
0x377: {  	v5 =	vmul.f32 v5, v2;
	v7 =	vmul.f32 v7, v1  }
0x378: {  	v8 =	vunpack.i.u.bf16.f32 v6;
	v6 =	vunpack.i.l.bf16.f32 v6  }
0x379: {  	s6 =	sadd.s32 $0xFFFFFFF0, s5;
	v5 =	vadd.f32 v5, v7;
	v6 =	vmul.f32 v6, v3  }
0x37a: {  	v7 =	vadd.s32 s6, v0  }
0x37b: {  	v5 =	vadd.f32 v6, v5;
	v6 =	vmul.f32 v8, v4;
	_ =	sdelay $0x1  }
0x37c: {  	v5 =	vadd.f32 v5, v6;
	_ =	sdelay $0x1  }
0x37d: {  	[tilespmem:v7+s25+$0x0] =	vst.idx.msk $0xffff, v5  }
0x37e: {  	v5 =	vld [tilespmem:s30+$0xFFFFFE10];
	_ =	sdelay $0x1  }
0x37f: {  	v6 =	vld [tilespmem:s30+$0xFFFFFE20];
	_ =	sdelay $0x2  }
0x380: {  	v7 =	vunpack.i.u.bf16.f32 v5;
	v5 =	vunpack.i.l.bf16.f32 v5  }
0x381: {  	v5 =	vmul.f32 v5, v2;
	v7 =	vmul.f32 v7, v1  }
0x382: {  	v8 =	vunpack.i.u.bf16.f32 v6;
	v6 =	vunpack.i.l.bf16.f32 v6  }
0x383: {  	s6 =	sadd.s32 $0xFFFFFFF1, s5;
	v5 =	vadd.f32 v5, v7;
	v6 =	vmul.f32 v6, v3  }
0x384: {  	v7 =	vadd.s32 s6, v0  }
0x385: {  	v5 =	vadd.f32 v6, v5;
	v6 =	vmul.f32 v8, v4;
	_ =	sdelay $0x1  }
0x386: {  	v5 =	vadd.f32 v5, v6;
	_ =	sdelay $0x1  }
0x387: {  	[tilespmem:v7+s25+$0x0] =	vst.idx.msk $0xffff, v5  }
0x388: {  	v5 =	vld [tilespmem:s30+$0xFFFFFE30];
	_ =	sdelay $0x1  }
0x389: {  	v6 =	vld [tilespmem:s30+$0xFFFFFE40];
	_ =	sdelay $0x2  }
0x38a: {  	v7 =	vunpack.i.u.bf16.f32 v5;
	v5 =	vunpack.i.l.bf16.f32 v5  }
0x38b: {  	v5 =	vmul.f32 v5, v2;
	v7 =	vmul.f32 v7, v1  }
0x38c: {  	v8 =	vunpack.i.u.bf16.f32 v6;
	v6 =	vunpack.i.l.bf16.f32 v6  }
0x38d: {  	s6 =	sadd.s32 $0xFFFFFFF2, s5;
	v5 =	vadd.f32 v5, v7;
	v6 =	vmul.f32 v6, v3  }
0x38e: {  	v7 =	vadd.s32 s6, v0  }
0x38f: {  	v5 =	vadd.f32 v6, v5;
	v6 =	vmul.f32 v8, v4;
	_ =	sdelay $0x1  }
0x390: {  	v5 =	vadd.f32 v5, v6;
	_ =	sdelay $0x1  }
0x391: {  	[tilespmem:v7+s25+$0x0] =	vst.idx.msk $0xffff, v5  }
0x392: {  	v5 =	vld [tilespmem:s30+$0xFFFFFE50];
	_ =	sdelay $0x1  }
0x393: {  	v6 =	vld [tilespmem:s30+$0xFFFFFE60];
	_ =	sdelay $0x2  }
0x394: {  	v7 =	vunpack.i.u.bf16.f32 v5;
	v5 =	vunpack.i.l.bf16.f32 v5  }
0x395: {  	v5 =	vmul.f32 v5, v2;
	v7 =	vmul.f32 v7, v1  }
0x396: {  	v8 =	vunpack.i.u.bf16.f32 v6;
	v6 =	vunpack.i.l.bf16.f32 v6  }
0x397: {  	s6 =	sadd.s32 $0xFFFFFFF3, s5;
	v5 =	vadd.f32 v5, v7;
	v6 =	vmul.f32 v6, v3  }
0x398: {  	v7 =	vadd.s32 s6, v0  }
0x399: {  	v5 =	vadd.f32 v6, v5;
	v6 =	vmul.f32 v8, v4;
	_ =	sdelay $0x1  }
0x39a: {  	v5 =	vadd.f32 v5, v6;
	_ =	sdelay $0x1  }
0x39b: {  	[tilespmem:v7+s25+$0x0] =	vst.idx.msk $0xffff, v5  }
0x39c: {  	v5 =	vld [tilespmem:s30+$0xFFFFFE70];
	_ =	sdelay $0x1  }
0x39d: {  	v6 =	vld [tilespmem:s30+$0xFFFFFE80];
	_ =	sdelay $0x2  }
0x39e: {  	v7 =	vunpack.i.u.bf16.f32 v5;
	v5 =	vunpack.i.l.bf16.f32 v5  }
0x39f: {  	v5 =	vmul.f32 v5, v2;
	v7 =	vmul.f32 v7, v1  }
0x3a0: {  	v8 =	vunpack.i.l.bf16.f32 v6  }
0x3a1: {  	s6 =	sadd.s32 $0xFFFFFFF4, s5;
	v5 =	vadd.f32 v5, v7;
	v7 =	vmul.f32 v8, v3  }
0x3a2: {  	v6 =	vunpack.i.u.bf16.f32 v6;
	v8 =	vadd.s32 s6, v0  }
0x3a3: {  	v6 =	vmul.f32 v6, v4;
	v5 =	vadd.f32 v7, v5;
	_ =	sdelay $0x1  }
0x3a4: {  	v5 =	vadd.f32 v5, v6;
	_ =	sdelay $0x1  }
0x3a5: {  	[tilespmem:v8+s25+$0x0] =	vst.idx.msk $0xffff, v5  }
0x3a6: {  	v5 =	vld [tilespmem:s30+$0xFFFFFE90];
	_ =	sdelay $0x1  }
0x3a7: {  	v6 =	vld [tilespmem:s30+$0xFFFFFEA0];
	_ =	sdelay $0x2  }
0x3a8: {  	v7 =	vunpack.i.u.bf16.f32 v5;
	v5 =	vunpack.i.l.bf16.f32 v5  }
0x3a9: {  	v5 =	vmul.f32 v5, v2;
	v7 =	vmul.f32 v7, v1  }
0x3aa: {  	v8 =	vunpack.i.l.bf16.f32 v6  }
0x3ab: {  	s6 =	sadd.s32 $0xFFFFFFF5, s5;
	v5 =	vadd.f32 v5, v7;
	v7 =	vmul.f32 v8, v3  }
0x3ac: {  	v6 =	vunpack.i.u.bf16.f32 v6;
	v8 =	vadd.s32 s6, v0  }
0x3ad: {  	v6 =	vmul.f32 v6, v4;
	v5 =	vadd.f32 v7, v5;
	_ =	sdelay $0x1  }
0x3ae: {  	v5 =	vadd.f32 v5, v6;
	_ =	sdelay $0x1  }
0x3af: {  	[tilespmem:v8+s25+$0x0] =	vst.idx.msk $0xffff, v5  }
0x3b0: {  	v5 =	vld [tilespmem:s30+$0xFFFFFEB0];
	_ =	sdelay $0x1  }
0x3b1: {  	v6 =	vld [tilespmem:s30+$0xFFFFFEC0];
	_ =	sdelay $0x2  }
0x3b2: {  	v7 =	vunpack.i.u.bf16.f32 v5;
	v5 =	vunpack.i.l.bf16.f32 v5  }
0x3b3: {  	v5 =	vmul.f32 v5, v2;
	v7 =	vmul.f32 v7, v1  }
0x3b4: {  	v8 =	vunpack.i.l.bf16.f32 v6  }
0x3b5: {  	s6 =	sadd.s32 $0xFFFFFFF6, s5;
	v5 =	vadd.f32 v5, v7;
	v7 =	vmul.f32 v8, v3  }
0x3b6: {  	v6 =	vunpack.i.u.bf16.f32 v6;
	v8 =	vadd.s32 s6, v0  }
0x3b7: {  	v6 =	vmul.f32 v6, v4;
	v5 =	vadd.f32 v7, v5;
	_ =	sdelay $0x1  }
0x3b8: {  	v5 =	vadd.f32 v5, v6;
	_ =	sdelay $0x1  }
0x3b9: {  	[tilespmem:v8+s25+$0x0] =	vst.idx.msk $0xffff, v5  }
0x3ba: {  	v5 =	vld [tilespmem:s30+$0xFFFFFED0]  }
0x3bb: {  	v6 =	vld [tilespmem:s30+$0xFFFFFEE0];
	_ =	sdelay $0x3  }
0x3bc: {  	v7 =	vunpack.i.u.bf16.f32 v5;
	v5 =	vunpack.i.l.bf16.f32 v5  }
0x3bd: {  	v8 =	vunpack.i.l.bf16.f32 v6;
	v5 =	vmul.f32 v5, v2;
	v7 =	vmul.f32 v7, v1  }
0x3be: {  	v6 =	vunpack.i.u.bf16.f32 v6  }
0x3bf: {  	s6 =	sadd.s32 $0xFFFFFFF7, s5;
	v5 =	vadd.f32 v5, v7;
	v7 =	vmul.f32 v8, v3  }
0x3c0: {  	v8 =	vadd.s32 s6, v0  }
0x3c1: {  	v6 =	vmul.f32 v6, v4;
	v5 =	vadd.f32 v7, v5;
	_ =	sdelay $0x1  }
0x3c2: {  	v5 =	vadd.f32 v5, v6;
	_ =	sdelay $0x1  }
0x3c3: {  	[tilespmem:v8+s25+$0x0] =	vst.idx.msk $0xffff, v5  }
0x3c4: {  	v5 =	vld [tilespmem:s30+$0xFFFFFEF0]  }
0x3c5: {  	v6 =	vld [tilespmem:s30+$0xFFFFFF00];
	_ =	sdelay $0x3  }
0x3c6: {  	v7 =	vunpack.i.u.bf16.f32 v5;
	v5 =	vunpack.i.l.bf16.f32 v5  }
0x3c7: {  	v8 =	vunpack.i.l.bf16.f32 v6;
	v5 =	vmul.f32 v5, v2;
	v7 =	vmul.f32 v7, v1;
	_ =	sdelay $0x1  }
0x3c8: {  	s6 =	sadd.s32 $0xFFFFFFF8, s5;
	v5 =	vadd.f32 v5, v7;
	v7 =	vmul.f32 v8, v3  }
0x3c9: {  	v6 =	vunpack.i.u.bf16.f32 v6;
	v8 =	vadd.s32 s6, v0  }
0x3ca: {  	v6 =	vmul.f32 v6, v4;
	v5 =	vadd.f32 v7, v5;
	_ =	sdelay $0x1  }
0x3cb: {  	v5 =	vadd.f32 v5, v6;
	_ =	sdelay $0x1  }
0x3cc: {  	[tilespmem:v8+s25+$0x0] =	vst.idx.msk $0xffff, v5  }
0x3cd: {  	v5 =	vld [tilespmem:s30+$0xFFFFFF10]  }
0x3ce: {  	v6 =	vld [tilespmem:s30+$0xFFFFFF20];
	_ =	sdelay $0x3  }
0x3cf: {  	v7 =	vunpack.i.u.bf16.f32 v5;
	v5 =	vunpack.i.l.bf16.f32 v5  }
0x3d0: {  	v8 =	vunpack.i.l.bf16.f32 v6;
	v5 =	vmul.f32 v5, v2;
	v7 =	vmul.f32 v7, v1  }
0x3d1: {  	v6 =	vunpack.i.u.bf16.f32 v6  }
0x3d2: {  	s6 =	sadd.s32 $0xFFFFFFF9, s5;
	v5 =	vadd.f32 v5, v7;
	v7 =	vmul.f32 v8, v3  }
0x3d3: {  	v8 =	vadd.s32 s6, v0  }
0x3d4: {  	v6 =	vmul.f32 v6, v4;
	v5 =	vadd.f32 v7, v5;
	_ =	sdelay $0x1  }
0x3d5: {  	v5 =	vadd.f32 v5, v6;
	_ =	sdelay $0x1  }
0x3d6: {  	[tilespmem:v8+s25+$0x0] =	vst.idx.msk $0xffff, v5  }
0x3d7: {  	v5 =	vld [tilespmem:s30+$0xFFFFFF30]  }
0x3d8: {  	v6 =	vld [tilespmem:s30+$0xFFFFFF40];
	_ =	sdelay $0x3  }
0x3d9: {  	v7 =	vunpack.i.u.bf16.f32 v5;
	v5 =	vunpack.i.l.bf16.f32 v5  }
0x3da: {  	v8 =	vunpack.i.l.bf16.f32 v6;
	v5 =	vmul.f32 v5, v2;
	v7 =	vmul.f32 v7, v1  }
0x3db: {  	v6 =	vunpack.i.u.bf16.f32 v6  }
0x3dc: {  	s6 =	sadd.s32 $0xFFFFFFFA, s5;
	v6 =	vmul.f32 v6, v4;
	v5 =	vadd.f32 v5, v7;
	v7 =	vmul.f32 v8, v3  }
0x3dd: {  	v8 =	vadd.s32 s6, v0  }
0x3de: {  	v5 =	vadd.f32 v7, v5;
	_ =	sdelay $0x1  }
0x3df: {  	v5 =	vadd.f32 v5, v6;
	_ =	sdelay $0x1  }
0x3e0: {  	[tilespmem:v8+s25+$0x0] =	vst.idx.msk $0xffff, v5  }
0x3e1: {  	v5 =	vld [tilespmem:s30+$0xFFFFFF50]  }
0x3e2: {  	v6 =	vld [tilespmem:s30+$0xFFFFFF60];
	_ =	sdelay $0x3  }
0x3e3: {  	v7 =	vunpack.i.u.bf16.f32 v5;
	v5 =	vunpack.i.l.bf16.f32 v5  }
0x3e4: {  	v8 =	vunpack.i.l.bf16.f32 v6;
	v5 =	vmul.f32 v5, v2;
	v7 =	vmul.f32 v7, v1  }
0x3e5: {  	v6 =	vunpack.i.u.bf16.f32 v6  }
0x3e6: {  	s6 =	sadd.s32 $0xFFFFFFFB, s5;
	v5 =	vadd.f32 v5, v7;
	v7 =	vmul.f32 v8, v3  }
0x3e7: {  	v8 =	vadd.s32 s6, v0  }
0x3e8: {  	v6 =	vmul.f32 v6, v4;
	v5 =	vadd.f32 v7, v5;
	_ =	sdelay $0x1  }
0x3e9: {  	v5 =	vadd.f32 v5, v6;
	_ =	sdelay $0x1  }
0x3ea: {  	[tilespmem:v8+s25+$0x0] =	vst.idx.msk $0xffff, v5  }
0x3eb: {  	v5 =	vld [tilespmem:s30+$0xFFFFFF70]  }
0x3ec: {  	v6 =	vld [tilespmem:s30+$0xFFFFFF80];
	_ =	sdelay $0x3  }
0x3ed: {  	v7 =	vunpack.i.u.bf16.f32 v5;
	v5 =	vunpack.i.l.bf16.f32 v5  }
0x3ee: {  	v8 =	vunpack.i.u.bf16.f32 v6;
	v5 =	vmul.f32 v5, v2;
	v7 =	vmul.f32 v7, v1  }
0x3ef: {  	v6 =	vunpack.i.l.bf16.f32 v6  }
0x3f0: {  	s6 =	sadd.s32 $0xFFFFFFFC, s5;
	v6 =	vmul.f32 v6, v3;
	v5 =	vadd.f32 v5, v7  }
0x3f1: {  	v7 =	vadd.s32 s6, v0  }
0x3f2: {  	v5 =	vadd.f32 v6, v5;
	v6 =	vmul.f32 v8, v4;
	_ =	sdelay $0x1  }
0x3f3: {  	v5 =	vadd.f32 v5, v6;
	_ =	sdelay $0x1  }
0x3f4: {  	[tilespmem:v7+s25+$0x0] =	vst.idx.msk $0xffff, v5  }
0x3f5: {  	v5 =	vld [tilespmem:s30+$0xFFFFFF90]  }
0x3f6: {  	v6 =	vld [tilespmem:s30+$0xFFFFFFA0];
	_ =	sdelay $0x3  }
0x3f7: {  	v7 =	vunpack.i.u.bf16.f32 v5;
	v5 =	vunpack.i.l.bf16.f32 v5  }
0x3f8: {  	v8 =	vunpack.i.l.bf16.f32 v6;
	v5 =	vmul.f32 v5, v2;
	v7 =	vmul.f32 v7, v1  }
0x3f9: {  	v6 =	vunpack.i.u.bf16.f32 v6  }
0x3fa: {  	s6 =	sadd.s32 $0xFFFFFFFD, s5;
	v5 =	vadd.f32 v5, v7;
	v7 =	vmul.f32 v8, v3  }
0x3fb: {  	v8 =	vadd.s32 s6, v0  }
0x3fc: {  	v6 =	vmul.f32 v6, v4;
	v5 =	vadd.f32 v7, v5;
	_ =	sdelay $0x1  }
0x3fd: {  	v5 =	vadd.f32 v5, v6;
	_ =	sdelay $0x1  }
0x3fe: {  	[tilespmem:v8+s25+$0x0] =	vst.idx.msk $0xffff, v5  }
0x3ff: {  	v5 =	vld [tilespmem:s30+$0xFFFFFFB0]  }
0x400: {  	v6 =	vld [tilespmem:s30+$0xFFFFFFC0];
	_ =	sdelay $0x3  }
0x401: {  	v7 =	vunpack.i.u.bf16.f32 v5;
	v5 =	vunpack.i.l.bf16.f32 v5  }
0x402: {  	v8 =	vunpack.i.l.bf16.f32 v6;
	v5 =	vmul.f32 v5, v2;
	v7 =	vmul.f32 v7, v1;
	_ =	sdelay $0x1  }
0x403: {  	s6 =	sadd.s32 $0xFFFFFFFE, s5;
	v5 =	vadd.f32 v5, v7;
	v7 =	vmul.f32 v8, v3  }
0x404: {  	v6 =	vunpack.i.u.bf16.f32 v6;
	v8 =	vadd.s32 s6, v0  }
0x405: {  	v6 =	vmul.f32 v6, v4;
	v5 =	vadd.f32 v7, v5;
	_ =	sdelay $0x1  }
0x406: {  	v5 =	vadd.f32 v5, v6;
	_ =	sdelay $0x1  }
0x407: {  	[tilespmem:v8+s25+$0x0] =	vst.idx.msk $0xffff, v5  }
0x408: {  	v5 =	vld [tilespmem:s30+$0xFFFFFFD0]  }
0x409: {  	v6 =	vld [tilespmem:s30+$0xFFFFFFE0];
	_ =	sdelay $0x3  }
0x40a: {  	v7 =	vunpack.i.u.bf16.f32 v5;
	v5 =	vunpack.i.l.bf16.f32 v5  }
0x40b: {  	v8 =	vunpack.i.l.bf16.f32 v6;
	v5 =	vmul.f32 v5, v2;
	v7 =	vmul.f32 v7, v1  }
0x40c: {  	v6 =	vunpack.i.u.bf16.f32 v6  }
0x40d: {  	s6 =	sadd.s32 $0xFFFFFFFF, s5;
	v6 =	vmul.f32 v6, v4;
	v5 =	vadd.f32 v5, v7;
	v7 =	vmul.f32 v8, v3  }
0x40e: {  	v8 =	vadd.s32 s6, v0  }
0x40f: {  	v5 =	vadd.f32 v7, v5;
	_ =	sdelay $0x1  }
0x410: {  	v5 =	vadd.f32 v5, v6;
	_ =	sdelay $0x1  }
0x411: {  	[tilespmem:v8+s25+$0x0] =	vst.idx.msk $0xffff, v5  }
0x412: {  	v5 =	vld [tilespmem:s30+$0xFFFFFFF0]  }
0x413: {  	v6 =	vld [tilespmem:s30+$0x0];
	_ =	sdelay $0x3  }
0x414: {  	v7 =	vunpack.i.u.bf16.f32 v5;
	v5 =	vunpack.i.l.bf16.f32 v5  }
0x415: {  	v8 =	vunpack.i.l.bf16.f32 v6;
	v2 =	vmul.f32 v5, v2;
	v1 =	vmul.f32 v7, v1  }
0x416: {  	v5 =	vunpack.i.u.bf16.f32 v6  }
.Ltmp2:
0x417: {  	v3 =	vmul.f32 v8, v3;
	v4 =	vmul.f32 v5, v4;
	v2 =	vadd.f32 v2, v1;
	(pc) =	sbr.rel @p0 .LBB2_7-.Ltmp2, $3  }
0x418: {  	v1 =	vadd.s32 s5, v0  }
0x419: {  	v2 =	vadd.f32 v3, v2;
	_ =	sdelay $0x1  }
0x41a: {  	v2 =	vadd.f32 v2, v4  }
0x41b: {  	_ =	sdelay $0x3  }
0x41c: {  	s5 =	simm.s32 $0x0;
	[tilespmem:v1+s25+$0x0] =	vst.idx.msk $0xffff, v2  }
0x41d: {  	s11 =	simm.s32 $0x40;
	v1 =	vmov s1;
	v2 =	vld [tilespmem:s5+$0xAF50]  }
.LBB2_9:
0x41e: {  	p0 =	sne.s32 s11, $0x500;
	v3 =	vld [tilespmem:s5+$0xAE00];
	_ =	sdelay $0x1  }
0x41f: {  	v4 =	vld [tilespmem:s5+$0xB0A0];
	_ =	sdelay $0x1  }
0x420: {  	v5 =	vld [tilespmem:s5+$0xB1F0]  }
0x421: {  	v2 =	vadd.f32 v2, v3  }
0x422: {  	v3 =	vld [tilespmem:s5+$0xB340]  }
0x423: {  	v2 =	vadd.f32 v4, v2  }
0x424: {  	v4 =	vld [tilespmem:s5+$0xB490]  }
0x425: {  	v2 =	vadd.f32 v5, v2  }
0x426: {  	v5 =	vld [tilespmem:s5+$0xB5E0]  }
0x427: {  	v2 =	vadd.f32 v3, v2  }
0x428: {  	v3 =	vld [tilespmem:s5+$0xB730]  }
0x429: {  	v2 =	vadd.f32 v4, v2  }
0x42a: {  	v4 =	vld [tilespmem:s5+$0xB880]  }
0x42b: {  	v2 =	vadd.f32 v5, v2  }
0x42c: {  	v5 =	vld [tilespmem:s5+$0xB9D0]  }
0x42d: {  	v2 =	vadd.f32 v3, v2  }
0x42e: {  	v3 =	vld [tilespmem:s5+$0xBB20]  }
0x42f: {  	v2 =	vadd.f32 v4, v2  }
0x430: {  	v4 =	vld [tilespmem:s5+$0xBC70]  }
0x431: {  	v2 =	vadd.f32 v5, v2  }
0x432: {  	v5 =	vld [tilespmem:s5+$0xBDC0]  }
0x433: {  	v2 =	vadd.f32 v3, v2  }
0x434: {  	v3 =	vld [tilespmem:s5+$0xBF10]  }
0x435: {  	v2 =	vadd.f32 v4, v2  }
0x436: {  	v4 =	vld [tilespmem:s5+$0xC060]  }
0x437: {  	v2 =	vadd.f32 v5, v2  }
0x438: {  	v5 =	vld [tilespmem:s5+$0xC1B0]  }
0x439: {  	v2 =	vadd.f32 v3, v2;
	_ =	sdelay $0x1  }
0x43a: {  	v2 =	vadd.f32 v4, v2  }
.Ltmp3:
0x43b: {  	(pc) =	sbr.rel @p0 .LBB2_9-.Ltmp3, $3  }
0x43c: {  	v2 =	vadd.f32 v5, v2;
	_ =	sdelay $0x1  }
0x43d: {  	[tilespmem:v1+s5+$0x0 ss:$0x1] =	vst.idx.msk $0xffff, v2;
	s5 =	sshra.s32 s11, $0x2  }
0x43e: {  	s11 =	sadd.s32 $0x40, s11;
	v2 =	vld [tilespmem:s5+$0xAF50]  }
0x43f: {  	v3 =	vld [tilespmem:s5+$0xAE00];
	_ =	sdelay $0x1  }
0x440: {  	v4 =	vld [tilespmem:s5+$0xB0A0];
	_ =	sdelay $0x1  }
0x441: {  	v5 =	vld [tilespmem:s5+$0xB1F0]  }
0x442: {  	v2 =	vadd.f32 v2, v3  }
0x443: {  	v3 =	vld [tilespmem:s5+$0xB340]  }
0x444: {  	v2 =	vadd.f32 v4, v2  }
0x445: {  	v56 =	vld [tilespmem:s5+$0xB490]  }
0x446: {  	v2 =	vadd.f32 v5, v2  }
0x447: {  	v57 =	vld [tilespmem:s5+$0xB5E0]  }
0x448: {  	v2 =	vadd.f32 v3, v2  }
0x449: {  	v3 =	vld [tilespmem:s5+$0xB730]  }
0x44a: {  	v2 =	vadd.f32 v56, v2  }
0x44b: {  	v58 =	vld [tilespmem:s5+$0xB880]  }
0x44c: {  	v2 =	vadd.f32 v57, v2  }
0x44d: {  	v59 =	vld [tilespmem:s5+$0xB9D0]  }
0x44e: {  	v2 =	vadd.f32 v3, v2  }
0x44f: {  	v3 =	vld [tilespmem:s5+$0xBB20]  }
0x450: {  	v2 =	vadd.f32 v58, v2  }
0x451: {  	v60 =	vld [tilespmem:s5+$0xBC70]  }
0x452: {  	v2 =	vadd.f32 v59, v2  }
0x453: {  	v61 =	vld [tilespmem:s5+$0xBDC0]  }
0x454: {  	v2 =	vadd.f32 v3, v2  }
0x455: {  	v3 =	vld [tilespmem:s5+$0xBF10]  }
0x456: {  	v2 =	vadd.f32 v60, v2  }
0x457: {  	v62 =	vld [tilespmem:s5+$0xC060]  }
0x458: {  	v2 =	vadd.f32 v61, v2  }
0x459: {  	v63 =	vld [tilespmem:s5+$0xC1B0]  }
0x45a: {  	s14 =	sadd.s32 $0x1, s14;
	v2 =	vadd.f32 v3, v2  }
0x45b: {  	p0 =	sne.s32 s14, $0x10  }
.Ltmp4:
0x45c: {  	v2 =	vadd.f32 v62, v2;
	(pc) =	sbr.rel @p0 .LBB2_2-.Ltmp4, $3  }
0x45d: {  	_ = 	snop  }
0x45e: {  	v2 =	vadd.f32 v63, v2;
	_ =	sdelay $0x1  }
0x45f: {  	s0 =	sadd.s32 $0x2A0, s0;
	s1 =	sadd.s32 $0x2A0, s1;
	[tilespmem:v1+s5+$0x0 ss:$0x1] =	vst.idx.msk $0xffff, v2  }
0x460: {  	s31 =	sadd.s32 $0x1, s31  }
0x461: {  	p0 =	sne.s32 s31, s9  }
.Ltmp5:
0x462: {  	s0 =	simm.s32 $0xC300;
	(pc) =	sbr.rel @p0 .LBB2_1-.Ltmp5, $4  }
0x463: {  	[hbm4b:s8+s2] =	stream.linear.scatter [tilespmem:s0], [sflag:$0x7], $0x2A00, $0x38;
	[tilespmem:$0xED00] =	vst v63  }
0x464: {  	_ =	swait.ge [sflag:s10], $0x2A00  }
0x465: {  	[sflag:s10] =	ssyncset.done $0x0  }
0x466: {  	[sflag:s10] =	ssyncadd.s32 $0xFFFFD600  }
0x467: {  	_ =	sfence.sel $0x180000  }
0x468: {  	[bflag:$0x0] =	sbarrier.arrive $0xFFFF  }
0x469: {  	_ =	strace $0x90000047  }
0x46a: {  	s0 =	stileid.u32;
	[bflag:$0x2] =	sbarrier.arrive $0xFFFF  }
0x46b: {  	p0 =	sne.s32 s0, $0x0;
	s0 =	rddreg [dreg:$0x2]  }
0x46c: {  	s0 =	sadd.s32 @!p0 $0x100000, s0  }
0x46d: {  	[sflag:s0] =	ssyncadd.tile.s32 @!p0 $0x1;
	_ =	shalt  }
.Lfunc_end2:
_tile_overlayer_lowered:
.L_overlay_start_2:
0x46e: {  	(tag) =	ssettag $0x2  }
0x46f: {  	s0 =	rddreg [dreg:$0x0];
	s2 =	stileid.u32  }
0x470: {  	s1 =	rddreg [dreg:$0x1];
	p0 =	sne.s32 s2, $0x0  }
0x471: {  	s3 =	rddreg [dreg:$0x2];
	[bflag:$0x3] =	sbarrier.arrive $0xFFFF;
	s2 =	simm.s32 @!p0 $0x1C07  }
0x472: {  	[timem:s3], [sflag:s2] =	dma.local @!p0 [hbm:s0], s1  }
0x473: {  	s0 =	simm.s32 @!p0 $0x7  }
0x474: {  	_ =	swait.ge @!p0 [sflag:s0], s1  }
0x475: {  	s1 =	ssub.s32 @!p0 $0x0, s1;
	[sflag:s0] =	ssyncset.done @!p0 $0x0  }
0x476: {  	[sflag:s0] =	ssyncadd.s32 @!p0 s1  }
0x477: {  	[bflag:$0x3] =	sbarrier.arrive $0xFFFF  }
0x478: {  	_ =	shalt  }

</sc_bundles>
